<compile_context>
chip_gen: v7x
topology: tpu7x:2x2x1
jax: 0.10.2.dev20260603
libtpu: 0.0.44.dev20260713+nightly
codegen_flags: <defaults>
</compile_context>

<pallas_src>
import functools

import jax
import jax.numpy as jnp
from jax import lax
from jax.experimental import pallas as pl
from jax.experimental.pallas import tpu as pltpu
from jax.experimental.pallas import tpu_sc as plsc

N = 10000
E = 320000
D = 128
K = 128
NW = 32
ECHUNKS = 80
EPT = ECHUNKS * K
EPAD = NW * EPT
EROWS = E // K
TRASH = N
ACC_ROWS = 10112
SROWS = ACC_ROWS // 16
RB = 2000
GRID = N // RB

_mesh = plsc.VectorSubcoreMesh(core_axis_name="c", subcore_axis_name="s")


@functools.partial(
    pl.kernel,
    out_type=jax.ShapeDtypeStruct((2 * NW * N,), jnp.float32),
    mesh=_mesh,
    scratch_types=[
        pltpu.VMEM((ECHUNKS, 2, K), jnp.int32),
        pltpu.VMEM((N,), jnp.float32),
        pltpu.VMEM((N,), jnp.float32),
    ],
    compiler_params=pltpu.CompilerParams(needs_layout_passes=False),
)
def _deg_kernel(edge_hbm, out_hbm, idx_v, dsrc_v, ddst_v):
    w = lax.axis_index("c") * 16 + lax.axis_index("s")
    pltpu.sync_copy(edge_hbm.at[pl.ds(w * ECHUNKS, ECHUNKS)], idx_v)

    zero16 = jnp.zeros((16,), jnp.float32)

    def zbody(i, _):
        dsrc_v[pl.ds(i * 16, 16)] = zero16
        ddst_v[pl.ds(i * 16, 16)] = zero16
        return 0

    lax.fori_loop(0, N // 16, zbody, 0)

    ones16 = jnp.ones((16,), jnp.float32)

    def body(k, _):
        @pl.when(w * ECHUNKS + k < EROWS)
        def _():
            for j in range(K // 16):
                s_idx = idx_v[k, 0, pl.ds(j * 16, 16)]
                d_idx = idx_v[k, 1, pl.ds(j * 16, 16)]
                plsc.addupdate_scatter(dsrc_v, [s_idx], ones16)
                plsc.addupdate_scatter(ddst_v, [d_idx], ones16)
        return 0

    lax.fori_loop(0, ECHUNKS, body, 0)

    pltpu.sync_copy(dsrc_v, out_hbm.at[pl.ds(w * N, N)])
    pltpu.sync_copy(ddst_v, out_hbm.at[pl.ds((NW + w) * N, N)])


@functools.partial(
    pl.kernel,
    out_type=jax.ShapeDtypeStruct((2, ACC_ROWS, D), jnp.float32),
    mesh=_mesh,
    scratch_types=[
        pltpu.VMEM((3, 2, K), jnp.int32),
        pltpu.VMEM((K, D), jnp.float32),
        pltpu.VMEM((K, D), jnp.float32),
        pltpu.VMEM((K, D), jnp.float32),
        pltpu.VMEM_SHARED((ACC_ROWS, D), jnp.float32),
        pltpu.SemaphoreType.DMA,
        pltpu.SemaphoreType.DMA,
        pltpu.SemaphoreType.DMA,
        pltpu.SemaphoreType.DMA,
        pltpu.SemaphoreType.DMA,
        pltpu.SemaphoreType.DMA,
    ],
    compiler_params=pltpu.CompilerParams(needs_layout_passes=False),
)
def _agg_kernel(h_hbm, edge_hbm, out_hbm, idx_v, row0_v, row1_v, row2_v,
                acc_sh, g0, g1, g2, s0, s1, s2):
    c = lax.axis_index("c")
    s = lax.axis_index("s")
    w = c * 16 + s
    ebase = w * ECHUNKS

    rows = (row0_v, row1_v, row2_v)
    gsem = (g0, g1, g2)
    ssem = (s0, s1, s2)

    def load_idx(q, b):
        pltpu.sync_copy(edge_hbm.at[ebase + q], idx_v.at[b])

    def start_gather(b):
        pltpu.async_copy(h_hbm.at[idx_v.at[b, 0]], rows[b], gsem[b])

    def wait_gather(b):
        pltpu.make_async_copy(h_hbm.at[idx_v.at[b, 0]], rows[b],
                              gsem[b]).wait()

    def start_scatter(b):
        pltpu.async_copy(rows[b], acc_sh.at[idx_v.at[b, 1]], ssem[b],
                         add=True)

    def wait_scatter(b):
        pltpu.make_async_copy(rows[b], acc_sh.at[idx_v.at[b, 1]],
                              ssem[b]).wait()

    load_idx(0, 0)
    start_gather(0)
    load_idx(1, 1)
    start_gather(1)

    zero16 = jnp.zeros((16,), jnp.float32)

    def zbody(i, _):
        for j in range(D // 16):
            row2_v[i, pl.ds(j * 16, 16)] = zero16
        return 0

    lax.fori_loop(0, K, zbody, 0)
    zbase = s * SROWS
    for t in range(SROWS // K):
        pltpu.sync_copy(row2_v, acc_sh.at[pl.ds(zbase + t * K, K)])
    pltpu.sync_copy(row2_v.at[pl.ds(0, SROWS % K)],
                    acc_sh.at[pl.ds(zbase + (SROWS // K) * K, SROWS % K)])
    plsc.subcore_barrier()

    def step(q, b, b2, first, last):
        wait_gather(b)
        start_scatter(b)
        if not last:
            if not first:
                wait_scatter(b2)
            load_idx(q + 2, b2)
            start_gather(b2)

    step(0, 0, 2, True, False)
    step(1, 1, 0, False, False)

    def body(m, _):
        q = 3 * m + 2
        step(q, 2, 1, False, False)
        step(q + 1, 0, 2, False, False)
        step(q + 2, 1, 0, False, False)
        return 0

    lax.fori_loop(0, 25, body, 0)
    step(77, 2, 1, False, False)
    step(78, 0, 2, False, True)
    step(79, 1, 0, False, True)
    wait_scatter(2)
    wait_scatter(0)
    wait_scatter(1)

    plsc.subcore_barrier()
    pltpu.sync_copy(acc_sh.at[pl.ds(s * SROWS, SROWS)],
                    out_hbm.at[c, pl.ds(s * SROWS, SROWS)])


def _rsq(deg_block):
    d = jnp.sum(deg_block, axis=1, keepdims=True)
    return lax.rsqrt(jnp.clip(d, 1.0, None))


def _mm(x, w_ref, b_ref):
    return lax.dot_general(
        x, w_ref[...], (((1,), (1,)), ((), ())),
        preferred_element_type=jnp.float32,
        precision=lax.Precision.DEFAULT,
    ) + b_ref[0:1, :]


def _tc_first_body(x_ref, w_ref, b_ref, degt_ref, o_ref):
    srs = _rsq(degt_ref[0])
    o_ref[...] = _mm(x_ref[...], w_ref, b_ref) * srs


def _tc_mid_body(agg_ref, degt_ref, x_ref, w_ref, b_ref, o_ref):
    irs = _rsq(degt_ref[1])
    srs = _rsq(degt_ref[0])
    p = agg_ref[0] + agg_ref[1]
    x1 = jnp.maximum(p * irs + x_ref[...], 0.0)
    o_ref[...] = _mm(x1, w_ref, b_ref) * srs


def _tc_final_body(agg_ref, degt_ref, o_ref):
    irs = _rsq(degt_ref[1])
    o_ref[...] = (agg_ref[0] + agg_ref[1]) * irs


_row_spec = pl.BlockSpec((RB, D), lambda i: (i, 0))
_w_spec = pl.BlockSpec((D, D), lambda i: (0, 0))
_b_spec = pl.BlockSpec((1, D), lambda i: (0, 0))
_degt_spec = pl.BlockSpec((2, RB, NW), lambda i: (0, i, 0))
_agg_spec = pl.BlockSpec((2, RB, D), lambda i: (0, i, 0))
_out_sds = jax.ShapeDtypeStruct((N, D), jnp.float32)

_tc_first = pl.pallas_call(
    _tc_first_body,
    grid=(GRID,),
    in_specs=[_row_spec, _w_spec, _b_spec, _degt_spec],
    out_specs=_row_spec,
    out_shape=_out_sds,
)

_tc_mid = pl.pallas_call(
    _tc_mid_body,
    grid=(GRID,),
    in_specs=[_agg_spec, _degt_spec, _row_spec, _w_spec, _b_spec],
    out_specs=_row_spec,
    out_shape=_out_sds,
)

_tc_final = pl.pallas_call(
    _tc_final_body,
    grid=(GRID,),
    in_specs=[_agg_spec, _degt_spec],
    out_specs=_row_spec,
    out_shape=_out_sds,
)


@jax.jit
def kernel(inputs, edge_index, W0, b0, W1, b1):
    npe = EPAD - E
    i = jnp.arange(npe, dtype=jnp.int32)
    pad_src = (i % N).reshape(-1, K)
    pad_dst = (TRASH + (i % (ACC_ROWS - N))).reshape(-1, K)
    er = jnp.transpose(edge_index.reshape(2, EROWS, K), (1, 0, 2))
    pad = jnp.stack([pad_src, pad_dst], axis=1)
    edges = jnp.concatenate([er, pad], axis=0)

    deg_part = _deg_kernel(edges).reshape(2, NW, N)
    degt = jnp.transpose(deg_part, (0, 2, 1))
    b0r = b0.reshape(1, D)
    b1r = b1.reshape(1, D)

    hn0 = _tc_first(inputs, W0, b0r, degt)
    agg0 = _agg_kernel(hn0, edges)
    hn1 = _tc_mid(agg0, degt, inputs, W1, b1r)
    agg1 = _agg_kernel(hn1, edges)
    return _tc_final(agg1, degt)

# --- scband reference (transcript-rebuilt; emitter-appended) ---
"""Pipeline reference for scband-gcn-38001870635091 (READ-ONLY COPY).

The authoritative reference and input builder live on the scoring server;
editing this copy changes nothing except your own understanding.
"""

import jax, jax.numpy as jnp
import numpy as np

N = 10000
E = 320000
D = 128


def setup_inputs(seed: int = 0) -> dict:
    key = jax.random.key(seed)
    k1, k2, k3, k4, k5, k6 = jax.random.split(key, 6)
    inputs = jax.random.normal(k1, (N, D), dtype=jnp.float32)
    edge_index = jax.random.randint(k2, (2, E), 0, N, dtype=jnp.int32)
    W0 = jax.random.normal(k3, (D, D), dtype=jnp.float32) * 0.05
    b0 = jnp.zeros((D,), dtype=jnp.float32)
    W1 = jax.random.normal(k4, (D, D), dtype=jnp.float32) * 0.05
    b1 = jnp.zeros((D,), dtype=jnp.float32)
    return {"inputs": inputs, "edge_index": edge_index, "W0": W0, "b0": b0, "W1": W1, "b1": b1}


def _graph_conv(x, W, b, src, dst, n, residual, act):
    # fc first (new forward path in GraphConv)
    h = x @ W.T + b
    # out-degree normalization on source features
    out_deg = jnp.clip(jnp.bincount(src, length=n).astype(jnp.float32), 1.0, None)
    h = h * (out_deg ** -0.5)[:, None]
    # copy_u + sum aggregation: gather from src, scatter-add to dst
    agg = jax.ops.segment_sum(h[src], dst, num_segments=n)
    # in-degree normalization on destination
    in_deg = jnp.clip(jnp.bincount(dst, length=n).astype(jnp.float32), 1.0, None)
    rst = agg * (in_deg ** -0.5)[:, None]
    if residual:
        rst = rst + x  # res_fc is Identity since in_dim == out_dim
    if act:
        rst = jax.nn.relu(rst)
    return rst


def reference(inputs, edge_index, W0, b0, W1, b1):
    src = edge_index[0]
    dst = edge_index[1]
    n = inputs.shape[0]
    # layer 0: residual=True, activation=relu, dropout p=0 (no-op)
    h = _graph_conv(inputs, W0, b0, src, dst, n, True, True)
    # layer 1 (last, encoding=False): residual=False, no activation
    h = _graph_conv(h, W1, b1, src, dst, n, False, False)
    # head = Identity
    return h

if __name__ == "__main__":
    import jax
    _d = setup_inputs()
    print(jax.jit(kernel)(*tuple(_d.values())))

</pallas_src>

<mosaic_0001>
#map = affine_map<(d0, d1) -> (0, 0)>
#map1 = affine_map<(d0, d1) -> (0, 0, 0)>
module attributes {stable_mosaic.version = 14 : i64} {
  func.func @_agg_kernel(%arg0: i32, %arg1: i32, %arg2: memref<10000x128xf32, #tpu.memory_space<hbm>>, %arg3: memref<2560x2x128xi32, #tpu.memory_space<hbm>>, %arg4: memref<2x10112x128xf32, #tpu.memory_space<hbm>>, %arg5: memref<3x2x128xi32, #tpu.memory_space<vmem>>, %arg6: memref<128x128xf32, #tpu.memory_space<vmem>>, %arg7: memref<128x128xf32, #tpu.memory_space<vmem>>, %arg8: memref<128x128xf32, #tpu.memory_space<vmem>>, %arg9: memref<10112x128xf32, #tpu.memory_space<vmem_shared>>, %arg10: memref<!tpu.dma_semaphore, #tpu.memory_space<semaphore_mem>>, %arg11: memref<!tpu.dma_semaphore, #tpu.memory_space<semaphore_mem>>, %arg12: memref<!tpu.dma_semaphore, #tpu.memory_space<semaphore_mem>>, %arg13: memref<!tpu.dma_semaphore, #tpu.memory_space<semaphore_mem>>, %arg14: memref<!tpu.dma_semaphore, #tpu.memory_space<semaphore_mem>>, %arg15: memref<!tpu.dma_semaphore, #tpu.memory_space<semaphore_mem>>) attributes {dimension_semantics = [#tpu.dimension_semantics<core_parallel>, #tpu.dimension_semantics<subcore_parallel>], iteration_bounds = array<i64: 2, 16>, scalar_prefetch = 0 : i64, scratch_operands = 11 : i64, tpu.core_type = #tpu.core_type<sc_vector_subcore>, window_params = [{transform_indices = #map}, {transform_indices = #map1}, {transform_indices = #map1}]} {
    %mul3A = arith.constant 16 : i32
    %mul3A_0 = arith.muli %arg0, %mul3A : i32
    %add3A = arith.addi %mul3A_0, %arg1 : i32
    %mul3A_1 = arith.constant 80 : i32
    %mul3A_2 = arith.muli %add3A, %mul3A_1 : i32
    %add3A_3 = arith.constant 0 : i32
    %add3A_4 = arith.addi %mul3A_2, %add3A_3 : i32
    %run_scoped3A = arith.constant 0 : i32
    "tpu.region"() ({
      %run_scoped3A_206 = tpu.sem_alloc : memref<!tpu.dma_semaphore, #tpu.memory_space<semaphore_mem>>
      %dma_start3A_207 = arith.constant 0 : i32
      %dma_start3A_208 = arith.constant 0 : i32
      %dma_start3A_209 = tpu.memref_slice %arg5[%run_scoped3A, %dma_start3A_207, %dma_start3A_208] : memref<3x2x128xi32, #tpu.memory_space<vmem>> -> memref<1x2x128xi32, #tpu.memory_space<vmem>>
      %dma_start3A_210 = tpu.memref_squeeze %dma_start3A_209 : memref<1x2x128xi32, #tpu.memory_space<vmem>> -> memref<2x128xi32, #tpu.memory_space<vmem>>
      %dma_start3A_211 = arith.constant 0 : i32
      %dma_start3A_212 = arith.constant 0 : i32
      %dma_start3A_213 = tpu.memref_slice %arg3[%add3A_4, %dma_start3A_211, %dma_start3A_212] : memref<2560x2x128xi32, #tpu.memory_space<hbm>> -> memref<1x2x128xi32, #tpu.memory_space<hbm>>
      %dma_start3A_214 = tpu.memref_squeeze %dma_start3A_213 : memref<1x2x128xi32, #tpu.memory_space<hbm>> -> memref<2x128xi32, #tpu.memory_space<hbm>>
      %dma_start3A_215 = arith.constant 0 : i32
      %dma_start3A_216 = arith.constant 0 : i32
      %dma_start3A_217 = tpu.memref_slice %arg5[%run_scoped3A, %dma_start3A_215, %dma_start3A_216] : memref<3x2x128xi32, #tpu.memory_space<vmem>> -> memref<1x2x128xi32, #tpu.memory_space<vmem>>
      %dma_start3A_218 = tpu.memref_squeeze %dma_start3A_217 : memref<1x2x128xi32, #tpu.memory_space<vmem>> -> memref<2x128xi32, #tpu.memory_space<vmem>>
      %dma_start3A_219 = arith.constant 0 : i32
      %dma_start3A_220 = arith.constant 0 : i32
      %dma_start3A_221 = tpu.memref_slice %arg3[%add3A_4, %dma_start3A_219, %dma_start3A_220] : memref<2560x2x128xi32, #tpu.memory_space<hbm>> -> memref<1x2x128xi32, #tpu.memory_space<hbm>>
      %dma_start3A_222 = tpu.memref_squeeze %dma_start3A_221 : memref<1x2x128xi32, #tpu.memory_space<hbm>> -> memref<2x128xi32, #tpu.memory_space<hbm>>
      tpu.enqueue_dma source(%dma_start3A_222 : memref<2x128xi32, #tpu.memory_space<hbm>>) target(%dma_start3A_218 : memref<2x128xi32, #tpu.memory_space<vmem>>) target_semaphore(%run_scoped3A_206 : memref<!tpu.dma_semaphore, #tpu.memory_space<semaphore_mem>>)
      %dma_wait3A_223 = arith.constant 0 : i32
      %dma_wait3A_224 = arith.constant 0 : i32
      %dma_wait3A_225 = tpu.memref_slice %arg5[%run_scoped3A, %dma_wait3A_223, %dma_wait3A_224] : memref<3x2x128xi32, #tpu.memory_space<vmem>> -> memref<1x2x128xi32, #tpu.memory_space<vmem>>
      %dma_wait3A_226 = tpu.memref_squeeze %dma_wait3A_225 : memref<1x2x128xi32, #tpu.memory_space<vmem>> -> memref<2x128xi32, #tpu.memory_space<vmem>>
      %dma_wait3A_227 = arith.constant 0 : i32
      %dma_wait3A_228 = arith.constant 0 : i32
      %dma_wait3A_229 = tpu.memref_slice %arg3[%add3A_4, %dma_wait3A_227, %dma_wait3A_228] : memref<2560x2x128xi32, #tpu.memory_space<hbm>> -> memref<1x2x128xi32, #tpu.memory_space<hbm>>
      %dma_wait3A_230 = tpu.memref_squeeze %dma_wait3A_229 : memref<1x2x128xi32, #tpu.memory_space<hbm>> -> memref<2x128xi32, #tpu.memory_space<hbm>>
      %dma_wait3A_231 = arith.constant 0 : i32
      %dma_wait3A_232 = arith.constant 0 : i32
      %dma_wait3A_233 = tpu.memref_slice %arg5[%run_scoped3A, %dma_wait3A_231, %dma_wait3A_232] : memref<3x2x128xi32, #tpu.memory_space<vmem>> -> memref<1x2x128xi32, #tpu.memory_space<vmem>>
      %dma_wait3A_234 = tpu.memref_squeeze %dma_wait3A_233 : memref<1x2x128xi32, #tpu.memory_space<vmem>> -> memref<2x128xi32, #tpu.memory_space<vmem>>
      %dma_wait3A_235 = arith.constant 0 : i32
      %dma_wait3A_236 = arith.constant 0 : i32
      %dma_wait3A_237 = tpu.memref_slice %arg3[%add3A_4, %dma_wait3A_235, %dma_wait3A_236] : memref<2560x2x128xi32, #tpu.memory_space<hbm>> -> memref<1x2x128xi32, #tpu.memory_space<hbm>>
      %dma_wait3A_238 = tpu.memref_squeeze %dma_wait3A_237 : memref<1x2x128xi32, #tpu.memory_space<hbm>> -> memref<2x128xi32, #tpu.memory_space<hbm>>
      tpu.wait_dma2 semaphore(%run_scoped3A_206 : memref<!tpu.dma_semaphore, #tpu.memory_space<semaphore_mem>>) src(%dma_wait3A_238 : memref<2x128xi32, #tpu.memory_space<hbm>>) dst(%dma_wait3A_234 : memref<2x128xi32, #tpu.memory_space<vmem>>)
      tpu.yield
    }) : () -> ()
    %dma_start3A = arith.constant 0 : i32
    %dma_start3A_5 = arith.constant 0 : i32
    %dma_start3A_6 = arith.constant 0 : i32
    %dma_start3A_7 = tpu.memref_slice %arg5[%dma_start3A, %dma_start3A_5, %dma_start3A_6] : memref<3x2x128xi32, #tpu.memory_space<vmem>> -> memref<1x1x128xi32, #tpu.memory_space<vmem>>
    %dma_start3A_8 = tpu.memref_squeeze %dma_start3A_7 : memref<1x1x128xi32, #tpu.memory_space<vmem>> -> memref<128xi32, #tpu.memory_space<vmem>>
    %dma_start3A_9 = arith.constant 0 : i32
    %dma_start3A_10 = arith.constant 0 : i32
    %dma_start3A_11 = tpu.memref_slice %arg2[%dma_start3A_9, %dma_start3A_10] : memref<10000x128xf32, #tpu.memory_space<hbm>> -> memref<10000x128xf32, #tpu.memory_space<hbm>>
    tpu.enqueue_indirect_dma source(%dma_start3A_11 : memref<10000x128xf32, #tpu.memory_space<hbm>>) target(%arg6 : memref<128x128xf32, #tpu.memory_space<vmem>>) offsets(%dma_start3A_8 : memref<128xi32, #tpu.memory_space<vmem>>) semaphore(%arg10 : memref<!tpu.dma_semaphore, #tpu.memory_space<semaphore_mem>>)
    %add3A_12 = arith.constant 1 : i32
    %add3A_13 = arith.addi %mul3A_2, %add3A_12 : i32
    %run_scoped3A_14 = arith.constant 1 : i32
    "tpu.region"() ({
      %run_scoped3A_206 = tpu.sem_alloc : memref<!tpu.dma_semaphore, #tpu.memory_space<semaphore_mem>>
      %dma_start3A_207 = arith.constant 0 : i32
      %dma_start3A_208 = arith.constant 0 : i32
      %dma_start3A_209 = tpu.memref_slice %arg5[%run_scoped3A_14, %dma_start3A_207, %dma_start3A_208] : memref<3x2x128xi32, #tpu.memory_space<vmem>> -> memref<1x2x128xi32, #tpu.memory_space<vmem>>
      %dma_start3A_210 = tpu.memref_squeeze %dma_start3A_209 : memref<1x2x128xi32, #tpu.memory_space<vmem>> -> memref<2x128xi32, #tpu.memory_space<vmem>>
      %dma_start3A_211 = arith.constant 0 : i32
      %dma_start3A_212 = arith.constant 0 : i32
      %dma_start3A_213 = tpu.memref_slice %arg3[%add3A_13, %dma_start3A_211, %dma_start3A_212] : memref<2560x2x128xi32, #tpu.memory_space<hbm>> -> memref<1x2x128xi32, #tpu.memory_space<hbm>>
      %dma_start3A_214 = tpu.memref_squeeze %dma_start3A_213 : memref<1x2x128xi32, #tpu.memory_space<hbm>> -> memref<2x128xi32, #tpu.memory_space<hbm>>
      %dma_start3A_215 = arith.constant 0 : i32
      %dma_start3A_216 = arith.constant 0 : i32
      %dma_start3A_217 = tpu.memref_slice %arg5[%run_scoped3A_14, %dma_start3A_215, %dma_start3A_216] : memref<3x2x128xi32, #tpu.memory_space<vmem>> -> memref<1x2x128xi32, #tpu.memory_space<vmem>>
      %dma_start3A_218 = tpu.memref_squeeze %dma_start3A_217 : memref<1x2x128xi32, #tpu.memory_space<vmem>> -> memref<2x128xi32, #tpu.memory_space<vmem>>
      %dma_start3A_219 = arith.constant 0 : i32
      %dma_start3A_220 = arith.constant 0 : i32
      %dma_start3A_221 = tpu.memref_slice %arg3[%add3A_13, %dma_start3A_219, %dma_start3A_220] : memref<2560x2x128xi32, #tpu.memory_space<hbm>> -> memref<1x2x128xi32, #tpu.memory_space<hbm>>
      %dma_start3A_222 = tpu.memref_squeeze %dma_start3A_221 : memref<1x2x128xi32, #tpu.memory_space<hbm>> -> memref<2x128xi32, #tpu.memory_space<hbm>>
      tpu.enqueue_dma source(%dma_start3A_222 : memref<2x128xi32, #tpu.memory_space<hbm>>) target(%dma_start3A_218 : memref<2x128xi32, #tpu.memory_space<vmem>>) target_semaphore(%run_scoped3A_206 : memref<!tpu.dma_semaphore, #tpu.memory_space<semaphore_mem>>)
      %dma_wait3A_223 = arith.constant 0 : i32
      %dma_wait3A_224 = arith.constant 0 : i32
      %dma_wait3A_225 = tpu.memref_slice %arg5[%run_scoped3A_14, %dma_wait3A_223, %dma_wait3A_224] : memref<3x2x128xi32, #tpu.memory_space<vmem>> -> memref<1x2x128xi32, #tpu.memory_space<vmem>>
      %dma_wait3A_226 = tpu.memref_squeeze %dma_wait3A_225 : memref<1x2x128xi32, #tpu.memory_space<vmem>> -> memref<2x128xi32, #tpu.memory_space<vmem>>
      %dma_wait3A_227 = arith.constant 0 : i32
      %dma_wait3A_228 = arith.constant 0 : i32
      %dma_wait3A_229 = tpu.memref_slice %arg3[%add3A_13, %dma_wait3A_227, %dma_wait3A_228] : memref<2560x2x128xi32, #tpu.memory_space<hbm>> -> memref<1x2x128xi32, #tpu.memory_space<hbm>>
      %dma_wait3A_230 = tpu.memref_squeeze %dma_wait3A_229 : memref<1x2x128xi32, #tpu.memory_space<hbm>> -> memref<2x128xi32, #tpu.memory_space<hbm>>
      %dma_wait3A_231 = arith.constant 0 : i32
      %dma_wait3A_232 = arith.constant 0 : i32
      %dma_wait3A_233 = tpu.memref_slice %arg5[%run_scoped3A_14, %dma_wait3A_231, %dma_wait3A_232] : memref<3x2x128xi32, #tpu.memory_space<vmem>> -> memref<1x2x128xi32, #tpu.memory_space<vmem>>
      %dma_wait3A_234 = tpu.memref_squeeze %dma_wait3A_233 : memref<1x2x128xi32, #tpu.memory_space<vmem>> -> memref<2x128xi32, #tpu.memory_space<vmem>>
      %dma_wait3A_235 = arith.constant 0 : i32
      %dma_wait3A_236 = arith.constant 0 : i32
      %dma_wait3A_237 = tpu.memref_slice %arg3[%add3A_13, %dma_wait3A_235, %dma_wait3A_236] : memref<2560x2x128xi32, #tpu.memory_space<hbm>> -> memref<1x2x128xi32, #tpu.memory_space<hbm>>
      %dma_wait3A_238 = tpu.memref_squeeze %dma_wait3A_237 : memref<1x2x128xi32, #tpu.memory_space<hbm>> -> memref<2x128xi32, #tpu.memory_space<hbm>>
      tpu.wait_dma2 semaphore(%run_scoped3A_206 : memref<!tpu.dma_semaphore, #tpu.memory_space<semaphore_mem>>) src(%dma_wait3A_238 : memref<2x128xi32, #tpu.memory_space<hbm>>) dst(%dma_wait3A_234 : memref<2x128xi32, #tpu.memory_space<vmem>>)
      tpu.yield
    }) : () -> ()
    %dma_start3A_15 = arith.constant 1 : i32
    %dma_start3A_16 = arith.constant 0 : i32
    %dma_start3A_17 = arith.constant 0 : i32
    %dma_start3A_18 = tpu.memref_slice %arg5[%dma_start3A_15, %dma_start3A_16, %dma_start3A_17] : memref<3x2x128xi32, #tpu.memory_space<vmem>> -> memref<1x1x128xi32, #tpu.memory_space<vmem>>
    %dma_start3A_19 = tpu.memref_squeeze %dma_start3A_18 : memref<1x1x128xi32, #tpu.memory_space<vmem>> -> memref<128xi32, #tpu.memory_space<vmem>>
    %dma_start3A_20 = arith.constant 0 : i32
    %dma_start3A_21 = arith.constant 0 : i32
    %dma_start3A_22 = tpu.memref_slice %arg2[%dma_start3A_20, %dma_start3A_21] : memref<10000x128xf32, #tpu.memory_space<hbm>> -> memref<10000x128xf32, #tpu.memory_space<hbm>>
    tpu.enqueue_indirect_dma source(%dma_start3A_22 : memref<10000x128xf32, #tpu.memory_space<hbm>>) target(%arg7 : memref<128x128xf32, #tpu.memory_space<vmem>>) offsets(%dma_start3A_19 : memref<128xi32, #tpu.memory_space<vmem>>) semaphore(%arg11 : memref<!tpu.dma_semaphore, #tpu.memory_space<semaphore_mem>>)
    %broadcast_in_dim3A = arith.constant 0.000000e+00 : f32
    %broadcast_in_dim3A_23 = vector.broadcast %broadcast_in_dim3A : f32 to vector<16xf32>
    %scan3A = arith.constant 0 : i32
    %scan3A_24 = arith.constant 0 : i32
    %scan3A_25 = arith.constant 128 : i32
    %scan3A_26 = arith.addi %scan3A_24, %scan3A_25 : i32
    %scan3A_27 = arith.constant 1 : i32
    %scan3A_28 = scf.for %scan3A_206 = %scan3A_24 to %scan3A_26 step %scan3A_27 iter_args(%scan3A_207 = %scan3A) -> (i32)  : i32 {
      %swap3A = arith.index_cast %scan3A_206 : i32 to index
      %swap3A_208 = arith.constant 0 : index
      %swap3A_209 = tpu.vector_load %arg8[%swap3A, %swap3A_208] {strides = array<i32>} : memref<128x128xf32, #tpu.memory_space<vmem>>, vector<16xf32>,
      tpu.vector_store %arg8[%swap3A, %swap3A_208], %broadcast_in_dim3A_23 {strides = array<i32>} : memref<128x128xf32, #tpu.memory_space<vmem>>, vector<16xf32>,
      %swap3A_210 = arith.index_cast %scan3A_206 : i32 to index
      %swap3A_211 = arith.constant 16 : index
      %swap3A_212 = tpu.vector_load %arg8[%swap3A_210, %swap3A_211] {strides = array<i32>} : memref<128x128xf32, #tpu.memory_space<vmem>>, vector<16xf32>,
      tpu.vector_store %arg8[%swap3A_210, %swap3A_211], %broadcast_in_dim3A_23 {strides = array<i32>} : memref<128x128xf32, #tpu.memory_space<vmem>>, vector<16xf32>,
      %swap3A_213 = arith.index_cast %scan3A_206 : i32 to index
      %swap3A_214 = arith.constant 32 : index
      %swap3A_215 = tpu.vector_load %arg8[%swap3A_213, %swap3A_214] {strides = array<i32>} : memref<128x128xf32, #tpu.memory_space<vmem>>, vector<16xf32>,
      tpu.vector_store %arg8[%swap3A_213, %swap3A_214], %broadcast_in_dim3A_23 {strides = array<i32>} : memref<128x128xf32, #tpu.memory_space<vmem>>, vector<16xf32>,
      %swap3A_216 = arith.index_cast %scan3A_206 : i32 to index
      %swap3A_217 = arith.constant 48 : index
      %swap3A_218 = tpu.vector_load %arg8[%swap3A_216, %swap3A_217] {strides = array<i32>} : memref<128x128xf32, #tpu.memory_space<vmem>>, vector<16xf32>,
      tpu.vector_store %arg8[%swap3A_216, %swap3A_217], %broadcast_in_dim3A_23 {strides = array<i32>} : memref<128x128xf32, #tpu.memory_space<vmem>>, vector<16xf32>,
      %swap3A_219 = arith.index_cast %scan3A_206 : i32 to index
      %swap3A_220 = arith.constant 64 : index
      %swap3A_221 = tpu.vector_load %arg8[%swap3A_219, %swap3A_220] {strides = array<i32>} : memref<128x128xf32, #tpu.memory_space<vmem>>, vector<16xf32>,
      tpu.vector_store %arg8[%swap3A_219, %swap3A_220], %broadcast_in_dim3A_23 {strides = array<i32>} : memref<128x128xf32, #tpu.memory_space<vmem>>, vector<16xf32>,
      %swap3A_222 = arith.index_cast %scan3A_206 : i32 to index
      %swap3A_223 = arith.constant 80 : index
      %swap3A_224 = tpu.vector_load %arg8[%swap3A_222, %swap3A_223] {strides = array<i32>} : memref<128x128xf32, #tpu.memory_space<vmem>>, vector<16xf32>,
      tpu.vector_store %arg8[%swap3A_222, %swap3A_223], %broadcast_in_dim3A_23 {strides = array<i32>} : memref<128x128xf32, #tpu.memory_space<vmem>>, vector<16xf32>,
      %swap3A_225 = arith.index_cast %scan3A_206 : i32 to index
      %swap3A_226 = arith.constant 96 : index
      %swap3A_227 = tpu.vector_load %arg8[%swap3A_225, %swap3A_226] {strides = array<i32>} : memref<128x128xf32, #tpu.memory_space<vmem>>, vector<16xf32>,
      tpu.vector_store %arg8[%swap3A_225, %swap3A_226], %broadcast_in_dim3A_23 {strides = array<i32>} : memref<128x128xf32, #tpu.memory_space<vmem>>, vector<16xf32>,
      %swap3A_228 = arith.index_cast %scan3A_206 : i32 to index
      %swap3A_229 = arith.constant 112 : index
      %swap3A_230 = tpu.vector_load %arg8[%swap3A_228, %swap3A_229] {strides = array<i32>} : memref<128x128xf32, #tpu.memory_space<vmem>>, vector<16xf32>,
      tpu.vector_store %arg8[%swap3A_228, %swap3A_229], %broadcast_in_dim3A_23 {strides = array<i32>} : memref<128x128xf32, #tpu.memory_space<vmem>>, vector<16xf32>,
      %scan3A_231 = arith.constant 0 : i32
      scf.yield %scan3A_231 : i32
    }
    %scan3A_29 = arith.constant 128 : i32
    %mul3A_30 = arith.constant 632 : i32
    %mul3A_31 = arith.muli %arg1, %mul3A_30 : i32
    %add3A_32 = arith.constant 0 : i32
    %add3A_33 = arith.addi %mul3A_31, %add3A_32 : i32
    "tpu.region"() ({
      %run_scoped3A_206 = tpu.sem_alloc : memref<!tpu.dma_semaphore, #tpu.memory_space<semaphore_mem>>
      %dma_start3A_207 = arith.constant 0 : i32
      %dma_start3A_208 = tpu.memref_slice %arg9[%add3A_33, %dma_start3A_207] : memref<10112x128xf32, #tpu.memory_space<vmem_shared>> -> memref<128x128xf32, #tpu.memory_space<vmem_shared>>
      %dma_start3A_209 = arith.constant 0 : i32
      %dma_start3A_210 = tpu.memref_slice %arg9[%add3A_33, %dma_start3A_209] : memref<10112x128xf32, #tpu.memory_space<vmem_shared>> -> memref<128x128xf32, #tpu.memory_space<vmem_shared>>
      tpu.enqueue_dma source(%arg8 : memref<128x128xf32, #tpu.memory_space<vmem>>) target(%dma_start3A_210 : memref<128x128xf32, #tpu.memory_space<vmem_shared>>) target_semaphore(%run_scoped3A_206 : memref<!tpu.dma_semaphore, #tpu.memory_space<semaphore_mem>>)
      %dma_wait3A_211 = arith.constant 0 : i32
      %dma_wait3A_212 = tpu.memref_slice %arg9[%add3A_33, %dma_wait3A_211] : memref<10112x128xf32, #tpu.memory_space<vmem_shared>> -> memref<128x128xf32, #tpu.memory_space<vmem_shared>>
      %dma_wait3A_213 = arith.constant 0 : i32
      %dma_wait3A_214 = tpu.memref_slice %arg9[%add3A_33, %dma_wait3A_213] : memref<10112x128xf32, #tpu.memory_space<vmem_shared>> -> memref<128x128xf32, #tpu.memory_space<vmem_shared>>
      tpu.wait_dma2 semaphore(%run_scoped3A_206 : memref<!tpu.dma_semaphore, #tpu.memory_space<semaphore_mem>>) src(%arg8 : memref<128x128xf32, #tpu.memory_space<vmem>>) dst(%dma_wait3A_214 : memref<128x128xf32, #tpu.memory_space<vmem_shared>>)
      tpu.yield
    }) : () -> ()
    %add3A_34 = arith.constant 128 : i32
    %add3A_35 = arith.addi %mul3A_31, %add3A_34 : i32
    "tpu.region"() ({
      %run_scoped3A_206 = tpu.sem_alloc : memref<!tpu.dma_semaphore, #tpu.memory_space<semaphore_mem>>
      %dma_start3A_207 = arith.constant 0 : i32
      %dma_start3A_208 = tpu.memref_slice %arg9[%add3A_35, %dma_start3A_207] : memref<10112x128xf32, #tpu.memory_space<vmem_shared>> -> memref<128x128xf32, #tpu.memory_space<vmem_shared>>
      %dma_start3A_209 = arith.constant 0 : i32
      %dma_start3A_210 = tpu.memref_slice %arg9[%add3A_35, %dma_start3A_209] : memref<10112x128xf32, #tpu.memory_space<vmem_shared>> -> memref<128x128xf32, #tpu.memory_space<vmem_shared>>
      tpu.enqueue_dma source(%arg8 : memref<128x128xf32, #tpu.memory_space<vmem>>) target(%dma_start3A_210 : memref<128x128xf32, #tpu.memory_space<vmem_shared>>) target_semaphore(%run_scoped3A_206 : memref<!tpu.dma_semaphore, #tpu.memory_space<semaphore_mem>>)
      %dma_wait3A_211 = arith.constant 0 : i32
      %dma_wait3A_212 = tpu.memref_slice %arg9[%add3A_35, %dma_wait3A_211] : memref<10112x128xf32, #tpu.memory_space<vmem_shared>> -> memref<128x128xf32, #tpu.memory_space<vmem_shared>>
      %dma_wait3A_213 = arith.constant 0 : i32
      %dma_wait3A_214 = tpu.memref_slice %arg9[%add3A_35, %dma_wait3A_213] : memref<10112x128xf32, #tpu.memory_space<vmem_shared>> -> memref<128x128xf32, #tpu.memory_space<vmem_shared>>
      tpu.wait_dma2 semaphore(%run_scoped3A_206 : memref<!tpu.dma_semaphore, #tpu.memory_space<semaphore_mem>>) src(%arg8 : memref<128x128xf32, #tpu.memory_space<vmem>>) dst(%dma_wait3A_214 : memref<128x128xf32, #tpu.memory_space<vmem_shared>>)
      tpu.yield
    }) : () -> ()
    %add3A_36 = arith.constant 256 : i32
    %add3A_37 = arith.addi %mul3A_31, %add3A_36 : i32
    "tpu.region"() ({
      %run_scoped3A_206 = tpu.sem_alloc : memref<!tpu.dma_semaphore, #tpu.memory_space<semaphore_mem>>
      %dma_start3A_207 = arith.constant 0 : i32
      %dma_start3A_208 = tpu.memref_slice %arg9[%add3A_37, %dma_start3A_207] : memref<10112x128xf32, #tpu.memory_space<vmem_shared>> -> memref<128x128xf32, #tpu.memory_space<vmem_shared>>
      %dma_start3A_209 = arith.constant 0 : i32
      %dma_start3A_210 = tpu.memref_slice %arg9[%add3A_37, %dma_start3A_209] : memref<10112x128xf32, #tpu.memory_space<vmem_shared>> -> memref<128x128xf32, #tpu.memory_space<vmem_shared>>
      tpu.enqueue_dma source(%arg8 : memref<128x128xf32, #tpu.memory_space<vmem>>) target(%dma_start3A_210 : memref<128x128xf32, #tpu.memory_space<vmem_shared>>) target_semaphore(%run_scoped3A_206 : memref<!tpu.dma_semaphore, #tpu.memory_space<semaphore_mem>>)
      %dma_wait3A_211 = arith.constant 0 : i32
      %dma_wait3A_212 = tpu.memref_slice %arg9[%add3A_37, %dma_wait3A_211] : memref<10112x128xf32, #tpu.memory_space<vmem_shared>> -> memref<128x128xf32, #tpu.memory_space<vmem_shared>>
      %dma_wait3A_213 = arith.constant 0 : i32
      %dma_wait3A_214 = tpu.memref_slice %arg9[%add3A_37, %dma_wait3A_213] : memref<10112x128xf32, #tpu.memory_space<vmem_shared>> -> memref<128x128xf32, #tpu.memory_space<vmem_shared>>
      tpu.wait_dma2 semaphore(%run_scoped3A_206 : memref<!tpu.dma_semaphore, #tpu.memory_space<semaphore_mem>>) src(%arg8 : memref<128x128xf32, #tpu.memory_space<vmem>>) dst(%dma_wait3A_214 : memref<128x128xf32, #tpu.memory_space<vmem_shared>>)
      tpu.yield
    }) : () -> ()
    %add3A_38 = arith.constant 384 : i32
    %add3A_39 = arith.addi %mul3A_31, %add3A_38 : i32
    "tpu.region"() ({
      %run_scoped3A_206 = tpu.sem_alloc : memref<!tpu.dma_semaphore, #tpu.memory_space<semaphore_mem>>
      %dma_start3A_207 = arith.constant 0 : i32
      %dma_start3A_208 = tpu.memref_slice %arg9[%add3A_39, %dma_start3A_207] : memref<10112x128xf32, #tpu.memory_space<vmem_shared>> -> memref<128x128xf32, #tpu.memory_space<vmem_shared>>
      %dma_start3A_209 = arith.constant 0 : i32
      %dma_start3A_210 = tpu.memref_slice %arg9[%add3A_39, %dma_start3A_209] : memref<10112x128xf32, #tpu.memory_space<vmem_shared>> -> memref<128x128xf32, #tpu.memory_space<vmem_shared>>
      tpu.enqueue_dma source(%arg8 : memref<128x128xf32, #tpu.memory_space<vmem>>) target(%dma_start3A_210 : memref<128x128xf32, #tpu.memory_space<vmem_shared>>) target_semaphore(%run_scoped3A_206 : memref<!tpu.dma_semaphore, #tpu.memory_space<semaphore_mem>>)
      %dma_wait3A_211 = arith.constant 0 : i32
      %dma_wait3A_212 = tpu.memref_slice %arg9[%add3A_39, %dma_wait3A_211] : memref<10112x128xf32, #tpu.memory_space<vmem_shared>> -> memref<128x128xf32, #tpu.memory_space<vmem_shared>>
      %dma_wait3A_213 = arith.constant 0 : i32
      %dma_wait3A_214 = tpu.memref_slice %arg9[%add3A_39, %dma_wait3A_213] : memref<10112x128xf32, #tpu.memory_space<vmem_shared>> -> memref<128x128xf32, #tpu.memory_space<vmem_shared>>
      tpu.wait_dma2 semaphore(%run_scoped3A_206 : memref<!tpu.dma_semaphore, #tpu.memory_space<semaphore_mem>>) src(%arg8 : memref<128x128xf32, #tpu.memory_space<vmem>>) dst(%dma_wait3A_214 : memref<128x128xf32, #tpu.memory_space<vmem_shared>>)
      tpu.yield
    }) : () -> ()
    %add3A_40 = arith.constant 512 : i32
    %add3A_41 = arith.addi %mul3A_31, %add3A_40 : i32
    "tpu.region"() ({
      %run_scoped3A_206 = tpu.sem_alloc : memref<!tpu.dma_semaphore, #tpu.memory_space<semaphore_mem>>
      %dma_start3A_207 = arith.constant 0 : i32
      %dma_start3A_208 = arith.constant 0 : i32
      %dma_start3A_209 = tpu.memref_slice %arg8[%dma_start3A_207, %dma_start3A_208] : memref<128x128xf32, #tpu.memory_space<vmem>> -> memref<120x128xf32, #tpu.memory_space<vmem>>
      %dma_start3A_210 = arith.constant 0 : i32
      %dma_start3A_211 = tpu.memref_slice %arg9[%add3A_41, %dma_start3A_210] : memref<10112x128xf32, #tpu.memory_space<vmem_shared>> -> memref<120x128xf32, #tpu.memory_space<vmem_shared>>
      %dma_start3A_212 = arith.constant 0 : i32
      %dma_start3A_213 = tpu.memref_slice %arg9[%add3A_41, %dma_start3A_212] : memref<10112x128xf32, #tpu.memory_space<vmem_shared>> -> memref<120x128xf32, #tpu.memory_space<vmem_shared>>
      %dma_start3A_214 = arith.constant 0 : i32
      %dma_start3A_215 = arith.constant 0 : i32
      %dma_start3A_216 = tpu.memref_slice %arg8[%dma_start3A_214, %dma_start3A_215] : memref<128x128xf32, #tpu.memory_space<vmem>> -> memref<120x128xf32, #tpu.memory_space<vmem>>
      tpu.enqueue_dma source(%dma_start3A_216 : memref<120x128xf32, #tpu.memory_space<vmem>>) target(%dma_start3A_213 : memref<120x128xf32, #tpu.memory_space<vmem_shared>>) target_semaphore(%run_scoped3A_206 : memref<!tpu.dma_semaphore, #tpu.memory_space<semaphore_mem>>)
      %dma_wait3A_217 = arith.constant 0 : i32
      %dma_wait3A_218 = arith.constant 0 : i32
      %dma_wait3A_219 = tpu.memref_slice %arg8[%dma_wait3A_217, %dma_wait3A_218] : memref<128x128xf32, #tpu.memory_space<vmem>> -> memref<120x128xf32, #tpu.memory_space<vmem>>
      %dma_wait3A_220 = arith.constant 0 : i32
      %dma_wait3A_221 = tpu.memref_slice %arg9[%add3A_41, %dma_wait3A_220] : memref<10112x128xf32, #tpu.memory_space<vmem_shared>> -> memref<120x128xf32, #tpu.memory_space<vmem_shared>>
      %dma_wait3A_222 = arith.constant 0 : i32
      %dma_wait3A_223 = tpu.memref_slice %arg9[%add3A_41, %dma_wait3A_222] : memref<10112x128xf32, #tpu.memory_space<vmem_shared>> -> memref<120x128xf32, #tpu.memory_space<vmem_shared>>
      %dma_wait3A_224 = arith.constant 0 : i32
      %dma_wait3A_225 = arith.constant 0 : i32
      %dma_wait3A_226 = tpu.memref_slice %arg8[%dma_wait3A_224, %dma_wait3A_225] : memref<128x128xf32, #tpu.memory_space<vmem>> -> memref<120x128xf32, #tpu.memory_space<vmem>>
      tpu.wait_dma2 semaphore(%run_scoped3A_206 : memref<!tpu.dma_semaphore, #tpu.memory_space<semaphore_mem>>) src(%dma_wait3A_226 : memref<120x128xf32, #tpu.memory_space<vmem>>) dst(%dma_wait3A_223 : memref<120x128xf32, #tpu.memory_space<vmem_shared>>)
      tpu.yield
    }) : () -> ()
    %barrier3A = arith.constant 0 : index
    tpu.barrier barrier_id(%barrier3A)
    %dma_wait3A = arith.constant 0 : i32
    %dma_wait3A_42 = arith.constant 0 : i32
    %dma_wait3A_43 = arith.constant 0 : i32
    %dma_wait3A_44 = tpu.memref_slice %arg5[%dma_wait3A, %dma_wait3A_42, %dma_wait3A_43] : memref<3x2x128xi32, #tpu.memory_space<vmem>> -> memref<1x1x128xi32, #tpu.memory_space<vmem>>
    %dma_wait3A_45 = tpu.memref_squeeze %dma_wait3A_44 : memref<1x1x128xi32, #tpu.memory_space<vmem>> -> memref<128xi32, #tpu.memory_space<vmem>>
    %dma_wait3A_46 = arith.constant 0 : i32
    %dma_wait3A_47 = arith.constant 0 : i32
    %dma_wait3A_48 = tpu.memref_slice %arg2[%dma_wait3A_46, %dma_wait3A_47] : memref<10000x128xf32, #tpu.memory_space<hbm>> -> memref<10000x128xf32, #tpu.memory_space<hbm>>
    tpu.wait_indirect_dma semaphore(%arg10 : memref<!tpu.dma_semaphore, #tpu.memory_space<semaphore_mem>>) src(%dma_wait3A_48 : memref<10000x128xf32, #tpu.memory_space<hbm>>) dst(%arg6 : memref<128x128xf32, #tpu.memory_space<vmem>>)
    %dma_start3A_49 = arith.constant 0 : i32
    %dma_start3A_50 = arith.constant 1 : i32
    %dma_start3A_51 = arith.constant 0 : i32
    %dma_start3A_52 = tpu.memref_slice %arg5[%dma_start3A_49, %dma_start3A_50, %dma_start3A_51] : memref<3x2x128xi32, #tpu.memory_space<vmem>> -> memref<1x1x128xi32, #tpu.memory_space<vmem>>
    %dma_start3A_53 = tpu.memref_squeeze %dma_start3A_52 : memref<1x1x128xi32, #tpu.memory_space<vmem>> -> memref<128xi32, #tpu.memory_space<vmem>>
    %dma_start3A_54 = arith.constant 0 : i32
    %dma_start3A_55 = arith.constant 0 : i32
    %dma_start3A_56 = tpu.memref_slice %arg9[%dma_start3A_54, %dma_start3A_55] : memref<10112x128xf32, #tpu.memory_space<vmem_shared>> -> memref<10112x128xf32, #tpu.memory_space<vmem_shared>>
    tpu.enqueue_indirect_dma source(%arg6 : memref<128x128xf32, #tpu.memory_space<vmem>>) target(%dma_start3A_56 : memref<10112x128xf32, #tpu.memory_space<vmem_shared>>) offsets(%dma_start3A_53 : memref<128xi32, #tpu.memory_space<vmem>>) semaphore(%arg13 : memref<!tpu.dma_semaphore, #tpu.memory_space<semaphore_mem>>) {add = true}
    %add3A_57 = arith.constant 2 : i32
    %add3A_58 = arith.addi %mul3A_2, %add3A_57 : i32
    %run_scoped3A_59 = arith.constant 2 : i32
    "tpu.region"() ({
      %run_scoped3A_206 = tpu.sem_alloc : memref<!tpu.dma_semaphore, #tpu.memory_space<semaphore_mem>>
      %dma_start3A_207 = arith.constant 0 : i32
      %dma_start3A_208 = arith.constant 0 : i32
      %dma_start3A_209 = tpu.memref_slice %arg5[%run_scoped3A_59, %dma_start3A_207, %dma_start3A_208] : memref<3x2x128xi32, #tpu.memory_space<vmem>> -> memref<1x2x128xi32, #tpu.memory_space<vmem>>
      %dma_start3A_210 = tpu.memref_squeeze %dma_start3A_209 : memref<1x2x128xi32, #tpu.memory_space<vmem>> -> memref<2x128xi32, #tpu.memory_space<vmem>>
      %dma_start3A_211 = arith.constant 0 : i32
      %dma_start3A_212 = arith.constant 0 : i32
      %dma_start3A_213 = tpu.memref_slice %arg3[%add3A_58, %dma_start3A_211, %dma_start3A_212] : memref<2560x2x128xi32, #tpu.memory_space<hbm>> -> memref<1x2x128xi32, #tpu.memory_space<hbm>>
      %dma_start3A_214 = tpu.memref_squeeze %dma_start3A_213 : memref<1x2x128xi32, #tpu.memory_space<hbm>> -> memref<2x128xi32, #tpu.memory_space<hbm>>
      %dma_start3A_215 = arith.constant 0 : i32
      %dma_start3A_216 = arith.constant 0 : i32
      %dma_start3A_217 = tpu.memref_slice %arg5[%run_scoped3A_59, %dma_start3A_215, %dma_start3A_216] : memref<3x2x128xi32, #tpu.memory_space<vmem>> -> memref<1x2x128xi32, #tpu.memory_space<vmem>>
      %dma_start3A_218 = tpu.memref_squeeze %dma_start3A_217 : memref<1x2x128xi32, #tpu.memory_space<vmem>> -> memref<2x128xi32, #tpu.memory_space<vmem>>
      %dma_start3A_219 = arith.constant 0 : i32
      %dma_start3A_220 = arith.constant 0 : i32
      %dma_start3A_221 = tpu.memref_slice %arg3[%add3A_58, %dma_start3A_219, %dma_start3A_220] : memref<2560x2x128xi32, #tpu.memory_space<hbm>> -> memref<1x2x128xi32, #tpu.memory_space<hbm>>
      %dma_start3A_222 = tpu.memref_squeeze %dma_start3A_221 : memref<1x2x128xi32, #tpu.memory_space<hbm>> -> memref<2x128xi32, #tpu.memory_space<hbm>>
      tpu.enqueue_dma source(%dma_start3A_222 : memref<2x128xi32, #tpu.memory_space<hbm>>) target(%dma_start3A_218 : memref<2x128xi32, #tpu.memory_space<vmem>>) target_semaphore(%run_scoped3A_206 : memref<!tpu.dma_semaphore, #tpu.memory_space<semaphore_mem>>)
      %dma_wait3A_223 = arith.constant 0 : i32
      %dma_wait3A_224 = arith.constant 0 : i32
      %dma_wait3A_225 = tpu.memref_slice %arg5[%run_scoped3A_59, %dma_wait3A_223, %dma_wait3A_224] : memref<3x2x128xi32, #tpu.memory_space<vmem>> -> memref<1x2x128xi32, #tpu.memory_space<vmem>>
      %dma_wait3A_226 = tpu.memref_squeeze %dma_wait3A_225 : memref<1x2x128xi32, #tpu.memory_space<vmem>> -> memref<2x128xi32, #tpu.memory_space<vmem>>
      %dma_wait3A_227 = arith.constant 0 : i32
      %dma_wait3A_228 = arith.constant 0 : i32
      %dma_wait3A_229 = tpu.memref_slice %arg3[%add3A_58, %dma_wait3A_227, %dma_wait3A_228] : memref<2560x2x128xi32, #tpu.memory_space<hbm>> -> memref<1x2x128xi32, #tpu.memory_space<hbm>>
      %dma_wait3A_230 = tpu.memref_squeeze %dma_wait3A_229 : memref<1x2x128xi32, #tpu.memory_space<hbm>> -> memref<2x128xi32, #tpu.memory_space<hbm>>
      %dma_wait3A_231 = arith.constant 0 : i32
      %dma_wait3A_232 = arith.constant 0 : i32
      %dma_wait3A_233 = tpu.memref_slice %arg5[%run_scoped3A_59, %dma_wait3A_231, %dma_wait3A_232] : memref<3x2x128xi32, #tpu.memory_space<vmem>> -> memref<1x2x128xi32, #tpu.memory_space<vmem>>
      %dma_wait3A_234 = tpu.memref_squeeze %dma_wait3A_233 : memref<1x2x128xi32, #tpu.memory_space<vmem>> -> memref<2x128xi32, #tpu.memory_space<vmem>>
      %dma_wait3A_235 = arith.constant 0 : i32
      %dma_wait3A_236 = arith.constant 0 : i32
      %dma_wait3A_237 = tpu.memref_slice %arg3[%add3A_58, %dma_wait3A_235, %dma_wait3A_236] : memref<2560x2x128xi32, #tpu.memory_space<hbm>> -> memref<1x2x128xi32, #tpu.memory_space<hbm>>
      %dma_wait3A_238 = tpu.memref_squeeze %dma_wait3A_237 : memref<1x2x128xi32, #tpu.memory_space<hbm>> -> memref<2x128xi32, #tpu.memory_space<hbm>>
      tpu.wait_dma2 semaphore(%run_scoped3A_206 : memref<!tpu.dma_semaphore, #tpu.memory_space<semaphore_mem>>) src(%dma_wait3A_238 : memref<2x128xi32, #tpu.memory_space<hbm>>) dst(%dma_wait3A_234 : memref<2x128xi32, #tpu.memory_space<vmem>>)
      tpu.yield
    }) : () -> ()
    %dma_start3A_60 = arith.constant 2 : i32
    %dma_start3A_61 = arith.constant 0 : i32
    %dma_start3A_62 = arith.constant 0 : i32
    %dma_start3A_63 = tpu.memref_slice %arg5[%dma_start3A_60, %dma_start3A_61, %dma_start3A_62] : memref<3x2x128xi32, #tpu.memory_space<vmem>> -> memref<1x1x128xi32, #tpu.memory_space<vmem>>
    %dma_start3A_64 = tpu.memref_squeeze %dma_start3A_63 : memref<1x1x128xi32, #tpu.memory_space<vmem>> -> memref<128xi32, #tpu.memory_space<vmem>>
    %dma_start3A_65 = arith.constant 0 : i32
    %dma_start3A_66 = arith.constant 0 : i32
    %dma_start3A_67 = tpu.memref_slice %arg2[%dma_start3A_65, %dma_start3A_66] : memref<10000x128xf32, #tpu.memory_space<hbm>> -> memref<10000x128xf32, #tpu.memory_space<hbm>>
    tpu.enqueue_indirect_dma source(%dma_start3A_67 : memref<10000x128xf32, #tpu.memory_space<hbm>>) target(%arg8 : memref<128x128xf32, #tpu.memory_space<vmem>>) offsets(%dma_start3A_64 : memref<128xi32, #tpu.memory_space<vmem>>) semaphore(%arg12 : memref<!tpu.dma_semaphore, #tpu.memory_space<semaphore_mem>>)
    %dma_wait3A_68 = arith.constant 1 : i32
    %dma_wait3A_69 = arith.constant 0 : i32
    %dma_wait3A_70 = arith.constant 0 : i32
    %dma_wait3A_71 = tpu.memref_slice %arg5[%dma_wait3A_68, %dma_wait3A_69, %dma_wait3A_70] : memref<3x2x128xi32, #tpu.memory_space<vmem>> -> memref<1x1x128xi32, #tpu.memory_space<vmem>>
    %dma_wait3A_72 = tpu.memref_squeeze %dma_wait3A_71 : memref<1x1x128xi32, #tpu.memory_space<vmem>> -> memref<128xi32, #tpu.memory_space<vmem>>
    %dma_wait3A_73 = arith.constant 0 : i32
    %dma_wait3A_74 = arith.constant 0 : i32
    %dma_wait3A_75 = tpu.memref_slice %arg2[%dma_wait3A_73, %dma_wait3A_74] : memref<10000x128xf32, #tpu.memory_space<hbm>> -> memref<10000x128xf32, #tpu.memory_space<hbm>>
    tpu.wait_indirect_dma semaphore(%arg11 : memref<!tpu.dma_semaphore, #tpu.memory_space<semaphore_mem>>) src(%dma_wait3A_75 : memref<10000x128xf32, #tpu.memory_space<hbm>>) dst(%arg7 : memref<128x128xf32, #tpu.memory_space<vmem>>)
    %dma_start3A_76 = arith.constant 1 : i32
    %dma_start3A_77 = arith.constant 1 : i32
    %dma_start3A_78 = arith.constant 0 : i32
    %dma_start3A_79 = tpu.memref_slice %arg5[%dma_start3A_76, %dma_start3A_77, %dma_start3A_78] : memref<3x2x128xi32, #tpu.memory_space<vmem>> -> memref<1x1x128xi32, #tpu.memory_space<vmem>>
    %dma_start3A_80 = tpu.memref_squeeze %dma_start3A_79 : memref<1x1x128xi32, #tpu.memory_space<vmem>> -> memref<128xi32, #tpu.memory_space<vmem>>
    %dma_start3A_81 = arith.constant 0 : i32
    %dma_start3A_82 = arith.constant 0 : i32
    %dma_start3A_83 = tpu.memref_slice %arg9[%dma_start3A_81, %dma_start3A_82] : memref<10112x128xf32, #tpu.memory_space<vmem_shared>> -> memref<10112x128xf32, #tpu.memory_space<vmem_shared>>
    tpu.enqueue_indirect_dma source(%arg7 : memref<128x128xf32, #tpu.memory_space<vmem>>) target(%dma_start3A_83 : memref<10112x128xf32, #tpu.memory_space<vmem_shared>>) offsets(%dma_start3A_80 : memref<128xi32, #tpu.memory_space<vmem>>) semaphore(%arg14 : memref<!tpu.dma_semaphore, #tpu.memory_space<semaphore_mem>>) {add = true}
    %dma_wait3A_84 = arith.constant 0 : i32
    %dma_wait3A_85 = arith.constant 1 : i32
    %dma_wait3A_86 = arith.constant 0 : i32
    %dma_wait3A_87 = tpu.memref_slice %arg5[%dma_wait3A_84, %dma_wait3A_85, %dma_wait3A_86] : memref<3x2x128xi32, #tpu.memory_space<vmem>> -> memref<1x1x128xi32, #tpu.memory_space<vmem>>
    %dma_wait3A_88 = tpu.memref_squeeze %dma_wait3A_87 : memref<1x1x128xi32, #tpu.memory_space<vmem>> -> memref<128xi32, #tpu.memory_space<vmem>>
    %dma_wait3A_89 = arith.constant 0 : i32
    %dma_wait3A_90 = arith.constant 0 : i32
    %dma_wait3A_91 = tpu.memref_slice %arg9[%dma_wait3A_89, %dma_wait3A_90] : memref<10112x128xf32, #tpu.memory_space<vmem_shared>> -> memref<10112x128xf32, #tpu.memory_space<vmem_shared>>
    tpu.wait_indirect_dma semaphore(%arg13 : memref<!tpu.dma_semaphore, #tpu.memory_space<semaphore_mem>>) src(%arg6 : memref<128x128xf32, #tpu.memory_space<vmem>>) dst(%dma_wait3A_91 : memref<10112x128xf32, #tpu.memory_space<vmem_shared>>)
    %add3A_92 = arith.constant 3 : i32
    %add3A_93 = arith.addi %mul3A_2, %add3A_92 : i32
    %run_scoped3A_94 = arith.constant 0 : i32
    "tpu.region"() ({
      %run_scoped3A_206 = tpu.sem_alloc : memref<!tpu.dma_semaphore, #tpu.memory_space<semaphore_mem>>
      %dma_start3A_207 = arith.constant 0 : i32
      %dma_start3A_208 = arith.constant 0 : i32
      %dma_start3A_209 = tpu.memref_slice %arg5[%run_scoped3A_94, %dma_start3A_207, %dma_start3A_208] : memref<3x2x128xi32, #tpu.memory_space<vmem>> -> memref<1x2x128xi32, #tpu.memory_space<vmem>>
      %dma_start3A_210 = tpu.memref_squeeze %dma_start3A_209 : memref<1x2x128xi32, #tpu.memory_space<vmem>> -> memref<2x128xi32, #tpu.memory_space<vmem>>
      %dma_start3A_211 = arith.constant 0 : i32
      %dma_start3A_212 = arith.constant 0 : i32
      %dma_start3A_213 = tpu.memref_slice %arg3[%add3A_93, %dma_start3A_211, %dma_start3A_212] : memref<2560x2x128xi32, #tpu.memory_space<hbm>> -> memref<1x2x128xi32, #tpu.memory_space<hbm>>
      %dma_start3A_214 = tpu.memref_squeeze %dma_start3A_213 : memref<1x2x128xi32, #tpu.memory_space<hbm>> -> memref<2x128xi32, #tpu.memory_space<hbm>>
      %dma_start3A_215 = arith.constant 0 : i32
      %dma_start3A_216 = arith.constant 0 : i32
      %dma_start3A_217 = tpu.memref_slice %arg5[%run_scoped3A_94, %dma_start3A_215, %dma_start3A_216] : memref<3x2x128xi32, #tpu.memory_space<vmem>> -> memref<1x2x128xi32, #tpu.memory_space<vmem>>
      %dma_start3A_218 = tpu.memref_squeeze %dma_start3A_217 : memref<1x2x128xi32, #tpu.memory_space<vmem>> -> memref<2x128xi32, #tpu.memory_space<vmem>>
      %dma_start3A_219 = arith.constant 0 : i32
      %dma_start3A_220 = arith.constant 0 : i32
      %dma_start3A_221 = tpu.memref_slice %arg3[%add3A_93, %dma_start3A_219, %dma_start3A_220] : memref<2560x2x128xi32, #tpu.memory_space<hbm>> -> memref<1x2x128xi32, #tpu.memory_space<hbm>>
      %dma_start3A_222 = tpu.memref_squeeze %dma_start3A_221 : memref<1x2x128xi32, #tpu.memory_space<hbm>> -> memref<2x128xi32, #tpu.memory_space<hbm>>
      tpu.enqueue_dma source(%dma_start3A_222 : memref<2x128xi32, #tpu.memory_space<hbm>>) target(%dma_start3A_218 : memref<2x128xi32, #tpu.memory_space<vmem>>) target_semaphore(%run_scoped3A_206 : memref<!tpu.dma_semaphore, #tpu.memory_space<semaphore_mem>>)
      %dma_wait3A_223 = arith.constant 0 : i32
      %dma_wait3A_224 = arith.constant 0 : i32
      %dma_wait3A_225 = tpu.memref_slice %arg5[%run_scoped3A_94, %dma_wait3A_223, %dma_wait3A_224] : memref<3x2x128xi32, #tpu.memory_space<vmem>> -> memref<1x2x128xi32, #tpu.memory_space<vmem>>
      %dma_wait3A_226 = tpu.memref_squeeze %dma_wait3A_225 : memref<1x2x128xi32, #tpu.memory_space<vmem>> -> memref<2x128xi32, #tpu.memory_space<vmem>>
      %dma_wait3A_227 = arith.constant 0 : i32
      %dma_wait3A_228 = arith.constant 0 : i32
      %dma_wait3A_229 = tpu.memref_slice %arg3[%add3A_93, %dma_wait3A_227, %dma_wait3A_228] : memref<2560x2x128xi32, #tpu.memory_space<hbm>> -> memref<1x2x128xi32, #tpu.memory_space<hbm>>
      %dma_wait3A_230 = tpu.memref_squeeze %dma_wait3A_229 : memref<1x2x128xi32, #tpu.memory_space<hbm>> -> memref<2x128xi32, #tpu.memory_space<hbm>>
      %dma_wait3A_231 = arith.constant 0 : i32
      %dma_wait3A_232 = arith.constant 0 : i32
      %dma_wait3A_233 = tpu.memref_slice %arg5[%run_scoped3A_94, %dma_wait3A_231, %dma_wait3A_232] : memref<3x2x128xi32, #tpu.memory_space<vmem>> -> memref<1x2x128xi32, #tpu.memory_space<vmem>>
      %dma_wait3A_234 = tpu.memref_squeeze %dma_wait3A_233 : memref<1x2x128xi32, #tpu.memory_space<vmem>> -> memref<2x128xi32, #tpu.memory_space<vmem>>
      %dma_wait3A_235 = arith.constant 0 : i32
      %dma_wait3A_236 = arith.constant 0 : i32
      %dma_wait3A_237 = tpu.memref_slice %arg3[%add3A_93, %dma_wait3A_235, %dma_wait3A_236] : memref<2560x2x128xi32, #tpu.memory_space<hbm>> -> memref<1x2x128xi32, #tpu.memory_space<hbm>>
      %dma_wait3A_238 = tpu.memref_squeeze %dma_wait3A_237 : memref<1x2x128xi32, #tpu.memory_space<hbm>> -> memref<2x128xi32, #tpu.memory_space<hbm>>
      tpu.wait_dma2 semaphore(%run_scoped3A_206 : memref<!tpu.dma_semaphore, #tpu.memory_space<semaphore_mem>>) src(%dma_wait3A_238 : memref<2x128xi32, #tpu.memory_space<hbm>>) dst(%dma_wait3A_234 : memref<2x128xi32, #tpu.memory_space<vmem>>)
      tpu.yield
    }) : () -> ()
    %dma_start3A_95 = arith.constant 0 : i32
    %dma_start3A_96 = arith.constant 0 : i32
    %dma_start3A_97 = arith.constant 0 : i32
    %dma_start3A_98 = tpu.memref_slice %arg5[%dma_start3A_95, %dma_start3A_96, %dma_start3A_97] : memref<3x2x128xi32, #tpu.memory_space<vmem>> -> memref<1x1x128xi32, #tpu.memory_space<vmem>>
    %dma_start3A_99 = tpu.memref_squeeze %dma_start3A_98 : memref<1x1x128xi32, #tpu.memory_space<vmem>> -> memref<128xi32, #tpu.memory_space<vmem>>
    %dma_start3A_100 = arith.constant 0 : i32
    %dma_start3A_101 = arith.constant 0 : i32
    %dma_start3A_102 = tpu.memref_slice %arg2[%dma_start3A_100, %dma_start3A_101] : memref<10000x128xf32, #tpu.memory_space<hbm>> -> memref<10000x128xf32, #tpu.memory_space<hbm>>
    tpu.enqueue_indirect_dma source(%dma_start3A_102 : memref<10000x128xf32, #tpu.memory_space<hbm>>) target(%arg6 : memref<128x128xf32, #tpu.memory_space<vmem>>) offsets(%dma_start3A_99 : memref<128xi32, #tpu.memory_space<vmem>>) semaphore(%arg10 : memref<!tpu.dma_semaphore, #tpu.memory_space<semaphore_mem>>)
    %scan3A_103 = arith.constant 0 : i32
    %scan3A_104 = arith.constant 0 : i32
    %scan3A_105 = arith.constant 25 : i32
    %scan3A_106 = arith.addi %scan3A_104, %scan3A_105 : i32
    %scan3A_107 = arith.constant 1 : i32
    %scan3A_108 = scf.for %scan3A_206 = %scan3A_104 to %scan3A_106 step %scan3A_107 iter_args(%scan3A_207 = %scan3A_103) -> (i32)  : i32 {
      %mul3A_208 = arith.constant 3 : i32
      %mul3A_209 = arith.muli %mul3A_208, %scan3A_206 : i32
      %add3A_210 = arith.constant 2 : i32
      %add3A_211 = arith.addi %mul3A_209, %add3A_210 : i32
      %dma_wait3A_212 = arith.constant 2 : i32
      %dma_wait3A_213 = arith.constant 0 : i32
      %dma_wait3A_214 = arith.constant 0 : i32
      %dma_wait3A_215 = tpu.memref_slice %arg5[%dma_wait3A_212, %dma_wait3A_213, %dma_wait3A_214] : memref<3x2x128xi32, #tpu.memory_space<vmem>> -> memref<1x1x128xi32, #tpu.memory_space<vmem>>
      %dma_wait3A_216 = tpu.memref_squeeze %dma_wait3A_215 : memref<1x1x128xi32, #tpu.memory_space<vmem>> -> memref<128xi32, #tpu.memory_space<vmem>>
      %dma_wait3A_217 = arith.constant 0 : i32
      %dma_wait3A_218 = arith.constant 0 : i32
      %dma_wait3A_219 = tpu.memref_slice %arg2[%dma_wait3A_217, %dma_wait3A_218] : memref<10000x128xf32, #tpu.memory_space<hbm>> -> memref<10000x128xf32, #tpu.memory_space<hbm>>
      tpu.wait_indirect_dma semaphore(%arg12 : memref<!tpu.dma_semaphore, #tpu.memory_space<semaphore_mem>>) src(%dma_wait3A_219 : memref<10000x128xf32, #tpu.memory_space<hbm>>) dst(%arg8 : memref<128x128xf32, #tpu.memory_space<vmem>>)
      %dma_start3A_220 = arith.constant 2 : i32
      %dma_start3A_221 = arith.constant 1 : i32
      %dma_start3A_222 = arith.constant 0 : i32
      %dma_start3A_223 = tpu.memref_slice %arg5[%dma_start3A_220, %dma_start3A_221, %dma_start3A_222] : memref<3x2x128xi32, #tpu.memory_space<vmem>> -> memref<1x1x128xi32, #tpu.memory_space<vmem>>
      %dma_start3A_224 = tpu.memref_squeeze %dma_start3A_223 : memref<1x1x128xi32, #tpu.memory_space<vmem>> -> memref<128xi32, #tpu.memory_space<vmem>>
      %dma_start3A_225 = arith.constant 0 : i32
      %dma_start3A_226 = arith.constant 0 : i32
      %dma_start3A_227 = tpu.memref_slice %arg9[%dma_start3A_225, %dma_start3A_226] : memref<10112x128xf32, #tpu.memory_space<vmem_shared>> -> memref<10112x128xf32, #tpu.memory_space<vmem_shared>>
      tpu.enqueue_indirect_dma source(%arg8 : memref<128x128xf32, #tpu.memory_space<vmem>>) target(%dma_start3A_227 : memref<10112x128xf32, #tpu.memory_space<vmem_shared>>) offsets(%dma_start3A_224 : memref<128xi32, #tpu.memory_space<vmem>>) semaphore(%arg15 : memref<!tpu.dma_semaphore, #tpu.memory_space<semaphore_mem>>) {add = true}
      %dma_wait3A_228 = arith.constant 1 : i32
      %dma_wait3A_229 = arith.constant 1 : i32
      %dma_wait3A_230 = arith.constant 0 : i32
      %dma_wait3A_231 = tpu.memref_slice %arg5[%dma_wait3A_228, %dma_wait3A_229, %dma_wait3A_230] : memref<3x2x128xi32, #tpu.memory_space<vmem>> -> memref<1x1x128xi32, #tpu.memory_space<vmem>>
      %dma_wait3A_232 = tpu.memref_squeeze %dma_wait3A_231 : memref<1x1x128xi32, #tpu.memory_space<vmem>> -> memref<128xi32, #tpu.memory_space<vmem>>
      %dma_wait3A_233 = arith.constant 0 : i32
      %dma_wait3A_234 = arith.constant 0 : i32
      %dma_wait3A_235 = tpu.memref_slice %arg9[%dma_wait3A_233, %dma_wait3A_234] : memref<10112x128xf32, #tpu.memory_space<vmem_shared>> -> memref<10112x128xf32, #tpu.memory_space<vmem_shared>>
      tpu.wait_indirect_dma semaphore(%arg14 : memref<!tpu.dma_semaphore, #tpu.memory_space<semaphore_mem>>) src(%arg7 : memref<128x128xf32, #tpu.memory_space<vmem>>) dst(%dma_wait3A_235 : memref<10112x128xf32, #tpu.memory_space<vmem_shared>>)
      %add3A_236 = arith.constant 2 : i32
      %add3A_237 = arith.addi %add3A_211, %add3A_236 : i32
      %add3A_238 = arith.addi %mul3A_2, %add3A_237 : i32
      %run_scoped3A_239 = arith.constant 1 : i32
      "tpu.region"() ({
        %run_scoped3A_325 = tpu.sem_alloc : memref<!tpu.dma_semaphore, #tpu.memory_space<semaphore_mem>>
        %dma_start3A_326 = arith.constant 0 : i32
        %dma_start3A_327 = arith.constant 0 : i32
        %dma_start3A_328 = tpu.memref_slice %arg5[%run_scoped3A_239, %dma_start3A_326, %dma_start3A_327] : memref<3x2x128xi32, #tpu.memory_space<vmem>> -> memref<1x2x128xi32, #tpu.memory_space<vmem>>
        %dma_start3A_329 = tpu.memref_squeeze %dma_start3A_328 : memref<1x2x128xi32, #tpu.memory_space<vmem>> -> memref<2x128xi32, #tpu.memory_space<vmem>>
        %dma_start3A_330 = arith.constant 0 : i32
        %dma_start3A_331 = arith.constant 0 : i32
        %dma_start3A_332 = tpu.memref_slice %arg3[%add3A_238, %dma_start3A_330, %dma_start3A_331] : memref<2560x2x128xi32, #tpu.memory_space<hbm>> -> memref<1x2x128xi32, #tpu.memory_space<hbm>>
        %dma_start3A_333 = tpu.memref_squeeze %dma_start3A_332 : memref<1x2x128xi32, #tpu.memory_space<hbm>> -> memref<2x128xi32, #tpu.memory_space<hbm>>
        %dma_start3A_334 = arith.constant 0 : i32
        %dma_start3A_335 = arith.constant 0 : i32
        %dma_start3A_336 = tpu.memref_slice %arg5[%run_scoped3A_239, %dma_start3A_334, %dma_start3A_335] : memref<3x2x128xi32, #tpu.memory_space<vmem>> -> memref<1x2x128xi32, #tpu.memory_space<vmem>>
        %dma_start3A_337 = tpu.memref_squeeze %dma_start3A_336 : memref<1x2x128xi32, #tpu.memory_space<vmem>> -> memref<2x128xi32, #tpu.memory_space<vmem>>
        %dma_start3A_338 = arith.constant 0 : i32
        %dma_start3A_339 = arith.constant 0 : i32
        %dma_start3A_340 = tpu.memref_slice %arg3[%add3A_238, %dma_start3A_338, %dma_start3A_339] : memref<2560x2x128xi32, #tpu.memory_space<hbm>> -> memref<1x2x128xi32, #tpu.memory_space<hbm>>
        %dma_start3A_341 = tpu.memref_squeeze %dma_start3A_340 : memref<1x2x128xi32, #tpu.memory_space<hbm>> -> memref<2x128xi32, #tpu.memory_space<hbm>>
        tpu.enqueue_dma source(%dma_start3A_341 : memref<2x128xi32, #tpu.memory_space<hbm>>) target(%dma_start3A_337 : memref<2x128xi32, #tpu.memory_space<vmem>>) target_semaphore(%run_scoped3A_325 : memref<!tpu.dma_semaphore, #tpu.memory_space<semaphore_mem>>)
        %dma_wait3A_342 = arith.constant 0 : i32
        %dma_wait3A_343 = arith.constant 0 : i32
        %dma_wait3A_344 = tpu.memref_slice %arg5[%run_scoped3A_239, %dma_wait3A_342, %dma_wait3A_343] : memref<3x2x128xi32, #tpu.memory_space<vmem>> -> memref<1x2x128xi32, #tpu.memory_space<vmem>>
        %dma_wait3A_345 = tpu.memref_squeeze %dma_wait3A_344 : memref<1x2x128xi32, #tpu.memory_space<vmem>> -> memref<2x128xi32, #tpu.memory_space<vmem>>
        %dma_wait3A_346 = arith.constant 0 : i32
        %dma_wait3A_347 = arith.constant 0 : i32
        %dma_wait3A_348 = tpu.memref_slice %arg3[%add3A_238, %dma_wait3A_346, %dma_wait3A_347] : memref<2560x2x128xi32, #tpu.memory_space<hbm>> -> memref<1x2x128xi32, #tpu.memory_space<hbm>>
        %dma_wait3A_349 = tpu.memref_squeeze %dma_wait3A_348 : memref<1x2x128xi32, #tpu.memory_space<hbm>> -> memref<2x128xi32, #tpu.memory_space<hbm>>
        %dma_wait3A_350 = arith.constant 0 : i32
        %dma_wait3A_351 = arith.constant 0 : i32
        %dma_wait3A_352 = tpu.memref_slice %arg5[%run_scoped3A_239, %dma_wait3A_350, %dma_wait3A_351] : memref<3x2x128xi32, #tpu.memory_space<vmem>> -> memref<1x2x128xi32, #tpu.memory_space<vmem>>
        %dma_wait3A_353 = tpu.memref_squeeze %dma_wait3A_352 : memref<1x2x128xi32, #tpu.memory_space<vmem>> -> memref<2x128xi32, #tpu.memory_space<vmem>>
        %dma_wait3A_354 = arith.constant 0 : i32
        %dma_wait3A_355 = arith.constant 0 : i32
        %dma_wait3A_356 = tpu.memref_slice %arg3[%add3A_238, %dma_wait3A_354, %dma_wait3A_355] : memref<2560x2x128xi32, #tpu.memory_space<hbm>> -> memref<1x2x128xi32, #tpu.memory_space<hbm>>
        %dma_wait3A_357 = tpu.memref_squeeze %dma_wait3A_356 : memref<1x2x128xi32, #tpu.memory_space<hbm>> -> memref<2x128xi32, #tpu.memory_space<hbm>>
        tpu.wait_dma2 semaphore(%run_scoped3A_325 : memref<!tpu.dma_semaphore, #tpu.memory_space<semaphore_mem>>) src(%dma_wait3A_357 : memref<2x128xi32, #tpu.memory_space<hbm>>) dst(%dma_wait3A_353 : memref<2x128xi32, #tpu.memory_space<vmem>>)
        tpu.yield
      }) : () -> ()
      %dma_start3A_240 = arith.constant 1 : i32
      %dma_start3A_241 = arith.constant 0 : i32
      %dma_start3A_242 = arith.constant 0 : i32
      %dma_start3A_243 = tpu.memref_slice %arg5[%dma_start3A_240, %dma_start3A_241, %dma_start3A_242] : memref<3x2x128xi32, #tpu.memory_space<vmem>> -> memref<1x1x128xi32, #tpu.memory_space<vmem>>
      %dma_start3A_244 = tpu.memref_squeeze %dma_start3A_243 : memref<1x1x128xi32, #tpu.memory_space<vmem>> -> memref<128xi32, #tpu.memory_space<vmem>>
      %dma_start3A_245 = arith.constant 0 : i32
      %dma_start3A_246 = arith.constant 0 : i32
      %dma_start3A_247 = tpu.memref_slice %arg2[%dma_start3A_245, %dma_start3A_246] : memref<10000x128xf32, #tpu.memory_space<hbm>> -> memref<10000x128xf32, #tpu.memory_space<hbm>>
      tpu.enqueue_indirect_dma source(%dma_start3A_247 : memref<10000x128xf32, #tpu.memory_space<hbm>>) target(%arg7 : memref<128x128xf32, #tpu.memory_space<vmem>>) offsets(%dma_start3A_244 : memref<128xi32, #tpu.memory_space<vmem>>) semaphore(%arg11 : memref<!tpu.dma_semaphore, #tpu.memory_space<semaphore_mem>>)
      %add3A_248 = arith.constant 1 : i32
      %add3A_249 = arith.addi %add3A_211, %add3A_248 : i32
      %dma_wait3A_250 = arith.constant 0 : i32
      %dma_wait3A_251 = arith.constant 0 : i32
      %dma_wait3A_252 = arith.constant 0 : i32
      %dma_wait3A_253 = tpu.memref_slice %arg5[%dma_wait3A_250, %dma_wait3A_251, %dma_wait3A_252] : memref<3x2x128xi32, #tpu.memory_space<vmem>> -> memref<1x1x128xi32, #tpu.memory_space<vmem>>
      %dma_wait3A_254 = tpu.memref_squeeze %dma_wait3A_253 : memref<1x1x128xi32, #tpu.memory_space<vmem>> -> memref<128xi32, #tpu.memory_space<vmem>>
      %dma_wait3A_255 = arith.constant 0 : i32
      %dma_wait3A_256 = arith.constant 0 : i32
      %dma_wait3A_257 = tpu.memref_slice %arg2[%dma_wait3A_255, %dma_wait3A_256] : memref<10000x128xf32, #tpu.memory_space<hbm>> -> memref<10000x128xf32, #tpu.memory_space<hbm>>
      tpu.wait_indirect_dma semaphore(%arg10 : memref<!tpu.dma_semaphore, #tpu.memory_space<semaphore_mem>>) src(%dma_wait3A_257 : memref<10000x128xf32, #tpu.memory_space<hbm>>) dst(%arg6 : memref<128x128xf32, #tpu.memory_space<vmem>>)
      %dma_start3A_258 = arith.constant 0 : i32
      %dma_start3A_259 = arith.constant 1 : i32
      %dma_start3A_260 = arith.constant 0 : i32
      %dma_start3A_261 = tpu.memref_slice %arg5[%dma_start3A_258, %dma_start3A_259, %dma_start3A_260] : memref<3x2x128xi32, #tpu.memory_space<vmem>> -> memref<1x1x128xi32, #tpu.memory_space<vmem>>
      %dma_start3A_262 = tpu.memref_squeeze %dma_start3A_261 : memref<1x1x128xi32, #tpu.memory_space<vmem>> -> memref<128xi32, #tpu.memory_space<vmem>>
      %dma_start3A_263 = arith.constant 0 : i32
      %dma_start3A_264 = arith.constant 0 : i32
      %dma_start3A_265 = tpu.memref_slice %arg9[%dma_start3A_263, %dma_start3A_264] : memref<10112x128xf32, #tpu.memory_space<vmem_shared>> -> memref<10112x128xf32, #tpu.memory_space<vmem_shared>>
      tpu.enqueue_indirect_dma source(%arg6 : memref<128x128xf32, #tpu.memory_space<vmem>>) target(%dma_start3A_265 : memref<10112x128xf32, #tpu.memory_space<vmem_shared>>) offsets(%dma_start3A_262 : memref<128xi32, #tpu.memory_space<vmem>>) semaphore(%arg13 : memref<!tpu.dma_semaphore, #tpu.memory_space<semaphore_mem>>) {add = true}
      %dma_wait3A_266 = arith.constant 2 : i32
      %dma_wait3A_267 = arith.constant 1 : i32
      %dma_wait3A_268 = arith.constant 0 : i32
      %dma_wait3A_269 = tpu.memref_slice %arg5[%dma_wait3A_266, %dma_wait3A_267, %dma_wait3A_268] : memref<3x2x128xi32, #tpu.memory_space<vmem>> -> memref<1x1x128xi32, #tpu.memory_space<vmem>>
      %dma_wait3A_270 = tpu.memref_squeeze %dma_wait3A_269 : memref<1x1x128xi32, #tpu.memory_space<vmem>> -> memref<128xi32, #tpu.memory_space<vmem>>
      %dma_wait3A_271 = arith.constant 0 : i32
      %dma_wait3A_272 = arith.constant 0 : i32
      %dma_wait3A_273 = tpu.memref_slice %arg9[%dma_wait3A_271, %dma_wait3A_272] : memref<10112x128xf32, #tpu.memory_space<vmem_shared>> -> memref<10112x128xf32, #tpu.memory_space<vmem_shared>>
      tpu.wait_indirect_dma semaphore(%arg15 : memref<!tpu.dma_semaphore, #tpu.memory_space<semaphore_mem>>) src(%arg8 : memref<128x128xf32, #tpu.memory_space<vmem>>) dst(%dma_wait3A_273 : memref<10112x128xf32, #tpu.memory_space<vmem_shared>>)
      %add3A_274 = arith.constant 2 : i32
      %add3A_275 = arith.addi %add3A_249, %add3A_274 : i32
      %add3A_276 = arith.addi %mul3A_2, %add3A_275 : i32
      %run_scoped3A_277 = arith.constant 2 : i32
      "tpu.region"() ({
        %run_scoped3A_325 = tpu.sem_alloc : memref<!tpu.dma_semaphore, #tpu.memory_space<semaphore_mem>>
        %dma_start3A_326 = arith.constant 0 : i32
        %dma_start3A_327 = arith.constant 0 : i32
        %dma_start3A_328 = tpu.memref_slice %arg5[%run_scoped3A_277, %dma_start3A_326, %dma_start3A_327] : memref<3x2x128xi32, #tpu.memory_space<vmem>> -> memref<1x2x128xi32, #tpu.memory_space<vmem>>
        %dma_start3A_329 = tpu.memref_squeeze %dma_start3A_328 : memref<1x2x128xi32, #tpu.memory_space<vmem>> -> memref<2x128xi32, #tpu.memory_space<vmem>>
        %dma_start3A_330 = arith.constant 0 : i32
        %dma_start3A_331 = arith.constant 0 : i32
        %dma_start3A_332 = tpu.memref_slice %arg3[%add3A_276, %dma_start3A_330, %dma_start3A_331] : memref<2560x2x128xi32, #tpu.memory_space<hbm>> -> memref<1x2x128xi32, #tpu.memory_space<hbm>>
        %dma_start3A_333 = tpu.memref_squeeze %dma_start3A_332 : memref<1x2x128xi32, #tpu.memory_space<hbm>> -> memref<2x128xi32, #tpu.memory_space<hbm>>
        %dma_start3A_334 = arith.constant 0 : i32
        %dma_start3A_335 = arith.constant 0 : i32
        %dma_start3A_336 = tpu.memref_slice %arg5[%run_scoped3A_277, %dma_start3A_334, %dma_start3A_335] : memref<3x2x128xi32, #tpu.memory_space<vmem>> -> memref<1x2x128xi32, #tpu.memory_space<vmem>>
        %dma_start3A_337 = tpu.memref_squeeze %dma_start3A_336 : memref<1x2x128xi32, #tpu.memory_space<vmem>> -> memref<2x128xi32, #tpu.memory_space<vmem>>
        %dma_start3A_338 = arith.constant 0 : i32
        %dma_start3A_339 = arith.constant 0 : i32
        %dma_start3A_340 = tpu.memref_slice %arg3[%add3A_276, %dma_start3A_338, %dma_start3A_339] : memref<2560x2x128xi32, #tpu.memory_space<hbm>> -> memref<1x2x128xi32, #tpu.memory_space<hbm>>
        %dma_start3A_341 = tpu.memref_squeeze %dma_start3A_340 : memref<1x2x128xi32, #tpu.memory_space<hbm>> -> memref<2x128xi32, #tpu.memory_space<hbm>>
        tpu.enqueue_dma source(%dma_start3A_341 : memref<2x128xi32, #tpu.memory_space<hbm>>) target(%dma_start3A_337 : memref<2x128xi32, #tpu.memory_space<vmem>>) target_semaphore(%run_scoped3A_325 : memref<!tpu.dma_semaphore, #tpu.memory_space<semaphore_mem>>)
        %dma_wait3A_342 = arith.constant 0 : i32
        %dma_wait3A_343 = arith.constant 0 : i32
        %dma_wait3A_344 = tpu.memref_slice %arg5[%run_scoped3A_277, %dma_wait3A_342, %dma_wait3A_343] : memref<3x2x128xi32, #tpu.memory_space<vmem>> -> memref<1x2x128xi32, #tpu.memory_space<vmem>>
        %dma_wait3A_345 = tpu.memref_squeeze %dma_wait3A_344 : memref<1x2x128xi32, #tpu.memory_space<vmem>> -> memref<2x128xi32, #tpu.memory_space<vmem>>
        %dma_wait3A_346 = arith.constant 0 : i32
        %dma_wait3A_347 = arith.constant 0 : i32
        %dma_wait3A_348 = tpu.memref_slice %arg3[%add3A_276, %dma_wait3A_346, %dma_wait3A_347] : memref<2560x2x128xi32, #tpu.memory_space<hbm>> -> memref<1x2x128xi32, #tpu.memory_space<hbm>>
        %dma_wait3A_349 = tpu.memref_squeeze %dma_wait3A_348 : memref<1x2x128xi32, #tpu.memory_space<hbm>> -> memref<2x128xi32, #tpu.memory_space<hbm>>
        %dma_wait3A_350 = arith.constant 0 : i32
        %dma_wait3A_351 = arith.constant 0 : i32
        %dma_wait3A_352 = tpu.memref_slice %arg5[%run_scoped3A_277, %dma_wait3A_350, %dma_wait3A_351] : memref<3x2x128xi32, #tpu.memory_space<vmem>> -> memref<1x2x128xi32, #tpu.memory_space<vmem>>
        %dma_wait3A_353 = tpu.memref_squeeze %dma_wait3A_352 : memref<1x2x128xi32, #tpu.memory_space<vmem>> -> memref<2x128xi32, #tpu.memory_space<vmem>>
        %dma_wait3A_354 = arith.constant 0 : i32
        %dma_wait3A_355 = arith.constant 0 : i32
        %dma_wait3A_356 = tpu.memref_slice %arg3[%add3A_276, %dma_wait3A_354, %dma_wait3A_355] : memref<2560x2x128xi32, #tpu.memory_space<hbm>> -> memref<1x2x128xi32, #tpu.memory_space<hbm>>
        %dma_wait3A_357 = tpu.memref_squeeze %dma_wait3A_356 : memref<1x2x128xi32, #tpu.memory_space<hbm>> -> memref<2x128xi32, #tpu.memory_space<hbm>>
        tpu.wait_dma2 semaphore(%run_scoped3A_325 : memref<!tpu.dma_semaphore, #tpu.memory_space<semaphore_mem>>) src(%dma_wait3A_357 : memref<2x128xi32, #tpu.memory_space<hbm>>) dst(%dma_wait3A_353 : memref<2x128xi32, #tpu.memory_space<vmem>>)
        tpu.yield
      }) : () -> ()
      %dma_start3A_278 = arith.constant 2 : i32
      %dma_start3A_279 = arith.constant 0 : i32
      %dma_start3A_280 = arith.constant 0 : i32
      %dma_start3A_281 = tpu.memref_slice %arg5[%dma_start3A_278, %dma_start3A_279, %dma_start3A_280] : memref<3x2x128xi32, #tpu.memory_space<vmem>> -> memref<1x1x128xi32, #tpu.memory_space<vmem>>
      %dma_start3A_282 = tpu.memref_squeeze %dma_start3A_281 : memref<1x1x128xi32, #tpu.memory_space<vmem>> -> memref<128xi32, #tpu.memory_space<vmem>>
      %dma_start3A_283 = arith.constant 0 : i32
      %dma_start3A_284 = arith.constant 0 : i32
      %dma_start3A_285 = tpu.memref_slice %arg2[%dma_start3A_283, %dma_start3A_284] : memref<10000x128xf32, #tpu.memory_space<hbm>> -> memref<10000x128xf32, #tpu.memory_space<hbm>>
      tpu.enqueue_indirect_dma source(%dma_start3A_285 : memref<10000x128xf32, #tpu.memory_space<hbm>>) target(%arg8 : memref<128x128xf32, #tpu.memory_space<vmem>>) offsets(%dma_start3A_282 : memref<128xi32, #tpu.memory_space<vmem>>) semaphore(%arg12 : memref<!tpu.dma_semaphore, #tpu.memory_space<semaphore_mem>>)
      %add3A_286 = arith.constant 2 : i32
      %add3A_287 = arith.addi %add3A_211, %add3A_286 : i32
      %dma_wait3A_288 = arith.constant 1 : i32
      %dma_wait3A_289 = arith.constant 0 : i32
      %dma_wait3A_290 = arith.constant 0 : i32
      %dma_wait3A_291 = tpu.memref_slice %arg5[%dma_wait3A_288, %dma_wait3A_289, %dma_wait3A_290] : memref<3x2x128xi32, #tpu.memory_space<vmem>> -> memref<1x1x128xi32, #tpu.memory_space<vmem>>
      %dma_wait3A_292 = tpu.memref_squeeze %dma_wait3A_291 : memref<1x1x128xi32, #tpu.memory_space<vmem>> -> memref<128xi32, #tpu.memory_space<vmem>>
      %dma_wait3A_293 = arith.constant 0 : i32
      %dma_wait3A_294 = arith.constant 0 : i32
      %dma_wait3A_295 = tpu.memref_slice %arg2[%dma_wait3A_293, %dma_wait3A_294] : memref<10000x128xf32, #tpu.memory_space<hbm>> -> memref<10000x128xf32, #tpu.memory_space<hbm>>
      tpu.wait_indirect_dma semaphore(%arg11 : memref<!tpu.dma_semaphore, #tpu.memory_space<semaphore_mem>>) src(%dma_wait3A_295 : memref<10000x128xf32, #tpu.memory_space<hbm>>) dst(%arg7 : memref<128x128xf32, #tpu.memory_space<vmem>>)
      %dma_start3A_296 = arith.constant 1 : i32
      %dma_start3A_297 = arith.constant 1 : i32
      %dma_start3A_298 = arith.constant 0 : i32
      %dma_start3A_299 = tpu.memref_slice %arg5[%dma_start3A_296, %dma_start3A_297, %dma_start3A_298] : memref<3x2x128xi32, #tpu.memory_space<vmem>> -> memref<1x1x128xi32, #tpu.memory_space<vmem>>
      %dma_start3A_300 = tpu.memref_squeeze %dma_start3A_299 : memref<1x1x128xi32, #tpu.memory_space<vmem>> -> memref<128xi32, #tpu.memory_space<vmem>>
      %dma_start3A_301 = arith.constant 0 : i32
      %dma_start3A_302 = arith.constant 0 : i32
      %dma_start3A_303 = tpu.memref_slice %arg9[%dma_start3A_301, %dma_start3A_302] : memref<10112x128xf32, #tpu.memory_space<vmem_shared>> -> memref<10112x128xf32, #tpu.memory_space<vmem_shared>>
      tpu.enqueue_indirect_dma source(%arg7 : memref<128x128xf32, #tpu.memory_space<vmem>>) target(%dma_start3A_303 : memref<10112x128xf32, #tpu.memory_space<vmem_shared>>) offsets(%dma_start3A_300 : memref<128xi32, #tpu.memory_space<vmem>>) semaphore(%arg14 : memref<!tpu.dma_semaphore, #tpu.memory_space<semaphore_mem>>) {add = true}
      %dma_wait3A_304 = arith.constant 0 : i32
      %dma_wait3A_305 = arith.constant 1 : i32
      %dma_wait3A_306 = arith.constant 0 : i32
      %dma_wait3A_307 = tpu.memref_slice %arg5[%dma_wait3A_304, %dma_wait3A_305, %dma_wait3A_306] : memref<3x2x128xi32, #tpu.memory_space<vmem>> -> memref<1x1x128xi32, #tpu.memory_space<vmem>>
      %dma_wait3A_308 = tpu.memref_squeeze %dma_wait3A_307 : memref<1x1x128xi32, #tpu.memory_space<vmem>> -> memref<128xi32, #tpu.memory_space<vmem>>
      %dma_wait3A_309 = arith.constant 0 : i32
      %dma_wait3A_310 = arith.constant 0 : i32
      %dma_wait3A_311 = tpu.memref_slice %arg9[%dma_wait3A_309, %dma_wait3A_310] : memref<10112x128xf32, #tpu.memory_space<vmem_shared>> -> memref<10112x128xf32, #tpu.memory_space<vmem_shared>>
      tpu.wait_indirect_dma semaphore(%arg13 : memref<!tpu.dma_semaphore, #tpu.memory_space<semaphore_mem>>) src(%arg6 : memref<128x128xf32, #tpu.memory_space<vmem>>) dst(%dma_wait3A_311 : memref<10112x128xf32, #tpu.memory_space<vmem_shared>>)
      %add3A_312 = arith.constant 2 : i32
      %add3A_313 = arith.addi %add3A_287, %add3A_312 : i32
      %add3A_314 = arith.addi %mul3A_2, %add3A_313 : i32
      %run_scoped3A_315 = arith.constant 0 : i32
      "tpu.region"() ({
        %run_scoped3A_325 = tpu.sem_alloc : memref<!tpu.dma_semaphore, #tpu.memory_space<semaphore_mem>>
        %dma_start3A_326 = arith.constant 0 : i32
        %dma_start3A_327 = arith.constant 0 : i32
        %dma_start3A_328 = tpu.memref_slice %arg5[%run_scoped3A_315, %dma_start3A_326, %dma_start3A_327] : memref<3x2x128xi32, #tpu.memory_space<vmem>> -> memref<1x2x128xi32, #tpu.memory_space<vmem>>
        %dma_start3A_329 = tpu.memref_squeeze %dma_start3A_328 : memref<1x2x128xi32, #tpu.memory_space<vmem>> -> memref<2x128xi32, #tpu.memory_space<vmem>>
        %dma_start3A_330 = arith.constant 0 : i32
        %dma_start3A_331 = arith.constant 0 : i32
        %dma_start3A_332 = tpu.memref_slice %arg3[%add3A_314, %dma_start3A_330, %dma_start3A_331] : memref<2560x2x128xi32, #tpu.memory_space<hbm>> -> memref<1x2x128xi32, #tpu.memory_space<hbm>>
        %dma_start3A_333 = tpu.memref_squeeze %dma_start3A_332 : memref<1x2x128xi32, #tpu.memory_space<hbm>> -> memref<2x128xi32, #tpu.memory_space<hbm>>
        %dma_start3A_334 = arith.constant 0 : i32
        %dma_start3A_335 = arith.constant 0 : i32
        %dma_start3A_336 = tpu.memref_slice %arg5[%run_scoped3A_315, %dma_start3A_334, %dma_start3A_335] : memref<3x2x128xi32, #tpu.memory_space<vmem>> -> memref<1x2x128xi32, #tpu.memory_space<vmem>>
        %dma_start3A_337 = tpu.memref_squeeze %dma_start3A_336 : memref<1x2x128xi32, #tpu.memory_space<vmem>> -> memref<2x128xi32, #tpu.memory_space<vmem>>
        %dma_start3A_338 = arith.constant 0 : i32
        %dma_start3A_339 = arith.constant 0 : i32
        %dma_start3A_340 = tpu.memref_slice %arg3[%add3A_314, %dma_start3A_338, %dma_start3A_339] : memref<2560x2x128xi32, #tpu.memory_space<hbm>> -> memref<1x2x128xi32, #tpu.memory_space<hbm>>
        %dma_start3A_341 = tpu.memref_squeeze %dma_start3A_340 : memref<1x2x128xi32, #tpu.memory_space<hbm>> -> memref<2x128xi32, #tpu.memory_space<hbm>>
        tpu.enqueue_dma source(%dma_start3A_341 : memref<2x128xi32, #tpu.memory_space<hbm>>) target(%dma_start3A_337 : memref<2x128xi32, #tpu.memory_space<vmem>>) target_semaphore(%run_scoped3A_325 : memref<!tpu.dma_semaphore, #tpu.memory_space<semaphore_mem>>)
        %dma_wait3A_342 = arith.constant 0 : i32
        %dma_wait3A_343 = arith.constant 0 : i32
        %dma_wait3A_344 = tpu.memref_slice %arg5[%run_scoped3A_315, %dma_wait3A_342, %dma_wait3A_343] : memref<3x2x128xi32, #tpu.memory_space<vmem>> -> memref<1x2x128xi32, #tpu.memory_space<vmem>>
        %dma_wait3A_345 = tpu.memref_squeeze %dma_wait3A_344 : memref<1x2x128xi32, #tpu.memory_space<vmem>> -> memref<2x128xi32, #tpu.memory_space<vmem>>
        %dma_wait3A_346 = arith.constant 0 : i32
        %dma_wait3A_347 = arith.constant 0 : i32
        %dma_wait3A_348 = tpu.memref_slice %arg3[%add3A_314, %dma_wait3A_346, %dma_wait3A_347] : memref<2560x2x128xi32, #tpu.memory_space<hbm>> -> memref<1x2x128xi32, #tpu.memory_space<hbm>>
        %dma_wait3A_349 = tpu.memref_squeeze %dma_wait3A_348 : memref<1x2x128xi32, #tpu.memory_space<hbm>> -> memref<2x128xi32, #tpu.memory_space<hbm>>
        %dma_wait3A_350 = arith.constant 0 : i32
        %dma_wait3A_351 = arith.constant 0 : i32
        %dma_wait3A_352 = tpu.memref_slice %arg5[%run_scoped3A_315, %dma_wait3A_350, %dma_wait3A_351] : memref<3x2x128xi32, #tpu.memory_space<vmem>> -> memref<1x2x128xi32, #tpu.memory_space<vmem>>
        %dma_wait3A_353 = tpu.memref_squeeze %dma_wait3A_352 : memref<1x2x128xi32, #tpu.memory_space<vmem>> -> memref<2x128xi32, #tpu.memory_space<vmem>>
        %dma_wait3A_354 = arith.constant 0 : i32
        %dma_wait3A_355 = arith.constant 0 : i32
        %dma_wait3A_356 = tpu.memref_slice %arg3[%add3A_314, %dma_wait3A_354, %dma_wait3A_355] : memref<2560x2x128xi32, #tpu.memory_space<hbm>> -> memref<1x2x128xi32, #tpu.memory_space<hbm>>
        %dma_wait3A_357 = tpu.memref_squeeze %dma_wait3A_356 : memref<1x2x128xi32, #tpu.memory_space<hbm>> -> memref<2x128xi32, #tpu.memory_space<hbm>>
        tpu.wait_dma2 semaphore(%run_scoped3A_325 : memref<!tpu.dma_semaphore, #tpu.memory_space<semaphore_mem>>) src(%dma_wait3A_357 : memref<2x128xi32, #tpu.memory_space<hbm>>) dst(%dma_wait3A_353 : memref<2x128xi32, #tpu.memory_space<vmem>>)
        tpu.yield
      }) : () -> ()
      %dma_start3A_316 = arith.constant 0 : i32
      %dma_start3A_317 = arith.constant 0 : i32
      %dma_start3A_318 = arith.constant 0 : i32
      %dma_start3A_319 = tpu.memref_slice %arg5[%dma_start3A_316, %dma_start3A_317, %dma_start3A_318] : memref<3x2x128xi32, #tpu.memory_space<vmem>> -> memref<1x1x128xi32, #tpu.memory_space<vmem>>
      %dma_start3A_320 = tpu.memref_squeeze %dma_start3A_319 : memref<1x1x128xi32, #tpu.memory_space<vmem>> -> memref<128xi32, #tpu.memory_space<vmem>>
      %dma_start3A_321 = arith.constant 0 : i32
      %dma_start3A_322 = arith.constant 0 : i32
      %dma_start3A_323 = tpu.memref_slice %arg2[%dma_start3A_321, %dma_start3A_322] : memref<10000x128xf32, #tpu.memory_space<hbm>> -> memref<10000x128xf32, #tpu.memory_space<hbm>>
      tpu.enqueue_indirect_dma source(%dma_start3A_323 : memref<10000x128xf32, #tpu.memory_space<hbm>>) target(%arg6 : memref<128x128xf32, #tpu.memory_space<vmem>>) offsets(%dma_start3A_320 : memref<128xi32, #tpu.memory_space<vmem>>) semaphore(%arg10 : memref<!tpu.dma_semaphore, #tpu.memory_space<semaphore_mem>>)
      %scan3A_324 = arith.constant 0 : i32
      scf.yield %scan3A_324 : i32
    }
    %scan3A_109 = arith.constant 25 : i32
    %dma_wait3A_110 = arith.constant 2 : i32
    %dma_wait3A_111 = arith.constant 0 : i32
    %dma_wait3A_112 = arith.constant 0 : i32
    %dma_wait3A_113 = tpu.memref_slice %arg5[%dma_wait3A_110, %dma_wait3A_111, %dma_wait3A_112] : memref<3x2x128xi32, #tpu.memory_space<vmem>> -> memref<1x1x128xi32, #tpu.memory_space<vmem>>
    %dma_wait3A_114 = tpu.memref_squeeze %dma_wait3A_113 : memref<1x1x128xi32, #tpu.memory_space<vmem>> -> memref<128xi32, #tpu.memory_space<vmem>>
    %dma_wait3A_115 = arith.constant 0 : i32
    %dma_wait3A_116 = arith.constant 0 : i32
    %dma_wait3A_117 = tpu.memref_slice %arg2[%dma_wait3A_115, %dma_wait3A_116] : memref<10000x128xf32, #tpu.memory_space<hbm>> -> memref<10000x128xf32, #tpu.memory_space<hbm>>
    tpu.wait_indirect_dma semaphore(%arg12 : memref<!tpu.dma_semaphore, #tpu.memory_space<semaphore_mem>>) src(%dma_wait3A_117 : memref<10000x128xf32, #tpu.memory_space<hbm>>) dst(%arg8 : memref<128x128xf32, #tpu.memory_space<vmem>>)
    %dma_start3A_118 = arith.constant 2 : i32
    %dma_start3A_119 = arith.constant 1 : i32
    %dma_start3A_120 = arith.constant 0 : i32
    %dma_start3A_121 = tpu.memref_slice %arg5[%dma_start3A_118, %dma_start3A_119, %dma_start3A_120] : memref<3x2x128xi32, #tpu.memory_space<vmem>> -> memref<1x1x128xi32, #tpu.memory_space<vmem>>
    %dma_start3A_122 = tpu.memref_squeeze %dma_start3A_121 : memref<1x1x128xi32, #tpu.memory_space<vmem>> -> memref<128xi32, #tpu.memory_space<vmem>>
    %dma_start3A_123 = arith.constant 0 : i32
    %dma_start3A_124 = arith.constant 0 : i32
    %dma_start3A_125 = tpu.memref_slice %arg9[%dma_start3A_123, %dma_start3A_124] : memref<10112x128xf32, #tpu.memory_space<vmem_shared>> -> memref<10112x128xf32, #tpu.memory_space<vmem_shared>>
    tpu.enqueue_indirect_dma source(%arg8 : memref<128x128xf32, #tpu.memory_space<vmem>>) target(%dma_start3A_125 : memref<10112x128xf32, #tpu.memory_space<vmem_shared>>) offsets(%dma_start3A_122 : memref<128xi32, #tpu.memory_space<vmem>>) semaphore(%arg15 : memref<!tpu.dma_semaphore, #tpu.memory_space<semaphore_mem>>) {add = true}
    %dma_wait3A_126 = arith.constant 1 : i32
    %dma_wait3A_127 = arith.constant 1 : i32
    %dma_wait3A_128 = arith.constant 0 : i32
    %dma_wait3A_129 = tpu.memref_slice %arg5[%dma_wait3A_126, %dma_wait3A_127, %dma_wait3A_128] : memref<3x2x128xi32, #tpu.memory_space<vmem>> -> memref<1x1x128xi32, #tpu.memory_space<vmem>>
    %dma_wait3A_130 = tpu.memref_squeeze %dma_wait3A_129 : memref<1x1x128xi32, #tpu.memory_space<vmem>> -> memref<128xi32, #tpu.memory_space<vmem>>
    %dma_wait3A_131 = arith.constant 0 : i32
    %dma_wait3A_132 = arith.constant 0 : i32
    %dma_wait3A_133 = tpu.memref_slice %arg9[%dma_wait3A_131, %dma_wait3A_132] : memref<10112x128xf32, #tpu.memory_space<vmem_shared>> -> memref<10112x128xf32, #tpu.memory_space<vmem_shared>>
    tpu.wait_indirect_dma semaphore(%arg14 : memref<!tpu.dma_semaphore, #tpu.memory_space<semaphore_mem>>) src(%arg7 : memref<128x128xf32, #tpu.memory_space<vmem>>) dst(%dma_wait3A_133 : memref<10112x128xf32, #tpu.memory_space<vmem_shared>>)
    %add3A_134 = arith.constant 79 : i32
    %add3A_135 = arith.addi %mul3A_2, %add3A_134 : i32
    %run_scoped3A_136 = arith.constant 1 : i32
    "tpu.region"() ({
      %run_scoped3A_206 = tpu.sem_alloc : memref<!tpu.dma_semaphore, #tpu.memory_space<semaphore_mem>>
      %dma_start3A_207 = arith.constant 0 : i32
      %dma_start3A_208 = arith.constant 0 : i32
      %dma_start3A_209 = tpu.memref_slice %arg5[%run_scoped3A_136, %dma_start3A_207, %dma_start3A_208] : memref<3x2x128xi32, #tpu.memory_space<vmem>> -> memref<1x2x128xi32, #tpu.memory_space<vmem>>
      %dma_start3A_210 = tpu.memref_squeeze %dma_start3A_209 : memref<1x2x128xi32, #tpu.memory_space<vmem>> -> memref<2x128xi32, #tpu.memory_space<vmem>>
      %dma_start3A_211 = arith.constant 0 : i32
      %dma_start3A_212 = arith.constant 0 : i32
      %dma_start3A_213 = tpu.memref_slice %arg3[%add3A_135, %dma_start3A_211, %dma_start3A_212] : memref<2560x2x128xi32, #tpu.memory_space<hbm>> -> memref<1x2x128xi32, #tpu.memory_space<hbm>>
      %dma_start3A_214 = tpu.memref_squeeze %dma_start3A_213 : memref<1x2x128xi32, #tpu.memory_space<hbm>> -> memref<2x128xi32, #tpu.memory_space<hbm>>
      %dma_start3A_215 = arith.constant 0 : i32
      %dma_start3A_216 = arith.constant 0 : i32
      %dma_start3A_217 = tpu.memref_slice %arg5[%run_scoped3A_136, %dma_start3A_215, %dma_start3A_216] : memref<3x2x128xi32, #tpu.memory_space<vmem>> -> memref<1x2x128xi32, #tpu.memory_space<vmem>>
      %dma_start3A_218 = tpu.memref_squeeze %dma_start3A_217 : memref<1x2x128xi32, #tpu.memory_space<vmem>> -> memref<2x128xi32, #tpu.memory_space<vmem>>
      %dma_start3A_219 = arith.constant 0 : i32
      %dma_start3A_220 = arith.constant 0 : i32
      %dma_start3A_221 = tpu.memref_slice %arg3[%add3A_135, %dma_start3A_219, %dma_start3A_220] : memref<2560x2x128xi32, #tpu.memory_space<hbm>> -> memref<1x2x128xi32, #tpu.memory_space<hbm>>
      %dma_start3A_222 = tpu.memref_squeeze %dma_start3A_221 : memref<1x2x128xi32, #tpu.memory_space<hbm>> -> memref<2x128xi32, #tpu.memory_space<hbm>>
      tpu.enqueue_dma source(%dma_start3A_222 : memref<2x128xi32, #tpu.memory_space<hbm>>) target(%dma_start3A_218 : memref<2x128xi32, #tpu.memory_space<vmem>>) target_semaphore(%run_scoped3A_206 : memref<!tpu.dma_semaphore, #tpu.memory_space<semaphore_mem>>)
      %dma_wait3A_223 = arith.constant 0 : i32
      %dma_wait3A_224 = arith.constant 0 : i32
      %dma_wait3A_225 = tpu.memref_slice %arg5[%run_scoped3A_136, %dma_wait3A_223, %dma_wait3A_224] : memref<3x2x128xi32, #tpu.memory_space<vmem>> -> memref<1x2x128xi32, #tpu.memory_space<vmem>>
      %dma_wait3A_226 = tpu.memref_squeeze %dma_wait3A_225 : memref<1x2x128xi32, #tpu.memory_space<vmem>> -> memref<2x128xi32, #tpu.memory_space<vmem>>
      %dma_wait3A_227 = arith.constant 0 : i32
      %dma_wait3A_228 = arith.constant 0 : i32
      %dma_wait3A_229 = tpu.memref_slice %arg3[%add3A_135, %dma_wait3A_227, %dma_wait3A_228] : memref<2560x2x128xi32, #tpu.memory_space<hbm>> -> memref<1x2x128xi32, #tpu.memory_space<hbm>>
      %dma_wait3A_230 = tpu.memref_squeeze %dma_wait3A_229 : memref<1x2x128xi32, #tpu.memory_space<hbm>> -> memref<2x128xi32, #tpu.memory_space<hbm>>
      %dma_wait3A_231 = arith.constant 0 : i32
      %dma_wait3A_232 = arith.constant 0 : i32
      %dma_wait3A_233 = tpu.memref_slice %arg5[%run_scoped3A_136, %dma_wait3A_231, %dma_wait3A_232] : memref<3x2x128xi32, #tpu.memory_space<vmem>> -> memref<1x2x128xi32, #tpu.memory_space<vmem>>
      %dma_wait3A_234 = tpu.memref_squeeze %dma_wait3A_233 : memref<1x2x128xi32, #tpu.memory_space<vmem>> -> memref<2x128xi32, #tpu.memory_space<vmem>>
      %dma_wait3A_235 = arith.constant 0 : i32
      %dma_wait3A_236 = arith.constant 0 : i32
      %dma_wait3A_237 = tpu.memref_slice %arg3[%add3A_135, %dma_wait3A_235, %dma_wait3A_236] : memref<2560x2x128xi32, #tpu.memory_space<hbm>> -> memref<1x2x128xi32, #tpu.memory_space<hbm>>
      %dma_wait3A_238 = tpu.memref_squeeze %dma_wait3A_237 : memref<1x2x128xi32, #tpu.memory_space<hbm>> -> memref<2x128xi32, #tpu.memory_space<hbm>>
      tpu.wait_dma2 semaphore(%run_scoped3A_206 : memref<!tpu.dma_semaphore, #tpu.memory_space<semaphore_mem>>) src(%dma_wait3A_238 : memref<2x128xi32, #tpu.memory_space<hbm>>) dst(%dma_wait3A_234 : memref<2x128xi32, #tpu.memory_space<vmem>>)
      tpu.yield
    }) : () -> ()
    %dma_start3A_137 = arith.constant 1 : i32
    %dma_start3A_138 = arith.constant 0 : i32
    %dma_start3A_139 = arith.constant 0 : i32
    %dma_start3A_140 = tpu.memref_slice %arg5[%dma_start3A_137, %dma_start3A_138, %dma_start3A_139] : memref<3x2x128xi32, #tpu.memory_space<vmem>> -> memref<1x1x128xi32, #tpu.memory_space<vmem>>
    %dma_start3A_141 = tpu.memref_squeeze %dma_start3A_140 : memref<1x1x128xi32, #tpu.memory_space<vmem>> -> memref<128xi32, #tpu.memory_space<vmem>>
    %dma_start3A_142 = arith.constant 0 : i32
    %dma_start3A_143 = arith.constant 0 : i32
    %dma_start3A_144 = tpu.memref_slice %arg2[%dma_start3A_142, %dma_start3A_143] : memref<10000x128xf32, #tpu.memory_space<hbm>> -> memref<10000x128xf32, #tpu.memory_space<hbm>>
    tpu.enqueue_indirect_dma source(%dma_start3A_144 : memref<10000x128xf32, #tpu.memory_space<hbm>>) target(%arg7 : memref<128x128xf32, #tpu.memory_space<vmem>>) offsets(%dma_start3A_141 : memref<128xi32, #tpu.memory_space<vmem>>) semaphore(%arg11 : memref<!tpu.dma_semaphore, #tpu.memory_space<semaphore_mem>>)
    %dma_wait3A_145 = arith.constant 0 : i32
    %dma_wait3A_146 = arith.constant 0 : i32
    %dma_wait3A_147 = arith.constant 0 : i32
    %dma_wait3A_148 = tpu.memref_slice %arg5[%dma_wait3A_145, %dma_wait3A_146, %dma_wait3A_147] : memref<3x2x128xi32, #tpu.memory_space<vmem>> -> memref<1x1x128xi32, #tpu.memory_space<vmem>>
    %dma_wait3A_149 = tpu.memref_squeeze %dma_wait3A_148 : memref<1x1x128xi32, #tpu.memory_space<vmem>> -> memref<128xi32, #tpu.memory_space<vmem>>
    %dma_wait3A_150 = arith.constant 0 : i32
    %dma_wait3A_151 = arith.constant 0 : i32
    %dma_wait3A_152 = tpu.memref_slice %arg2[%dma_wait3A_150, %dma_wait3A_151] : memref<10000x128xf32, #tpu.memory_space<hbm>> -> memref<10000x128xf32, #tpu.memory_space<hbm>>
    tpu.wait_indirect_dma semaphore(%arg10 : memref<!tpu.dma_semaphore, #tpu.memory_space<semaphore_mem>>) src(%dma_wait3A_152 : memref<10000x128xf32, #tpu.memory_space<hbm>>) dst(%arg6 : memref<128x128xf32, #tpu.memory_space<vmem>>)
    %dma_start3A_153 = arith.constant 0 : i32
    %dma_start3A_154 = arith.constant 1 : i32
    %dma_start3A_155 = arith.constant 0 : i32
    %dma_start3A_156 = tpu.memref_slice %arg5[%dma_start3A_153, %dma_start3A_154, %dma_start3A_155] : memref<3x2x128xi32, #tpu.memory_space<vmem>> -> memref<1x1x128xi32, #tpu.memory_space<vmem>>
    %dma_start3A_157 = tpu.memref_squeeze %dma_start3A_156 : memref<1x1x128xi32, #tpu.memory_space<vmem>> -> memref<128xi32, #tpu.memory_space<vmem>>
    %dma_start3A_158 = arith.constant 0 : i32
    %dma_start3A_159 = arith.constant 0 : i32
    %dma_start3A_160 = tpu.memref_slice %arg9[%dma_start3A_158, %dma_start3A_159] : memref<10112x128xf32, #tpu.memory_space<vmem_shared>> -> memref<10112x128xf32, #tpu.memory_space<vmem_shared>>
    tpu.enqueue_indirect_dma source(%arg6 : memref<128x128xf32, #tpu.memory_space<vmem>>) target(%dma_start3A_160 : memref<10112x128xf32, #tpu.memory_space<vmem_shared>>) offsets(%dma_start3A_157 : memref<128xi32, #tpu.memory_space<vmem>>) semaphore(%arg13 : memref<!tpu.dma_semaphore, #tpu.memory_space<semaphore_mem>>) {add = true}
    %dma_wait3A_161 = arith.constant 1 : i32
    %dma_wait3A_162 = arith.constant 0 : i32
    %dma_wait3A_163 = arith.constant 0 : i32
    %dma_wait3A_164 = tpu.memref_slice %arg5[%dma_wait3A_161, %dma_wait3A_162, %dma_wait3A_163] : memref<3x2x128xi32, #tpu.memory_space<vmem>> -> memref<1x1x128xi32, #tpu.memory_space<vmem>>
    %dma_wait3A_165 = tpu.memref_squeeze %dma_wait3A_164 : memref<1x1x128xi32, #tpu.memory_space<vmem>> -> memref<128xi32, #tpu.memory_space<vmem>>
    %dma_wait3A_166 = arith.constant 0 : i32
    %dma_wait3A_167 = arith.constant 0 : i32
    %dma_wait3A_168 = tpu.memref_slice %arg2[%dma_wait3A_166, %dma_wait3A_167] : memref<10000x128xf32, #tpu.memory_space<hbm>> -> memref<10000x128xf32, #tpu.memory_space<hbm>>
    tpu.wait_indirect_dma semaphore(%arg11 : memref<!tpu.dma_semaphore, #tpu.memory_space<semaphore_mem>>) src(%dma_wait3A_168 : memref<10000x128xf32, #tpu.memory_space<hbm>>) dst(%arg7 : memref<128x128xf32, #tpu.memory_space<vmem>>)
    %dma_start3A_169 = arith.constant 1 : i32
    %dma_start3A_170 = arith.constant 1 : i32
    %dma_start3A_171 = arith.constant 0 : i32
    %dma_start3A_172 = tpu.memref_slice %arg5[%dma_start3A_169, %dma_start3A_170, %dma_start3A_171] : memref<3x2x128xi32, #tpu.memory_space<vmem>> -> memref<1x1x128xi32, #tpu.memory_space<vmem>>
    %dma_start3A_173 = tpu.memref_squeeze %dma_start3A_172 : memref<1x1x128xi32, #tpu.memory_space<vmem>> -> memref<128xi32, #tpu.memory_space<vmem>>
    %dma_start3A_174 = arith.constant 0 : i32
    %dma_start3A_175 = arith.constant 0 : i32
    %dma_start3A_176 = tpu.memref_slice %arg9[%dma_start3A_174, %dma_start3A_175] : memref<10112x128xf32, #tpu.memory_space<vmem_shared>> -> memref<10112x128xf32, #tpu.memory_space<vmem_shared>>
    tpu.enqueue_indirect_dma source(%arg7 : memref<128x128xf32, #tpu.memory_space<vmem>>) target(%dma_start3A_176 : memref<10112x128xf32, #tpu.memory_space<vmem_shared>>) offsets(%dma_start3A_173 : memref<128xi32, #tpu.memory_space<vmem>>) semaphore(%arg14 : memref<!tpu.dma_semaphore, #tpu.memory_space<semaphore_mem>>) {add = true}
    %dma_wait3A_177 = arith.constant 2 : i32
    %dma_wait3A_178 = arith.constant 1 : i32
    %dma_wait3A_179 = arith.constant 0 : i32
    %dma_wait3A_180 = tpu.memref_slice %arg5[%dma_wait3A_177, %dma_wait3A_178, %dma_wait3A_179] : memref<3x2x128xi32, #tpu.memory_space<vmem>> -> memref<1x1x128xi32, #tpu.memory_space<vmem>>
    %dma_wait3A_181 = tpu.memref_squeeze %dma_wait3A_180 : memref<1x1x128xi32, #tpu.memory_space<vmem>> -> memref<128xi32, #tpu.memory_space<vmem>>
    %dma_wait3A_182 = arith.constant 0 : i32
    %dma_wait3A_183 = arith.constant 0 : i32
    %dma_wait3A_184 = tpu.memref_slice %arg9[%dma_wait3A_182, %dma_wait3A_183] : memref<10112x128xf32, #tpu.memory_space<vmem_shared>> -> memref<10112x128xf32, #tpu.memory_space<vmem_shared>>
    tpu.wait_indirect_dma semaphore(%arg15 : memref<!tpu.dma_semaphore, #tpu.memory_space<semaphore_mem>>) src(%arg8 : memref<128x128xf32, #tpu.memory_space<vmem>>) dst(%dma_wait3A_184 : memref<10112x128xf32, #tpu.memory_space<vmem_shared>>)
    %dma_wait3A_185 = arith.constant 0 : i32
    %dma_wait3A_186 = arith.constant 1 : i32
    %dma_wait3A_187 = arith.constant 0 : i32
    %dma_wait3A_188 = tpu.memref_slice %arg5[%dma_wait3A_185, %dma_wait3A_186, %dma_wait3A_187] : memref<3x2x128xi32, #tpu.memory_space<vmem>> -> memref<1x1x128xi32, #tpu.memory_space<vmem>>
    %dma_wait3A_189 = tpu.memref_squeeze %dma_wait3A_188 : memref<1x1x128xi32, #tpu.memory_space<vmem>> -> memref<128xi32, #tpu.memory_space<vmem>>
    %dma_wait3A_190 = arith.constant 0 : i32
    %dma_wait3A_191 = arith.constant 0 : i32
    %dma_wait3A_192 = tpu.memref_slice %arg9[%dma_wait3A_190, %dma_wait3A_191] : memref<10112x128xf32, #tpu.memory_space<vmem_shared>> -> memref<10112x128xf32, #tpu.memory_space<vmem_shared>>
    tpu.wait_indirect_dma semaphore(%arg13 : memref<!tpu.dma_semaphore, #tpu.memory_space<semaphore_mem>>) src(%arg6 : memref<128x128xf32, #tpu.memory_space<vmem>>) dst(%dma_wait3A_192 : memref<10112x128xf32, #tpu.memory_space<vmem_shared>>)
    %dma_wait3A_193 = arith.constant 1 : i32
    %dma_wait3A_194 = arith.constant 1 : i32
    %dma_wait3A_195 = arith.constant 0 : i32
    %dma_wait3A_196 = tpu.memref_slice %arg5[%dma_wait3A_193, %dma_wait3A_194, %dma_wait3A_195] : memref<3x2x128xi32, #tpu.memory_space<vmem>> -> memref<1x1x128xi32, #tpu.memory_space<vmem>>
    %dma_wait3A_197 = tpu.memref_squeeze %dma_wait3A_196 : memref<1x1x128xi32, #tpu.memory_space<vmem>> -> memref<128xi32, #tpu.memory_space<vmem>>
    %dma_wait3A_198 = arith.constant 0 : i32
    %dma_wait3A_199 = arith.constant 0 : i32
    %dma_wait3A_200 = tpu.memref_slice %arg9[%dma_wait3A_198, %dma_wait3A_199] : memref<10112x128xf32, #tpu.memory_space<vmem_shared>> -> memref<10112x128xf32, #tpu.memory_space<vmem_shared>>
    tpu.wait_indirect_dma semaphore(%arg14 : memref<!tpu.dma_semaphore, #tpu.memory_space<semaphore_mem>>) src(%arg7 : memref<128x128xf32, #tpu.memory_space<vmem>>) dst(%dma_wait3A_200 : memref<10112x128xf32, #tpu.memory_space<vmem_shared>>)
    %barrier3A_201 = arith.constant 0 : index
    tpu.barrier barrier_id(%barrier3A_201)
    %mul3A_202 = arith.constant 632 : i32
    %mul3A_203 = arith.muli %arg1, %mul3A_202 : i32
    %mul3A_204 = arith.constant 632 : i32
    %mul3A_205 = arith.muli %arg1, %mul3A_204 : i32
    "tpu.region"() ({
      %run_scoped3A_206 = tpu.sem_alloc : memref<!tpu.dma_semaphore, #tpu.memory_space<semaphore_mem>>
      %dma_start3A_207 = arith.constant 0 : i32
      %dma_start3A_208 = tpu.memref_slice %arg4[%arg0, %mul3A_205, %dma_start3A_207] : memref<2x10112x128xf32, #tpu.memory_space<hbm>> -> memref<1x632x128xf32, #tpu.memory_space<hbm>>
      %dma_start3A_209 = tpu.memref_squeeze %dma_start3A_208 : memref<1x632x128xf32, #tpu.memory_space<hbm>> -> memref<632x128xf32, #tpu.memory_space<hbm>>
      %dma_start3A_210 = arith.constant 0 : i32
      %dma_start3A_211 = tpu.memref_slice %arg9[%mul3A_203, %dma_start3A_210] : memref<10112x128xf32, #tpu.memory_space<vmem_shared>> -> memref<632x128xf32, #tpu.memory_space<vmem_shared>>
      tpu.enqueue_dma source(%dma_start3A_211 : memref<632x128xf32, #tpu.memory_space<vmem_shared>>) target(%dma_start3A_209 : memref<632x128xf32, #tpu.memory_space<hbm>>) target_semaphore(%run_scoped3A_206 : memref<!tpu.dma_semaphore, #tpu.memory_space<semaphore_mem>>)
      %dma_wait3A_212 = arith.constant 0 : i32
      %dma_wait3A_213 = tpu.memref_slice %arg4[%arg0, %mul3A_205, %dma_wait3A_212] : memref<2x10112x128xf32, #tpu.memory_space<hbm>> -> memref<1x632x128xf32, #tpu.memory_space<hbm>>
      %dma_wait3A_214 = tpu.memref_squeeze %dma_wait3A_213 : memref<1x632x128xf32, #tpu.memory_space<hbm>> -> memref<632x128xf32, #tpu.memory_space<hbm>>
      %dma_wait3A_215 = arith.constant 0 : i32
      %dma_wait3A_216 = tpu.memref_slice %arg9[%mul3A_203, %dma_wait3A_215] : memref<10112x128xf32, #tpu.memory_space<vmem_shared>> -> memref<632x128xf32, #tpu.memory_space<vmem_shared>>
      tpu.wait_dma2 semaphore(%run_scoped3A_206 : memref<!tpu.dma_semaphore, #tpu.memory_space<semaphore_mem>>) src(%dma_wait3A_216 : memref<632x128xf32, #tpu.memory_space<vmem_shared>>) dst(%dma_wait3A_214 : memref<632x128xf32, #tpu.memory_space<hbm>>)
      tpu.yield
    }) : () -> ()
    return
  }
}

#map = affine_map<(d0, d1) -> (0, 0)>
#map1 = affine_map<(d0, d1) -> (0, 0, 0)>
module attributes {stable_mosaic.version = 14 : i64} {
  func.func @_agg_kernel(%arg0: i32, %arg1: i32, %arg2: memref<10000x128xf32, #tpu.memory_space<hbm>>, %arg3: memref<2560x2x128xi32, #tpu.memory_space<hbm>>, %arg4: memref<2x10112x128xf32, #tpu.memory_space<hbm>>, %arg5: memref<3x2x128xi32, #tpu.memory_space<vmem>>, %arg6: memref<128x128xf32, #tpu.memory_space<vmem>>, %arg7: memref<128x128xf32, #tpu.memory_space<vmem>>, %arg8: memref<128x128xf32, #tpu.memory_space<vmem>>, %arg9: memref<10112x128xf32, #tpu.memory_space<vmem_shared>>, %arg10: memref<!tpu.dma_semaphore, #tpu.memory_space<semaphore_mem>>, %arg11: memref<!tpu.dma_semaphore, #tpu.memory_space<semaphore_mem>>, %arg12: memref<!tpu.dma_semaphore, #tpu.memory_space<semaphore_mem>>, %arg13: memref<!tpu.dma_semaphore, #tpu.memory_space<semaphore_mem>>, %arg14: memref<!tpu.dma_semaphore, #tpu.memory_space<semaphore_mem>>, %arg15: memref<!tpu.dma_semaphore, #tpu.memory_space<semaphore_mem>>) attributes {dimension_semantics = [#tpu.dimension_semantics<core_parallel>, #tpu.dimension_semantics<subcore_parallel>], iteration_bounds = array<i64: 2, 16>, scalar_prefetch = 0 : i64, scratch_operands = 11 : i64, tpu.core_type = #tpu.core_type<sc_vector_subcore>, window_params = [{transform_indices = #map}, {transform_indices = #map1}, {transform_indices = #map1}]} {
    %mul3A = arith.constant 16 : i32
    %mul3A_0 = arith.muli %arg0, %mul3A : i32
    %add3A = arith.addi %mul3A_0, %arg1 : i32
    %mul3A_1 = arith.constant 80 : i32
    %mul3A_2 = arith.muli %add3A, %mul3A_1 : i32
    %add3A_3 = arith.constant 0 : i32
    %add3A_4 = arith.addi %mul3A_2, %add3A_3 : i32
    %run_scoped3A = arith.constant 0 : i32
    "tpu.region"() ({
      %run_scoped3A_206 = tpu.sem_alloc : memref<!tpu.dma_semaphore, #tpu.memory_space<semaphore_mem>>
      %dma_start3A_207 = arith.constant 0 : i32
      %dma_start3A_208 = arith.constant 0 : i32
      %dma_start3A_209 = tpu.memref_slice %arg5[%run_scoped3A, %dma_start3A_207, %dma_start3A_208] : memref<3x2x128xi32, #tpu.memory_space<vmem>> -> memref<1x2x128xi32, #tpu.memory_space<vmem>>
      %dma_start3A_210 = tpu.memref_squeeze %dma_start3A_209 : memref<1x2x128xi32, #tpu.memory_space<vmem>> -> memref<2x128xi32, #tpu.memory_space<vmem>>
      %dma_start3A_211 = arith.constant 0 : i32
      %dma_start3A_212 = arith.constant 0 : i32
      %dma_start3A_213 = tpu.memref_slice %arg3[%add3A_4, %dma_start3A_211, %dma_start3A_212] : memref<2560x2x128xi32, #tpu.memory_space<hbm>> -> memref<1x2x128xi32, #tpu.memory_space<hbm>>
      %dma_start3A_214 = tpu.memref_squeeze %dma_start3A_213 : memref<1x2x128xi32, #tpu.memory_space<hbm>> -> memref<2x128xi32, #tpu.memory_space<hbm>>
      %dma_start3A_215 = arith.constant 0 : i32
      %dma_start3A_216 = arith.constant 0 : i32
      %dma_start3A_217 = tpu.memref_slice %arg5[%run_scoped3A, %dma_start3A_215, %dma_start3A_216] : memref<3x2x128xi32, #tpu.memory_space<vmem>> -> memref<1x2x128xi32, #tpu.memory_space<vmem>>
      %dma_start3A_218 = tpu.memref_squeeze %dma_start3A_217 : memref<1x2x128xi32, #tpu.memory_space<vmem>> -> memref<2x128xi32, #tpu.memory_space<vmem>>
      %dma_start3A_219 = arith.constant 0 : i32
      %dma_start3A_220 = arith.constant 0 : i32
      %dma_start3A_221 = tpu.memref_slice %arg3[%add3A_4, %dma_start3A_219, %dma_start3A_220] : memref<2560x2x128xi32, #tpu.memory_space<hbm>> -> memref<1x2x128xi32, #tpu.memory_space<hbm>>
      %dma_start3A_222 = tpu.memref_squeeze %dma_start3A_221 : memref<1x2x128xi32, #tpu.memory_space<hbm>> -> memref<2x128xi32, #tpu.memory_space<hbm>>
      tpu.enqueue_dma source(%dma_start3A_222 : memref<2x128xi32, #tpu.memory_space<hbm>>) target(%dma_start3A_218 : memref<2x128xi32, #tpu.memory_space<vmem>>) target_semaphore(%run_scoped3A_206 : memref<!tpu.dma_semaphore, #tpu.memory_space<semaphore_mem>>)
      %dma_wait3A_223 = arith.constant 0 : i32
      %dma_wait3A_224 = arith.constant 0 : i32
      %dma_wait3A_225 = tpu.memref_slice %arg5[%run_scoped3A, %dma_wait3A_223, %dma_wait3A_224] : memref<3x2x128xi32, #tpu.memory_space<vmem>> -> memref<1x2x128xi32, #tpu.memory_space<vmem>>
      %dma_wait3A_226 = tpu.memref_squeeze %dma_wait3A_225 : memref<1x2x128xi32, #tpu.memory_space<vmem>> -> memref<2x128xi32, #tpu.memory_space<vmem>>
      %dma_wait3A_227 = arith.constant 0 : i32
      %dma_wait3A_228 = arith.constant 0 : i32
      %dma_wait3A_229 = tpu.memref_slice %arg3[%add3A_4, %dma_wait3A_227, %dma_wait3A_228] : memref<2560x2x128xi32, #tpu.memory_space<hbm>> -> memref<1x2x128xi32, #tpu.memory_space<hbm>>
      %dma_wait3A_230 = tpu.memref_squeeze %dma_wait3A_229 : memref<1x2x128xi32, #tpu.memory_space<hbm>> -> memref<2x128xi32, #tpu.memory_space<hbm>>
      %dma_wait3A_231 = arith.constant 0 : i32
      %dma_wait3A_232 = arith.constant 0 : i32
      %dma_wait3A_233 = tpu.memref_slice %arg5[%run_scoped3A, %dma_wait3A_231, %dma_wait3A_232] : memref<3x2x128xi32, #tpu.memory_space<vmem>> -> memref<1x2x128xi32, #tpu.memory_space<vmem>>
      %dma_wait3A_234 = tpu.memref_squeeze %dma_wait3A_233 : memref<1x2x128xi32, #tpu.memory_space<vmem>> -> memref<2x128xi32, #tpu.memory_space<vmem>>
      %dma_wait3A_235 = arith.constant 0 : i32
      %dma_wait3A_236 = arith.constant 0 : i32
      %dma_wait3A_237 = tpu.memref_slice %arg3[%add3A_4, %dma_wait3A_235, %dma_wait3A_236] : memref<2560x2x128xi32, #tpu.memory_space<hbm>> -> memref<1x2x128xi32, #tpu.memory_space<hbm>>
      %dma_wait3A_238 = tpu.memref_squeeze %dma_wait3A_237 : memref<1x2x128xi32, #tpu.memory_space<hbm>> -> memref<2x128xi32, #tpu.memory_space<hbm>>
      tpu.wait_dma2 semaphore(%run_scoped3A_206 : memref<!tpu.dma_semaphore, #tpu.memory_space<semaphore_mem>>) src(%dma_wait3A_238 : memref<2x128xi32, #tpu.memory_space<hbm>>) dst(%dma_wait3A_234 : memref<2x128xi32, #tpu.memory_space<vmem>>)
      tpu.yield
    }) : () -> ()
    %dma_start3A = arith.constant 0 : i32
    %dma_start3A_5 = arith.constant 0 : i32
    %dma_start3A_6 = arith.constant 0 : i32
    %dma_start3A_7 = tpu.memref_slice %arg5[%dma_start3A, %dma_start3A_5, %dma_start3A_6] : memref<3x2x128xi32, #tpu.memory_space<vmem>> -> memref<1x1x128xi32, #tpu.memory_space<vmem>>
    %dma_start3A_8 = tpu.memref_squeeze %dma_start3A_7 : memref<1x1x128xi32, #tpu.memory_space<vmem>> -> memref<128xi32, #tpu.memory_space<vmem>>
    %dma_start3A_9 = arith.constant 0 : i32
    %dma_start3A_10 = arith.constant 0 : i32
    %dma_start3A_11 = tpu.memref_slice %arg2[%dma_start3A_9, %dma_start3A_10] : memref<10000x128xf32, #tpu.memory_space<hbm>> -> memref<10000x128xf32, #tpu.memory_space<hbm>>
    tpu.enqueue_indirect_dma source(%dma_start3A_11 : memref<10000x128xf32, #tpu.memory_space<hbm>>) target(%arg6 : memref<128x128xf32, #tpu.memory_space<vmem>>) offsets(%dma_start3A_8 : memref<128xi32, #tpu.memory_space<vmem>>) semaphore(%arg10 : memref<!tpu.dma_semaphore, #tpu.memory_space<semaphore_mem>>)
    %add3A_12 = arith.constant 1 : i32
    %add3A_13 = arith.addi %mul3A_2, %add3A_12 : i32
    %run_scoped3A_14 = arith.constant 1 : i32
    "tpu.region"() ({
      %run_scoped3A_206 = tpu.sem_alloc : memref<!tpu.dma_semaphore, #tpu.memory_space<semaphore_mem>>
      %dma_start3A_207 = arith.constant 0 : i32
      %dma_start3A_208 = arith.constant 0 : i32
      %dma_start3A_209 = tpu.memref_slice %arg5[%run_scoped3A_14, %dma_start3A_207, %dma_start3A_208] : memref<3x2x128xi32, #tpu.memory_space<vmem>> -> memref<1x2x128xi32, #tpu.memory_space<vmem>>
      %dma_start3A_210 = tpu.memref_squeeze %dma_start3A_209 : memref<1x2x128xi32, #tpu.memory_space<vmem>> -> memref<2x128xi32, #tpu.memory_space<vmem>>
      %dma_start3A_211 = arith.constant 0 : i32
      %dma_start3A_212 = arith.constant 0 : i32
      %dma_start3A_213 = tpu.memref_slice %arg3[%add3A_13, %dma_start3A_211, %dma_start3A_212] : memref<2560x2x128xi32, #tpu.memory_space<hbm>> -> memref<1x2x128xi32, #tpu.memory_space<hbm>>
      %dma_start3A_214 = tpu.memref_squeeze %dma_start3A_213 : memref<1x2x128xi32, #tpu.memory_space<hbm>> -> memref<2x128xi32, #tpu.memory_space<hbm>>
      %dma_start3A_215 = arith.constant 0 : i32
      %dma_start3A_216 = arith.constant 0 : i32
      %dma_start3A_217 = tpu.memref_slice %arg5[%run_scoped3A_14, %dma_start3A_215, %dma_start3A_216] : memref<3x2x128xi32, #tpu.memory_space<vmem>> -> memref<1x2x128xi32, #tpu.memory_space<vmem>>
      %dma_start3A_218 = tpu.memref_squeeze %dma_start3A_217 : memref<1x2x128xi32, #tpu.memory_space<vmem>> -> memref<2x128xi32, #tpu.memory_space<vmem>>
      %dma_start3A_219 = arith.constant 0 : i32
      %dma_start3A_220 = arith.constant 0 : i32
      %dma_start3A_221 = tpu.memref_slice %arg3[%add3A_13, %dma_start3A_219, %dma_start3A_220] : memref<2560x2x128xi32, #tpu.memory_space<hbm>> -> memref<1x2x128xi32, #tpu.memory_space<hbm>>
      %dma_start3A_222 = tpu.memref_squeeze %dma_start3A_221 : memref<1x2x128xi32, #tpu.memory_space<hbm>> -> memref<2x128xi32, #tpu.memory_space<hbm>>
      tpu.enqueue_dma source(%dma_start3A_222 : memref<2x128xi32, #tpu.memory_space<hbm>>) target(%dma_start3A_218 : memref<2x128xi32, #tpu.memory_space<vmem>>) target_semaphore(%run_scoped3A_206 : memref<!tpu.dma_semaphore, #tpu.memory_space<semaphore_mem>>)
      %dma_wait3A_223 = arith.constant 0 : i32
      %dma_wait3A_224 = arith.constant 0 : i32
      %dma_wait3A_225 = tpu.memref_slice %arg5[%run_scoped3A_14, %dma_wait3A_223, %dma_wait3A_224] : memref<3x2x128xi32, #tpu.memory_space<vmem>> -> memref<1x2x128xi32, #tpu.memory_space<vmem>>
      %dma_wait3A_226 = tpu.memref_squeeze %dma_wait3A_225 : memref<1x2x128xi32, #tpu.memory_space<vmem>> -> memref<2x128xi32, #tpu.memory_space<vmem>>
      %dma_wait3A_227 = arith.constant 0 : i32
      %dma_wait3A_228 = arith.constant 0 : i32
      %dma_wait3A_229 = tpu.memref_slice %arg3[%add3A_13, %dma_wait3A_227, %dma_wait3A_228] : memref<2560x2x128xi32, #tpu.memory_space<hbm>> -> memref<1x2x128xi32, #tpu.memory_space<hbm>>
      %dma_wait3A_230 = tpu.memref_squeeze %dma_wait3A_229 : memref<1x2x128xi32, #tpu.memory_space<hbm>> -> memref<2x128xi32, #tpu.memory_space<hbm>>
      %dma_wait3A_231 = arith.constant 0 : i32
      %dma_wait3A_232 = arith.constant 0 : i32
      %dma_wait3A_233 = tpu.memref_slice %arg5[%run_scoped3A_14, %dma_wait3A_231, %dma_wait3A_232] : memref<3x2x128xi32, #tpu.memory_space<vmem>> -> memref<1x2x128xi32, #tpu.memory_space<vmem>>
      %dma_wait3A_234 = tpu.memref_squeeze %dma_wait3A_233 : memref<1x2x128xi32, #tpu.memory_space<vmem>> -> memref<2x128xi32, #tpu.memory_space<vmem>>
      %dma_wait3A_235 = arith.constant 0 : i32
      %dma_wait3A_236 = arith.constant 0 : i32
      %dma_wait3A_237 = tpu.memref_slice %arg3[%add3A_13, %dma_wait3A_235, %dma_wait3A_236] : memref<2560x2x128xi32, #tpu.memory_space<hbm>> -> memref<1x2x128xi32, #tpu.memory_space<hbm>>
      %dma_wait3A_238 = tpu.memref_squeeze %dma_wait3A_237 : memref<1x2x128xi32, #tpu.memory_space<hbm>> -> memref<2x128xi32, #tpu.memory_space<hbm>>
      tpu.wait_dma2 semaphore(%run_scoped3A_206 : memref<!tpu.dma_semaphore, #tpu.memory_space<semaphore_mem>>) src(%dma_wait3A_238 : memref<2x128xi32, #tpu.memory_space<hbm>>) dst(%dma_wait3A_234 : memref<2x128xi32, #tpu.memory_space<vmem>>)
      tpu.yield
    }) : () -> ()
    %dma_start3A_15 = arith.constant 1 : i32
    %dma_start3A_16 = arith.constant 0 : i32
    %dma_start3A_17 = arith.constant 0 : i32
    %dma_start3A_18 = tpu.memref_slice %arg5[%dma_start3A_15, %dma_start3A_16, %dma_start3A_17] : memref<3x2x128xi32, #tpu.memory_space<vmem>> -> memref<1x1x128xi32, #tpu.memory_space<vmem>>
    %dma_start3A_19 = tpu.memref_squeeze %dma_start3A_18 : memref<1x1x128xi32, #tpu.memory_space<vmem>> -> memref<128xi32, #tpu.memory_space<vmem>>
    %dma_start3A_20 = arith.constant 0 : i32
    %dma_start3A_21 = arith.constant 0 : i32
    %dma_start3A_22 = tpu.memref_slice %arg2[%dma_start3A_20, %dma_start3A_21] : memref<10000x128xf32, #tpu.memory_space<hbm>> -> memref<10000x128xf32, #tpu.memory_space<hbm>>
    tpu.enqueue_indirect_dma source(%dma_start3A_22 : memref<10000x128xf32, #tpu.memory_space<hbm>>) target(%arg7 : memref<128x128xf32, #tpu.memory_space<vmem>>) offsets(%dma_start3A_19 : memref<128xi32, #tpu.memory_space<vmem>>) semaphore(%arg11 : memref<!tpu.dma_semaphore, #tpu.memory_space<semaphore_mem>>)
    %broadcast_in_dim3A = arith.constant 0.000000e+00 : f32
    %broadcast_in_dim3A_23 = vector.broadcast %broadcast_in_dim3A : f32 to vector<16xf32>
    %scan3A = arith.constant 0 : i32
    %scan3A_24 = arith.constant 0 : i32
    %scan3A_25 = arith.constant 128 : i32
    %scan3A_26 = arith.addi %scan3A_24, %scan3A_25 : i32
    %scan3A_27 = arith.constant 1 : i32
    %scan3A_28 = scf.for %scan3A_206 = %scan3A_24 to %scan3A_26 step %scan3A_27 iter_args(%scan3A_207 = %scan3A) -> (i32)  : i32 {
      %swap3A = arith.index_cast %scan3A_206 : i32 to index
      %swap3A_208 = arith.constant 0 : index
      %swap3A_209 = tpu.vector_load %arg8[%swap3A, %swap3A_208] {strides = array<i32>} : memref<128x128xf32, #tpu.memory_space<vmem>>, vector<16xf32>,
      tpu.vector_store %arg8[%swap3A, %swap3A_208], %broadcast_in_dim3A_23 {strides = array<i32>} : memref<128x128xf32, #tpu.memory_space<vmem>>, vector<16xf32>,
      %swap3A_210 = arith.index_cast %scan3A_206 : i32 to index
      %swap3A_211 = arith.constant 16 : index
      %swap3A_212 = tpu.vector_load %arg8[%swap3A_210, %swap3A_211] {strides = array<i32>} : memref<128x128xf32, #tpu.memory_space<vmem>>, vector<16xf32>,
      tpu.vector_store %arg8[%swap3A_210, %swap3A_211], %broadcast_in_dim3A_23 {strides = array<i32>} : memref<128x128xf32, #tpu.memory_space<vmem>>, vector<16xf32>,
      %swap3A_213 = arith.index_cast %scan3A_206 : i32 to index
      %swap3A_214 = arith.constant 32 : index
      %swap3A_215 = tpu.vector_load %arg8[%swap3A_213, %swap3A_214] {strides = array<i32>} : memref<128x128xf32, #tpu.memory_space<vmem>>, vector<16xf32>,
      tpu.vector_store %arg8[%swap3A_213, %swap3A_214], %broadcast_in_dim3A_23 {strides = array<i32>} : memref<128x128xf32, #tpu.memory_space<vmem>>, vector<16xf32>,
      %swap3A_216 = arith.index_cast %scan3A_206 : i32 to index
      %swap3A_217 = arith.constant 48 : index
      %swap3A_218 = tpu.vector_load %arg8[%swap3A_216, %swap3A_217] {strides = array<i32>} : memref<128x128xf32, #tpu.memory_space<vmem>>, vector<16xf32>,
      tpu.vector_store %arg8[%swap3A_216, %swap3A_217], %broadcast_in_dim3A_23 {strides = array<i32>} : memref<128x128xf32, #tpu.memory_space<vmem>>, vector<16xf32>,
      %swap3A_219 = arith.index_cast %scan3A_206 : i32 to index
      %swap3A_220 = arith.constant 64 : index
      %swap3A_221 = tpu.vector_load %arg8[%swap3A_219, %swap3A_220] {strides = array<i32>} : memref<128x128xf32, #tpu.memory_space<vmem>>, vector<16xf32>,
      tpu.vector_store %arg8[%swap3A_219, %swap3A_220], %broadcast_in_dim3A_23 {strides = array<i32>} : memref<128x128xf32, #tpu.memory_space<vmem>>, vector<16xf32>,
      %swap3A_222 = arith.index_cast %scan3A_206 : i32 to index
      %swap3A_223 = arith.constant 80 : index
      %swap3A_224 = tpu.vector_load %arg8[%swap3A_222, %swap3A_223] {strides = array<i32>} : memref<128x128xf32, #tpu.memory_space<vmem>>, vector<16xf32>,
      tpu.vector_store %arg8[%swap3A_222, %swap3A_223], %broadcast_in_dim3A_23 {strides = array<i32>} : memref<128x128xf32, #tpu.memory_space<vmem>>, vector<16xf32>,
      %swap3A_225 = arith.index_cast %scan3A_206 : i32 to index
      %swap3A_226 = arith.constant 96 : index
      %swap3A_227 = tpu.vector_load %arg8[%swap3A_225, %swap3A_226] {strides = array<i32>} : memref<128x128xf32, #tpu.memory_space<vmem>>, vector<16xf32>,
      tpu.vector_store %arg8[%swap3A_225, %swap3A_226], %broadcast_in_dim3A_23 {strides = array<i32>} : memref<128x128xf32, #tpu.memory_space<vmem>>, vector<16xf32>,
      %swap3A_228 = arith.index_cast %scan3A_206 : i32 to index
      %swap3A_229 = arith.constant 112 : index
      %swap3A_230 = tpu.vector_load %arg8[%swap3A_228, %swap3A_229] {strides = array<i32>} : memref<128x128xf32, #tpu.memory_space<vmem>>, vector<16xf32>,
      tpu.vector_store %arg8[%swap3A_228, %swap3A_229], %broadcast_in_dim3A_23 {strides = array<i32>} : memref<128x128xf32, #tpu.memory_space<vmem>>, vector<16xf32>,
      %scan3A_231 = arith.constant 0 : i32
      scf.yield %scan3A_231 : i32
    }
    %scan3A_29 = arith.constant 128 : i32
    %mul3A_30 = arith.constant 632 : i32
    %mul3A_31 = arith.muli %arg1, %mul3A_30 : i32
    %add3A_32 = arith.constant 0 : i32
    %add3A_33 = arith.addi %mul3A_31, %add3A_32 : i32
    "tpu.region"() ({
      %run_scoped3A_206 = tpu.sem_alloc : memref<!tpu.dma_semaphore, #tpu.memory_space<semaphore_mem>>
      %dma_start3A_207 = arith.constant 0 : i32
      %dma_start3A_208 = tpu.memref_slice %arg9[%add3A_33, %dma_start3A_207] : memref<10112x128xf32, #tpu.memory_space<vmem_shared>> -> memref<128x128xf32, #tpu.memory_space<vmem_shared>>
      %dma_start3A_209 = arith.constant 0 : i32
      %dma_start3A_210 = tpu.memref_slice %arg9[%add3A_33, %dma_start3A_209] : memref<10112x128xf32, #tpu.memory_space<vmem_shared>> -> memref<128x128xf32, #tpu.memory_space<vmem_shared>>
      tpu.enqueue_dma source(%arg8 : memref<128x128xf32, #tpu.memory_space<vmem>>) target(%dma_start3A_210 : memref<128x128xf32, #tpu.memory_space<vmem_shared>>) target_semaphore(%run_scoped3A_206 : memref<!tpu.dma_semaphore, #tpu.memory_space<semaphore_mem>>)
      %dma_wait3A_211 = arith.constant 0 : i32
      %dma_wait3A_212 = tpu.memref_slice %arg9[%add3A_33, %dma_wait3A_211] : memref<10112x128xf32, #tpu.memory_space<vmem_shared>> -> memref<128x128xf32, #tpu.memory_space<vmem_shared>>
      %dma_wait3A_213 = arith.constant 0 : i32
      %dma_wait3A_214 = tpu.memref_slice %arg9[%add3A_33, %dma_wait3A_213] : memref<10112x128xf32, #tpu.memory_space<vmem_shared>> -> memref<128x128xf32, #tpu.memory_space<vmem_shared>>
      tpu.wait_dma2 semaphore(%run_scoped3A_206 : memref<!tpu.dma_semaphore, #tpu.memory_space<semaphore_mem>>) src(%arg8 : memref<128x128xf32, #tpu.memory_space<vmem>>) dst(%dma_wait3A_214 : memref<128x128xf32, #tpu.memory_space<vmem_shared>>)
      tpu.yield
    }) : () -> ()
    %add3A_34 = arith.constant 128 : i32
    %add3A_35 = arith.addi %mul3A_31, %add3A_34 : i32
    "tpu.region"() ({
      %run_scoped3A_206 = tpu.sem_alloc : memref<!tpu.dma_semaphore, #tpu.memory_space<semaphore_mem>>
      %dma_start3A_207 = arith.constant 0 : i32
      %dma_start3A_208 = tpu.memref_slice %arg9[%add3A_35, %dma_start3A_207] : memref<10112x128xf32, #tpu.memory_space<vmem_shared>> -> memref<128x128xf32, #tpu.memory_space<vmem_shared>>
      %dma_start3A_209 = arith.constant 0 : i32
      %dma_start3A_210 = tpu.memref_slice %arg9[%add3A_35, %dma_start3A_209] : memref<10112x128xf32, #tpu.memory_space<vmem_shared>> -> memref<128x128xf32, #tpu.memory_space<vmem_shared>>
      tpu.enqueue_dma source(%arg8 : memref<128x128xf32, #tpu.memory_space<vmem>>) target(%dma_start3A_210 : memref<128x128xf32, #tpu.memory_space<vmem_shared>>) target_semaphore(%run_scoped3A_206 : memref<!tpu.dma_semaphore, #tpu.memory_space<semaphore_mem>>)
      %dma_wait3A_211 = arith.constant 0 : i32
      %dma_wait3A_212 = tpu.memref_slice %arg9[%add3A_35, %dma_wait3A_211] : memref<10112x128xf32, #tpu.memory_space<vmem_shared>> -> memref<128x128xf32, #tpu.memory_space<vmem_shared>>
      %dma_wait3A_213 = arith.constant 0 : i32
      %dma_wait3A_214 = tpu.memref_slice %arg9[%add3A_35, %dma_wait3A_213] : memref<10112x128xf32, #tpu.memory_space<vmem_shared>> -> memref<128x128xf32, #tpu.memory_space<vmem_shared>>
      tpu.wait_dma2 semaphore(%run_scoped3A_206 : memref<!tpu.dma_semaphore, #tpu.memory_space<semaphore_mem>>) src(%arg8 : memref<128x128xf32, #tpu.memory_space<vmem>>) dst(%dma_wait3A_214 : memref<128x128xf32, #tpu.memory_space<vmem_shared>>)
      tpu.yield
    }) : () -> ()
    %add3A_36 = arith.constant 256 : i32
    %add3A_37 = arith.addi %mul3A_31, %add3A_36 : i32
    "tpu.region"() ({
      %run_scoped3A_206 = tpu.sem_alloc : memref<!tpu.dma_semaphore, #tpu.memory_space<semaphore_mem>>
      %dma_start3A_207 = arith.constant 0 : i32
      %dma_start3A_208 = tpu.memref_slice %arg9[%add3A_37, %dma_start3A_207] : memref<10112x128xf32, #tpu.memory_space<vmem_shared>> -> memref<128x128xf32, #tpu.memory_space<vmem_shared>>
      %dma_start3A_209 = arith.constant 0 : i32
      %dma_start3A_210 = tpu.memref_slice %arg9[%add3A_37, %dma_start3A_209] : memref<10112x128xf32, #tpu.memory_space<vmem_shared>> -> memref<128x128xf32, #tpu.memory_space<vmem_shared>>
      tpu.enqueue_dma source(%arg8 : memref<128x128xf32, #tpu.memory_space<vmem>>) target(%dma_start3A_210 : memref<128x128xf32, #tpu.memory_space<vmem_shared>>) target_semaphore(%run_scoped3A_206 : memref<!tpu.dma_semaphore, #tpu.memory_space<semaphore_mem>>)
      %dma_wait3A_211 = arith.constant 0 : i32
      %dma_wait3A_212 = tpu.memref_slice %arg9[%add3A_37, %dma_wait3A_211] : memref<10112x128xf32, #tpu.memory_space<vmem_shared>> -> memref<128x128xf32, #tpu.memory_space<vmem_shared>>
      %dma_wait3A_213 = arith.constant 0 : i32
      %dma_wait3A_214 = tpu.memref_slice %arg9[%add3A_37, %dma_wait3A_213] : memref<10112x128xf32, #tpu.memory_space<vmem_shared>> -> memref<128x128xf32, #tpu.memory_space<vmem_shared>>
      tpu.wait_dma2 semaphore(%run_scoped3A_206 : memref<!tpu.dma_semaphore, #tpu.memory_space<semaphore_mem>>) src(%arg8 : memref<128x128xf32, #tpu.memory_space<vmem>>) dst(%dma_wait3A_214 : memref<128x128xf32, #tpu.memory_space<vmem_shared>>)
      tpu.yield
    }) : () -> ()
    %add3A_38 = arith.constant 384 : i32
    %add3A_39 = arith.addi %mul3A_31, %add3A_38 : i32
    "tpu.region"() ({
      %run_scoped3A_206 = tpu.sem_alloc : memref<!tpu.dma_semaphore, #tpu.memory_space<semaphore_mem>>
      %dma_start3A_207 = arith.constant 0 : i32
      %dma_start3A_208 = tpu.memref_slice %arg9[%add3A_39, %dma_start3A_207] : memref<10112x128xf32, #tpu.memory_space<vmem_shared>> -> memref<128x128xf32, #tpu.memory_space<vmem_shared>>
      %dma_start3A_209 = arith.constant 0 : i32
      %dma_start3A_210 = tpu.memref_slice %arg9[%add3A_39, %dma_start3A_209] : memref<10112x128xf32, #tpu.memory_space<vmem_shared>> -> memref<128x128xf32, #tpu.memory_space<vmem_shared>>
      tpu.enqueue_dma source(%arg8 : memref<128x128xf32, #tpu.memory_space<vmem>>) target(%dma_start3A_210 : memref<128x128xf32, #tpu.memory_space<vmem_shared>>) target_semaphore(%run_scoped3A_206 : memref<!tpu.dma_semaphore, #tpu.memory_space<semaphore_mem>>)
      %dma_wait3A_211 = arith.constant 0 : i32
      %dma_wait3A_212 = tpu.memref_slice %arg9[%add3A_39, %dma_wait3A_211] : memref<10112x128xf32, #tpu.memory_space<vmem_shared>> -> memref<128x128xf32, #tpu.memory_space<vmem_shared>>
      %dma_wait3A_213 = arith.constant 0 : i32
      %dma_wait3A_214 = tpu.memref_slice %arg9[%add3A_39, %dma_wait3A_213] : memref<10112x128xf32, #tpu.memory_space<vmem_shared>> -> memref<128x128xf32, #tpu.memory_space<vmem_shared>>
      tpu.wait_dma2 semaphore(%run_scoped3A_206 : memref<!tpu.dma_semaphore, #tpu.memory_space<semaphore_mem>>) src(%arg8 : memref<128x128xf32, #tpu.memory_space<vmem>>) dst(%dma_wait3A_214 : memref<128x128xf32, #tpu.memory_space<vmem_shared>>)
      tpu.yield
    }) : () -> ()
    %add3A_40 = arith.constant 512 : i32
    %add3A_41 = arith.addi %mul3A_31, %add3A_40 : i32
    "tpu.region"() ({
      %run_scoped3A_206 = tpu.sem_alloc : memref<!tpu.dma_semaphore, #tpu.memory_space<semaphore_mem>>
      %dma_start3A_207 = arith.constant 0 : i32
      %dma_start3A_208 = arith.constant 0 : i32
      %dma_start3A_209 = tpu.memref_slice %arg8[%dma_start3A_207, %dma_start3A_208] : memref<128x128xf32, #tpu.memory_space<vmem>> -> memref<120x128xf32, #tpu.memory_space<vmem>>
      %dma_start3A_210 = arith.constant 0 : i32
      %dma_start3A_211 = tpu.memref_slice %arg9[%add3A_41, %dma_start3A_210] : memref<10112x128xf32, #tpu.memory_space<vmem_shared>> -> memref<120x128xf32, #tpu.memory_space<vmem_shared>>
      %dma_start3A_212 = arith.constant 0 : i32
      %dma_start3A_213 = tpu.memref_slice %arg9[%add3A_41, %dma_start3A_212] : memref<10112x128xf32, #tpu.memory_space<vmem_shared>> -> memref<120x128xf32, #tpu.memory_space<vmem_shared>>
      %dma_start3A_214 = arith.constant 0 : i32
      %dma_start3A_215 = arith.constant 0 : i32
      %dma_start3A_216 = tpu.memref_slice %arg8[%dma_start3A_214, %dma_start3A_215] : memref<128x128xf32, #tpu.memory_space<vmem>> -> memref<120x128xf32, #tpu.memory_space<vmem>>
      tpu.enqueue_dma source(%dma_start3A_216 : memref<120x128xf32, #tpu.memory_space<vmem>>) target(%dma_start3A_213 : memref<120x128xf32, #tpu.memory_space<vmem_shared>>) target_semaphore(%run_scoped3A_206 : memref<!tpu.dma_semaphore, #tpu.memory_space<semaphore_mem>>)
      %dma_wait3A_217 = arith.constant 0 : i32
      %dma_wait3A_218 = arith.constant 0 : i32
      %dma_wait3A_219 = tpu.memref_slice %arg8[%dma_wait3A_217, %dma_wait3A_218] : memref<128x128xf32, #tpu.memory_space<vmem>> -> memref<120x128xf32, #tpu.memory_space<vmem>>
      %dma_wait3A_220 = arith.constant 0 : i32
      %dma_wait3A_221 = tpu.memref_slice %arg9[%add3A_41, %dma_wait3A_220] : memref<10112x128xf32, #tpu.memory_space<vmem_shared>> -> memref<120x128xf32, #tpu.memory_space<vmem_shared>>
      %dma_wait3A_222 = arith.constant 0 : i32
      %dma_wait3A_223 = tpu.memref_slice %arg9[%add3A_41, %dma_wait3A_222] : memref<10112x128xf32, #tpu.memory_space<vmem_shared>> -> memref<120x128xf32, #tpu.memory_space<vmem_shared>>
      %dma_wait3A_224 = arith.constant 0 : i32
      %dma_wait3A_225 = arith.constant 0 : i32
      %dma_wait3A_226 = tpu.memref_slice %arg8[%dma_wait3A_224, %dma_wait3A_225] : memref<128x128xf32, #tpu.memory_space<vmem>> -> memref<120x128xf32, #tpu.memory_space<vmem>>
      tpu.wait_dma2 semaphore(%run_scoped3A_206 : memref<!tpu.dma_semaphore, #tpu.memory_space<semaphore_mem>>) src(%dma_wait3A_226 : memref<120x128xf32, #tpu.memory_space<vmem>>) dst(%dma_wait3A_223 : memref<120x128xf32, #tpu.memory_space<vmem_shared>>)
      tpu.yield
    }) : () -> ()
    %barrier3A = arith.constant 0 : index
    tpu.barrier barrier_id(%barrier3A)
    %dma_wait3A = arith.constant 0 : i32
    %dma_wait3A_42 = arith.constant 0 : i32
    %dma_wait3A_43 = arith.constant 0 : i32
    %dma_wait3A_44 = tpu.memref_slice %arg5[%dma_wait3A, %dma_wait3A_42, %dma_wait3A_43] : memref<3x2x128xi32, #tpu.memory_space<vmem>> -> memref<1x1x128xi32, #tpu.memory_space<vmem>>
    %dma_wait3A_45 = tpu.memref_squeeze %dma_wait3A_44 : memref<1x1x128xi32, #tpu.memory_space<vmem>> -> memref<128xi32, #tpu.memory_space<vmem>>
    %dma_wait3A_46 = arith.constant 0 : i32
    %dma_wait3A_47 = arith.constant 0 : i32
    %dma_wait3A_48 = tpu.memref_slice %arg2[%dma_wait3A_46, %dma_wait3A_47] : memref<10000x128xf32, #tpu.memory_space<hbm>> -> memref<10000x128xf32, #tpu.memory_space<hbm>>
    tpu.wait_indirect_dma semaphore(%arg10 : memref<!tpu.dma_semaphore, #tpu.memory_space<semaphore_mem>>) src(%dma_wait3A_48 : memref<10000x128xf32, #tpu.memory_space<hbm>>) dst(%arg6 : memref<128x128xf32, #tpu.memory_space<vmem>>)
    %dma_start3A_49 = arith.constant 0 : i32
    %dma_start3A_50 = arith.constant 1 : i32
    %dma_start3A_51 = arith.constant 0 : i32
    %dma_start3A_52 = tpu.memref_slice %arg5[%dma_start3A_49, %dma_start3A_50, %dma_start3A_51] : memref<3x2x128xi32, #tpu.memory_space<vmem>> -> memref<1x1x128xi32, #tpu.memory_space<vmem>>
    %dma_start3A_53 = tpu.memref_squeeze %dma_start3A_52 : memref<1x1x128xi32, #tpu.memory_space<vmem>> -> memref<128xi32, #tpu.memory_space<vmem>>
    %dma_start3A_54 = arith.constant 0 : i32
    %dma_start3A_55 = arith.constant 0 : i32
    %dma_start3A_56 = tpu.memref_slice %arg9[%dma_start3A_54, %dma_start3A_55] : memref<10112x128xf32, #tpu.memory_space<vmem_shared>> -> memref<10112x128xf32, #tpu.memory_space<vmem_shared>>
    tpu.enqueue_indirect_dma source(%arg6 : memref<128x128xf32, #tpu.memory_space<vmem>>) target(%dma_start3A_56 : memref<10112x128xf32, #tpu.memory_space<vmem_shared>>) offsets(%dma_start3A_53 : memref<128xi32, #tpu.memory_space<vmem>>) semaphore(%arg13 : memref<!tpu.dma_semaphore, #tpu.memory_space<semaphore_mem>>) {add = true}
    %add3A_57 = arith.constant 2 : i32
    %add3A_58 = arith.addi %mul3A_2, %add3A_57 : i32
    %run_scoped3A_59 = arith.constant 2 : i32
    "tpu.region"() ({
      %run_scoped3A_206 = tpu.sem_alloc : memref<!tpu.dma_semaphore, #tpu.memory_space<semaphore_mem>>
      %dma_start3A_207 = arith.constant 0 : i32
      %dma_start3A_208 = arith.constant 0 : i32
      %dma_start3A_209 = tpu.memref_slice %arg5[%run_scoped3A_59, %dma_start3A_207, %dma_start3A_208] : memref<3x2x128xi32, #tpu.memory_space<vmem>> -> memref<1x2x128xi32, #tpu.memory_space<vmem>>
      %dma_start3A_210 = tpu.memref_squeeze %dma_start3A_209 : memref<1x2x128xi32, #tpu.memory_space<vmem>> -> memref<2x128xi32, #tpu.memory_space<vmem>>
      %dma_start3A_211 = arith.constant 0 : i32
      %dma_start3A_212 = arith.constant 0 : i32
      %dma_start3A_213 = tpu.memref_slice %arg3[%add3A_58, %dma_start3A_211, %dma_start3A_212] : memref<2560x2x128xi32, #tpu.memory_space<hbm>> -> memref<1x2x128xi32, #tpu.memory_space<hbm>>
      %dma_start3A_214 = tpu.memref_squeeze %dma_start3A_213 : memref<1x2x128xi32, #tpu.memory_space<hbm>> -> memref<2x128xi32, #tpu.memory_space<hbm>>
      %dma_start3A_215 = arith.constant 0 : i32
      %dma_start3A_216 = arith.constant 0 : i32
      %dma_start3A_217 = tpu.memref_slice %arg5[%run_scoped3A_59, %dma_start3A_215, %dma_start3A_216] : memref<3x2x128xi32, #tpu.memory_space<vmem>> -> memref<1x2x128xi32, #tpu.memory_space<vmem>>
      %dma_start3A_218 = tpu.memref_squeeze %dma_start3A_217 : memref<1x2x128xi32, #tpu.memory_space<vmem>> -> memref<2x128xi32, #tpu.memory_space<vmem>>
      %dma_start3A_219 = arith.constant 0 : i32
      %dma_start3A_220 = arith.constant 0 : i32
      %dma_start3A_221 = tpu.memref_slice %arg3[%add3A_58, %dma_start3A_219, %dma_start3A_220] : memref<2560x2x128xi32, #tpu.memory_space<hbm>> -> memref<1x2x128xi32, #tpu.memory_space<hbm>>
      %dma_start3A_222 = tpu.memref_squeeze %dma_start3A_221 : memref<1x2x128xi32, #tpu.memory_space<hbm>> -> memref<2x128xi32, #tpu.memory_space<hbm>>
      tpu.enqueue_dma source(%dma_start3A_222 : memref<2x128xi32, #tpu.memory_space<hbm>>) target(%dma_start3A_218 : memref<2x128xi32, #tpu.memory_space<vmem>>) target_semaphore(%run_scoped3A_206 : memref<!tpu.dma_semaphore, #tpu.memory_space<semaphore_mem>>)
      %dma_wait3A_223 = arith.constant 0 : i32
      %dma_wait3A_224 = arith.constant 0 : i32
      %dma_wait3A_225 = tpu.memref_slice %arg5[%run_scoped3A_59, %dma_wait3A_223, %dma_wait3A_224] : memref<3x2x128xi32, #tpu.memory_space<vmem>> -> memref<1x2x128xi32, #tpu.memory_space<vmem>>
      %dma_wait3A_226 = tpu.memref_squeeze %dma_wait3A_225 : memref<1x2x128xi32, #tpu.memory_space<vmem>> -> memref<2x128xi32, #tpu.memory_space<vmem>>
      %dma_wait3A_227 = arith.constant 0 : i32
      %dma_wait3A_228 = arith.constant 0 : i32
      %dma_wait3A_229 = tpu.memref_slice %arg3[%add3A_58, %dma_wait3A_227, %dma_wait3A_228] : memref<2560x2x128xi32, #tpu.memory_space<hbm>> -> memref<1x2x128xi32, #tpu.memory_space<hbm>>
      %dma_wait3A_230 = tpu.memref_squeeze %dma_wait3A_229 : memref<1x2x128xi32, #tpu.memory_space<hbm>> -> memref<2x128xi32, #tpu.memory_space<hbm>>
      %dma_wait3A_231 = arith.constant 0 : i32
      %dma_wait3A_232 = arith.constant 0 : i32
      %dma_wait3A_233 = tpu.memref_slice %arg5[%run_scoped3A_59, %dma_wait3A_231, %dma_wait3A_232] : memref<3x2x128xi32, #tpu.memory_space<vmem>> -> memref<1x2x128xi32, #tpu.memory_space<vmem>>
      %dma_wait3A_234 = tpu.memref_squeeze %dma_wait3A_233 : memref<1x2x128xi32, #tpu.memory_space<vmem>> -> memref<2x128xi32, #tpu.memory_space<vmem>>
      %dma_wait3A_235 = arith.constant 0 : i32
      %dma_wait3A_236 = arith.constant 0 : i32
      %dma_wait3A_237 = tpu.memref_slice %arg3[%add3A_58, %dma_wait3A_235, %dma_wait3A_236] : memref<2560x2x128xi32, #tpu.memory_space<hbm>> -> memref<1x2x128xi32, #tpu.memory_space<hbm>>
      %dma_wait3A_238 = tpu.memref_squeeze %dma_wait3A_237 : memref<1x2x128xi32, #tpu.memory_space<hbm>> -> memref<2x128xi32, #tpu.memory_space<hbm>>
      tpu.wait_dma2 semaphore(%run_scoped3A_206 : memref<!tpu.dma_semaphore, #tpu.memory_space<semaphore_mem>>) src(%dma_wait3A_238 : memref<2x128xi32, #tpu.memory_space<hbm>>) dst(%dma_wait3A_234 : memref<2x128xi32, #tpu.memory_space<vmem>>)
      tpu.yield
    }) : () -> ()
    %dma_start3A_60 = arith.constant 2 : i32
    %dma_start3A_61 = arith.constant 0 : i32
    %dma_start3A_62 = arith.constant 0 : i32
    %dma_start3A_63 = tpu.memref_slice %arg5[%dma_start3A_60, %dma_start3A_61, %dma_start3A_62] : memref<3x2x128xi32, #tpu.memory_space<vmem>> -> memref<1x1x128xi32, #tpu.memory_space<vmem>>
    %dma_start3A_64 = tpu.memref_squeeze %dma_start3A_63 : memref<1x1x128xi32, #tpu.memory_space<vmem>> -> memref<128xi32, #tpu.memory_space<vmem>>
    %dma_start3A_65 = arith.constant 0 : i32
    %dma_start3A_66 = arith.constant 0 : i32
    %dma_start3A_67 = tpu.memref_slice %arg2[%dma_start3A_65, %dma_start3A_66] : memref<10000x128xf32, #tpu.memory_space<hbm>> -> memref<10000x128xf32, #tpu.memory_space<hbm>>
    tpu.enqueue_indirect_dma source(%dma_start3A_67 : memref<10000x128xf32, #tpu.memory_space<hbm>>) target(%arg8 : memref<128x128xf32, #tpu.memory_space<vmem>>) offsets(%dma_start3A_64 : memref<128xi32, #tpu.memory_space<vmem>>) semaphore(%arg12 : memref<!tpu.dma_semaphore, #tpu.memory_space<semaphore_mem>>)
    %dma_wait3A_68 = arith.constant 1 : i32
    %dma_wait3A_69 = arith.constant 0 : i32
    %dma_wait3A_70 = arith.constant 0 : i32
    %dma_wait3A_71 = tpu.memref_slice %arg5[%dma_wait3A_68, %dma_wait3A_69, %dma_wait3A_70] : memref<3x2x128xi32, #tpu.memory_space<vmem>> -> memref<1x1x128xi32, #tpu.memory_space<vmem>>
    %dma_wait3A_72 = tpu.memref_squeeze %dma_wait3A_71 : memref<1x1x128xi32, #tpu.memory_space<vmem>> -> memref<128xi32, #tpu.memory_space<vmem>>
    %dma_wait3A_73 = arith.constant 0 : i32
    %dma_wait3A_74 = arith.constant 0 : i32
    %dma_wait3A_75 = tpu.memref_slice %arg2[%dma_wait3A_73, %dma_wait3A_74] : memref<10000x128xf32, #tpu.memory_space<hbm>> -> memref<10000x128xf32, #tpu.memory_space<hbm>>
    tpu.wait_indirect_dma semaphore(%arg11 : memref<!tpu.dma_semaphore, #tpu.memory_space<semaphore_mem>>) src(%dma_wait3A_75 : memref<10000x128xf32, #tpu.memory_space<hbm>>) dst(%arg7 : memref<128x128xf32, #tpu.memory_space<vmem>>)
    %dma_start3A_76 = arith.constant 1 : i32
    %dma_start3A_77 = arith.constant 1 : i32
    %dma_start3A_78 = arith.constant 0 : i32
    %dma_start3A_79 = tpu.memref_slice %arg5[%dma_start3A_76, %dma_start3A_77, %dma_start3A_78] : memref<3x2x128xi32, #tpu.memory_space<vmem>> -> memref<1x1x128xi32, #tpu.memory_space<vmem>>
    %dma_start3A_80 = tpu.memref_squeeze %dma_start3A_79 : memref<1x1x128xi32, #tpu.memory_space<vmem>> -> memref<128xi32, #tpu.memory_space<vmem>>
    %dma_start3A_81 = arith.constant 0 : i32
    %dma_start3A_82 = arith.constant 0 : i32
    %dma_start3A_83 = tpu.memref_slice %arg9[%dma_start3A_81, %dma_start3A_82] : memref<10112x128xf32, #tpu.memory_space<vmem_shared>> -> memref<10112x128xf32, #tpu.memory_space<vmem_shared>>
    tpu.enqueue_indirect_dma source(%arg7 : memref<128x128xf32, #tpu.memory_space<vmem>>) target(%dma_start3A_83 : memref<10112x128xf32, #tpu.memory_space<vmem_shared>>) offsets(%dma_start3A_80 : memref<128xi32, #tpu.memory_space<vmem>>) semaphore(%arg14 : memref<!tpu.dma_semaphore, #tpu.memory_space<semaphore_mem>>) {add = true}
    %dma_wait3A_84 = arith.constant 0 : i32
    %dma_wait3A_85 = arith.constant 1 : i32
    %dma_wait3A_86 = arith.constant 0 : i32
    %dma_wait3A_87 = tpu.memref_slice %arg5[%dma_wait3A_84, %dma_wait3A_85, %dma_wait3A_86] : memref<3x2x128xi32, #tpu.memory_space<vmem>> -> memref<1x1x128xi32, #tpu.memory_space<vmem>>
    %dma_wait3A_88 = tpu.memref_squeeze %dma_wait3A_87 : memref<1x1x128xi32, #tpu.memory_space<vmem>> -> memref<128xi32, #tpu.memory_space<vmem>>
    %dma_wait3A_89 = arith.constant 0 : i32
    %dma_wait3A_90 = arith.constant 0 : i32
    %dma_wait3A_91 = tpu.memref_slice %arg9[%dma_wait3A_89, %dma_wait3A_90] : memref<10112x128xf32, #tpu.memory_space<vmem_shared>> -> memref<10112x128xf32, #tpu.memory_space<vmem_shared>>
    tpu.wait_indirect_dma semaphore(%arg13 : memref<!tpu.dma_semaphore, #tpu.memory_space<semaphore_mem>>) src(%arg6 : memref<128x128xf32, #tpu.memory_space<vmem>>) dst(%dma_wait3A_91 : memref<10112x128xf32, #tpu.memory_space<vmem_shared>>)
    %add3A_92 = arith.constant 3 : i32
    %add3A_93 = arith.addi %mul3A_2, %add3A_92 : i32
    %run_scoped3A_94 = arith.constant 0 : i32
    "tpu.region"() ({
      %run_scoped3A_206 = tpu.sem_alloc : memref<!tpu.dma_semaphore, #tpu.memory_space<semaphore_mem>>
      %dma_start3A_207 = arith.constant 0 : i32
      %dma_start3A_208 = arith.constant 0 : i32
      %dma_start3A_209 = tpu.memref_slice %arg5[%run_scoped3A_94, %dma_start3A_207, %dma_start3A_208] : memref<3x2x128xi32, #tpu.memory_space<vmem>> -> memref<1x2x128xi32, #tpu.memory_space<vmem>>
      %dma_start3A_210 = tpu.memref_squeeze %dma_start3A_209 : memref<1x2x128xi32, #tpu.memory_space<vmem>> -> memref<2x128xi32, #tpu.memory_space<vmem>>
      %dma_start3A_211 = arith.constant 0 : i32
      %dma_start3A_212 = arith.constant 0 : i32
      %dma_start3A_213 = tpu.memref_slice %arg3[%add3A_93, %dma_start3A_211, %dma_start3A_212] : memref<2560x2x128xi32, #tpu.memory_space<hbm>> -> memref<1x2x128xi32, #tpu.memory_space<hbm>>
      %dma_start3A_214 = tpu.memref_squeeze %dma_start3A_213 : memref<1x2x128xi32, #tpu.memory_space<hbm>> -> memref<2x128xi32, #tpu.memory_space<hbm>>
      %dma_start3A_215 = arith.constant 0 : i32
      %dma_start3A_216 = arith.constant 0 : i32
      %dma_start3A_217 = tpu.memref_slice %arg5[%run_scoped3A_94, %dma_start3A_215, %dma_start3A_216] : memref<3x2x128xi32, #tpu.memory_space<vmem>> -> memref<1x2x128xi32, #tpu.memory_space<vmem>>
      %dma_start3A_218 = tpu.memref_squeeze %dma_start3A_217 : memref<1x2x128xi32, #tpu.memory_space<vmem>> -> memref<2x128xi32, #tpu.memory_space<vmem>>
      %dma_start3A_219 = arith.constant 0 : i32
      %dma_start3A_220 = arith.constant 0 : i32
      %dma_start3A_221 = tpu.memref_slice %arg3[%add3A_93, %dma_start3A_219, %dma_start3A_220] : memref<2560x2x128xi32, #tpu.memory_space<hbm>> -> memref<1x2x128xi32, #tpu.memory_space<hbm>>
      %dma_start3A_222 = tpu.memref_squeeze %dma_start3A_221 : memref<1x2x128xi32, #tpu.memory_space<hbm>> -> memref<2x128xi32, #tpu.memory_space<hbm>>
      tpu.enqueue_dma source(%dma_start3A_222 : memref<2x128xi32, #tpu.memory_space<hbm>>) target(%dma_start3A_218 : memref<2x128xi32, #tpu.memory_space<vmem>>) target_semaphore(%run_scoped3A_206 : memref<!tpu.dma_semaphore, #tpu.memory_space<semaphore_mem>>)
      %dma_wait3A_223 = arith.constant 0 : i32
      %dma_wait3A_224 = arith.constant 0 : i32
      %dma_wait3A_225 = tpu.memref_slice %arg5[%run_scoped3A_94, %dma_wait3A_223, %dma_wait3A_224] : memref<3x2x128xi32, #tpu.memory_space<vmem>> -> memref<1x2x128xi32, #tpu.memory_space<vmem>>
      %dma_wait3A_226 = tpu.memref_squeeze %dma_wait3A_225 : memref<1x2x128xi32, #tpu.memory_space<vmem>> -> memref<2x128xi32, #tpu.memory_space<vmem>>
      %dma_wait3A_227 = arith.constant 0 : i32
      %dma_wait3A_228 = arith.constant 0 : i32
      %dma_wait3A_229 = tpu.memref_slice %arg3[%add3A_93, %dma_wait3A_227, %dma_wait3A_228] : memref<2560x2x128xi32, #tpu.memory_space<hbm>> -> memref<1x2x128xi32, #tpu.memory_space<hbm>>
      %dma_wait3A_230 = tpu.memref_squeeze %dma_wait3A_229 : memref<1x2x128xi32, #tpu.memory_space<hbm>> -> memref<2x128xi32, #tpu.memory_space<hbm>>
      %dma_wait3A_231 = arith.constant 0 : i32
      %dma_wait3A_232 = arith.constant 0 : i32
      %dma_wait3A_233 = tpu.memref_slice %arg5[%run_scoped3A_94, %dma_wait3A_231, %dma_wait3A_232] : memref<3x2x128xi32, #tpu.memory_space<vmem>> -> memref<1x2x128xi32, #tpu.memory_space<vmem>>
      %dma_wait3A_234 = tpu.memref_squeeze %dma_wait3A_233 : memref<1x2x128xi32, #tpu.memory_space<vmem>> -> memref<2x128xi32, #tpu.memory_space<vmem>>
      %dma_wait3A_235 = arith.constant 0 : i32
      %dma_wait3A_236 = arith.constant 0 : i32
      %dma_wait3A_237 = tpu.memref_slice %arg3[%add3A_93, %dma_wait3A_235, %dma_wait3A_236] : memref<2560x2x128xi32, #tpu.memory_space<hbm>> -> memref<1x2x128xi32, #tpu.memory_space<hbm>>
      %dma_wait3A_238 = tpu.memref_squeeze %dma_wait3A_237 : memref<1x2x128xi32, #tpu.memory_space<hbm>> -> memref<2x128xi32, #tpu.memory_space<hbm>>
      tpu.wait_dma2 semaphore(%run_scoped3A_206 : memref<!tpu.dma_semaphore, #tpu.memory_space<semaphore_mem>>) src(%dma_wait3A_238 : memref<2x128xi32, #tpu.memory_space<hbm>>) dst(%dma_wait3A_234 : memref<2x128xi32, #tpu.memory_space<vmem>>)
      tpu.yield
    }) : () -> ()
    %dma_start3A_95 = arith.constant 0 : i32
    %dma_start3A_96 = arith.constant 0 : i32
    %dma_start3A_97 = arith.constant 0 : i32
    %dma_start3A_98 = tpu.memref_slice %arg5[%dma_start3A_95, %dma_start3A_96, %dma_start3A_97] : memref<3x2x128xi32, #tpu.memory_space<vmem>> -> memref<1x1x128xi32, #tpu.memory_space<vmem>>
    %dma_start3A_99 = tpu.memref_squeeze %dma_start3A_98 : memref<1x1x128xi32, #tpu.memory_space<vmem>> -> memref<128xi32, #tpu.memory_space<vmem>>
    %dma_start3A_100 = arith.constant 0 : i32
    %dma_start3A_101 = arith.constant 0 : i32
    %dma_start3A_102 = tpu.memref_slice %arg2[%dma_start3A_100, %dma_start3A_101] : memref<10000x128xf32, #tpu.memory_space<hbm>> -> memref<10000x128xf32, #tpu.memory_space<hbm>>
    tpu.enqueue_indirect_dma source(%dma_start3A_102 : memref<10000x128xf32, #tpu.memory_space<hbm>>) target(%arg6 : memref<128x128xf32, #tpu.memory_space<vmem>>) offsets(%dma_start3A_99 : memref<128xi32, #tpu.memory_space<vmem>>) semaphore(%arg10 : memref<!tpu.dma_semaphore, #tpu.memory_space<semaphore_mem>>)
    %scan3A_103 = arith.constant 0 : i32
    %scan3A_104 = arith.constant 0 : i32
    %scan3A_105 = arith.constant 25 : i32
    %scan3A_106 = arith.addi %scan3A_104, %scan3A_105 : i32
    %scan3A_107 = arith.constant 1 : i32
    %scan3A_108 = scf.for %scan3A_206 = %scan3A_104 to %scan3A_106 step %scan3A_107 iter_args(%scan3A_207 = %scan3A_103) -> (i32)  : i32 {
      %mul3A_208 = arith.constant 3 : i32
      %mul3A_209 = arith.muli %mul3A_208, %scan3A_206 : i32
      %add3A_210 = arith.constant 2 : i32
      %add3A_211 = arith.addi %mul3A_209, %add3A_210 : i32
      %dma_wait3A_212 = arith.constant 2 : i32
      %dma_wait3A_213 = arith.constant 0 : i32
      %dma_wait3A_214 = arith.constant 0 : i32
      %dma_wait3A_215 = tpu.memref_slice %arg5[%dma_wait3A_212, %dma_wait3A_213, %dma_wait3A_214] : memref<3x2x128xi32, #tpu.memory_space<vmem>> -> memref<1x1x128xi32, #tpu.memory_space<vmem>>
      %dma_wait3A_216 = tpu.memref_squeeze %dma_wait3A_215 : memref<1x1x128xi32, #tpu.memory_space<vmem>> -> memref<128xi32, #tpu.memory_space<vmem>>
      %dma_wait3A_217 = arith.constant 0 : i32
      %dma_wait3A_218 = arith.constant 0 : i32
      %dma_wait3A_219 = tpu.memref_slice %arg2[%dma_wait3A_217, %dma_wait3A_218] : memref<10000x128xf32, #tpu.memory_space<hbm>> -> memref<10000x128xf32, #tpu.memory_space<hbm>>
      tpu.wait_indirect_dma semaphore(%arg12 : memref<!tpu.dma_semaphore, #tpu.memory_space<semaphore_mem>>) src(%dma_wait3A_219 : memref<10000x128xf32, #tpu.memory_space<hbm>>) dst(%arg8 : memref<128x128xf32, #tpu.memory_space<vmem>>)
      %dma_start3A_220 = arith.constant 2 : i32
      %dma_start3A_221 = arith.constant 1 : i32
      %dma_start3A_222 = arith.constant 0 : i32
      %dma_start3A_223 = tpu.memref_slice %arg5[%dma_start3A_220, %dma_start3A_221, %dma_start3A_222] : memref<3x2x128xi32, #tpu.memory_space<vmem>> -> memref<1x1x128xi32, #tpu.memory_space<vmem>>
      %dma_start3A_224 = tpu.memref_squeeze %dma_start3A_223 : memref<1x1x128xi32, #tpu.memory_space<vmem>> -> memref<128xi32, #tpu.memory_space<vmem>>
      %dma_start3A_225 = arith.constant 0 : i32
      %dma_start3A_226 = arith.constant 0 : i32
      %dma_start3A_227 = tpu.memref_slice %arg9[%dma_start3A_225, %dma_start3A_226] : memref<10112x128xf32, #tpu.memory_space<vmem_shared>> -> memref<10112x128xf32, #tpu.memory_space<vmem_shared>>
      tpu.enqueue_indirect_dma source(%arg8 : memref<128x128xf32, #tpu.memory_space<vmem>>) target(%dma_start3A_227 : memref<10112x128xf32, #tpu.memory_space<vmem_shared>>) offsets(%dma_start3A_224 : memref<128xi32, #tpu.memory_space<vmem>>) semaphore(%arg15 : memref<!tpu.dma_semaphore, #tpu.memory_space<semaphore_mem>>) {add = true}
      %dma_wait3A_228 = arith.constant 1 : i32
      %dma_wait3A_229 = arith.constant 1 : i32
      %dma_wait3A_230 = arith.constant 0 : i32
      %dma_wait3A_231 = tpu.memref_slice %arg5[%dma_wait3A_228, %dma_wait3A_229, %dma_wait3A_230] : memref<3x2x128xi32, #tpu.memory_space<vmem>> -> memref<1x1x128xi32, #tpu.memory_space<vmem>>
      %dma_wait3A_232 = tpu.memref_squeeze %dma_wait3A_231 : memref<1x1x128xi32, #tpu.memory_space<vmem>> -> memref<128xi32, #tpu.memory_space<vmem>>
      %dma_wait3A_233 = arith.constant 0 : i32
      %dma_wait3A_234 = arith.constant 0 : i32
      %dma_wait3A_235 = tpu.memref_slice %arg9[%dma_wait3A_233, %dma_wait3A_234] : memref<10112x128xf32, #tpu.memory_space<vmem_shared>> -> memref<10112x128xf32, #tpu.memory_space<vmem_shared>>
      tpu.wait_indirect_dma semaphore(%arg14 : memref<!tpu.dma_semaphore, #tpu.memory_space<semaphore_mem>>) src(%arg7 : memref<128x128xf32, #tpu.memory_space<vmem>>) dst(%dma_wait3A_235 : memref<10112x128xf32, #tpu.memory_space<vmem_shared>>)
      %add3A_236 = arith.constant 2 : i32
      %add3A_237 = arith.addi %add3A_211, %add3A_236 : i32
      %add3A_238 = arith.addi %mul3A_2, %add3A_237 : i32
      %run_scoped3A_239 = arith.constant 1 : i32
      "tpu.region"() ({
        %run_scoped3A_325 = tpu.sem_alloc : memref<!tpu.dma_semaphore, #tpu.memory_space<semaphore_mem>>
        %dma_start3A_326 = arith.constant 0 : i32
        %dma_start3A_327 = arith.constant 0 : i32
        %dma_start3A_328 = tpu.memref_slice %arg5[%run_scoped3A_239, %dma_start3A_326, %dma_start3A_327] : memref<3x2x128xi32, #tpu.memory_space<vmem>> -> memref<1x2x128xi32, #tpu.memory_space<vmem>>
        %dma_start3A_329 = tpu.memref_squeeze %dma_start3A_328 : memref<1x2x128xi32, #tpu.memory_space<vmem>> -> memref<2x128xi32, #tpu.memory_space<vmem>>
        %dma_start3A_330 = arith.constant 0 : i32
        %dma_start3A_331 = arith.constant 0 : i32
        %dma_start3A_332 = tpu.memref_slice %arg3[%add3A_238, %dma_start3A_330, %dma_start3A_331] : memref<2560x2x128xi32, #tpu.memory_space<hbm>> -> memref<1x2x128xi32, #tpu.memory_space<hbm>>
        %dma_start3A_333 = tpu.memref_squeeze %dma_start3A_332 : memref<1x2x128xi32, #tpu.memory_space<hbm>> -> memref<2x128xi32, #tpu.memory_space<hbm>>
        %dma_start3A_334 = arith.constant 0 : i32
        %dma_start3A_335 = arith.constant 0 : i32
        %dma_start3A_336 = tpu.memref_slice %arg5[%run_scoped3A_239, %dma_start3A_334, %dma_start3A_335] : memref<3x2x128xi32, #tpu.memory_space<vmem>> -> memref<1x2x128xi32, #tpu.memory_space<vmem>>
        %dma_start3A_337 = tpu.memref_squeeze %dma_start3A_336 : memref<1x2x128xi32, #tpu.memory_space<vmem>> -> memref<2x128xi32, #tpu.memory_space<vmem>>
        %dma_start3A_338 = arith.constant 0 : i32
        %dma_start3A_339 = arith.constant 0 : i32
        %dma_start3A_340 = tpu.memref_slice %arg3[%add3A_238, %dma_start3A_338, %dma_start3A_339] : memref<2560x2x128xi32, #tpu.memory_space<hbm>> -> memref<1x2x128xi32, #tpu.memory_space<hbm>>
        %dma_start3A_341 = tpu.memref_squeeze %dma_start3A_340 : memref<1x2x128xi32, #tpu.memory_space<hbm>> -> memref<2x128xi32, #tpu.memory_space<hbm>>
        tpu.enqueue_dma source(%dma_start3A_341 : memref<2x128xi32, #tpu.memory_space<hbm>>) target(%dma_start3A_337 : memref<2x128xi32, #tpu.memory_space<vmem>>) target_semaphore(%run_scoped3A_325 : memref<!tpu.dma_semaphore, #tpu.memory_space<semaphore_mem>>)
        %dma_wait3A_342 = arith.constant 0 : i32
        %dma_wait3A_343 = arith.constant 0 : i32
        %dma_wait3A_344 = tpu.memref_slice %arg5[%run_scoped3A_239, %dma_wait3A_342, %dma_wait3A_343] : memref<3x2x128xi32, #tpu.memory_space<vmem>> -> memref<1x2x128xi32, #tpu.memory_space<vmem>>
        %dma_wait3A_345 = tpu.memref_squeeze %dma_wait3A_344 : memref<1x2x128xi32, #tpu.memory_space<vmem>> -> memref<2x128xi32, #tpu.memory_space<vmem>>
        %dma_wait3A_346 = arith.constant 0 : i32
        %dma_wait3A_347 = arith.constant 0 : i32
        %dma_wait3A_348 = tpu.memref_slice %arg3[%add3A_238, %dma_wait3A_346, %dma_wait3A_347] : memref<2560x2x128xi32, #tpu.memory_space<hbm>> -> memref<1x2x128xi32, #tpu.memory_space<hbm>>
        %dma_wait3A_349 = tpu.memref_squeeze %dma_wait3A_348 : memref<1x2x128xi32, #tpu.memory_space<hbm>> -> memref<2x128xi32, #tpu.memory_space<hbm>>
        %dma_wait3A_350 = arith.constant 0 : i32
        %dma_wait3A_351 = arith.constant 0 : i32
        %dma_wait3A_352 = tpu.memref_slice %arg5[%run_scoped3A_239, %dma_wait3A_350, %dma_wait3A_351] : memref<3x2x128xi32, #tpu.memory_space<vmem>> -> memref<1x2x128xi32, #tpu.memory_space<vmem>>
        %dma_wait3A_353 = tpu.memref_squeeze %dma_wait3A_352 : memref<1x2x128xi32, #tpu.memory_space<vmem>> -> memref<2x128xi32, #tpu.memory_space<vmem>>
        %dma_wait3A_354 = arith.constant 0 : i32
        %dma_wait3A_355 = arith.constant 0 : i32
        %dma_wait3A_356 = tpu.memref_slice %arg3[%add3A_238, %dma_wait3A_354, %dma_wait3A_355] : memref<2560x2x128xi32, #tpu.memory_space<hbm>> -> memref<1x2x128xi32, #tpu.memory_space<hbm>>
        %dma_wait3A_357 = tpu.memref_squeeze %dma_wait3A_356 : memref<1x2x128xi32, #tpu.memory_space<hbm>> -> memref<2x128xi32, #tpu.memory_space<hbm>>
        tpu.wait_dma2 semaphore(%run_scoped3A_325 : memref<!tpu.dma_semaphore, #tpu.memory_space<semaphore_mem>>) src(%dma_wait3A_357 : memref<2x128xi32, #tpu.memory_space<hbm>>) dst(%dma_wait3A_353 : memref<2x128xi32, #tpu.memory_space<vmem>>)
        tpu.yield
      }) : () -> ()
      %dma_start3A_240 = arith.constant 1 : i32
      %dma_start3A_241 = arith.constant 0 : i32
      %dma_start3A_242 = arith.constant 0 : i32
      %dma_start3A_243 = tpu.memref_slice %arg5[%dma_start3A_240, %dma_start3A_241, %dma_start3A_242] : memref<3x2x128xi32, #tpu.memory_space<vmem>> -> memref<1x1x128xi32, #tpu.memory_space<vmem>>
      %dma_start3A_244 = tpu.memref_squeeze %dma_start3A_243 : memref<1x1x128xi32, #tpu.memory_space<vmem>> -> memref<128xi32, #tpu.memory_space<vmem>>
      %dma_start3A_245 = arith.constant 0 : i32
      %dma_start3A_246 = arith.constant 0 : i32
      %dma_start3A_247 = tpu.memref_slice %arg2[%dma_start3A_245, %dma_start3A_246] : memref<10000x128xf32, #tpu.memory_space<hbm>> -> memref<10000x128xf32, #tpu.memory_space<hbm>>
      tpu.enqueue_indirect_dma source(%dma_start3A_247 : memref<10000x128xf32, #tpu.memory_space<hbm>>) target(%arg7 : memref<128x128xf32, #tpu.memory_space<vmem>>) offsets(%dma_start3A_244 : memref<128xi32, #tpu.memory_space<vmem>>) semaphore(%arg11 : memref<!tpu.dma_semaphore, #tpu.memory_space<semaphore_mem>>)
      %add3A_248 = arith.constant 1 : i32
      %add3A_249 = arith.addi %add3A_211, %add3A_248 : i32
      %dma_wait3A_250 = arith.constant 0 : i32
      %dma_wait3A_251 = arith.constant 0 : i32
      %dma_wait3A_252 = arith.constant 0 : i32
      %dma_wait3A_253 = tpu.memref_slice %arg5[%dma_wait3A_250, %dma_wait3A_251, %dma_wait3A_252] : memref<3x2x128xi32, #tpu.memory_space<vmem>> -> memref<1x1x128xi32, #tpu.memory_space<vmem>>
      %dma_wait3A_254 = tpu.memref_squeeze %dma_wait3A_253 : memref<1x1x128xi32, #tpu.memory_space<vmem>> -> memref<128xi32, #tpu.memory_space<vmem>>
      %dma_wait3A_255 = arith.constant 0 : i32
      %dma_wait3A_256 = arith.constant 0 : i32
      %dma_wait3A_257 = tpu.memref_slice %arg2[%dma_wait3A_255, %dma_wait3A_256] : memref<10000x128xf32, #tpu.memory_space<hbm>> -> memref<10000x128xf32, #tpu.memory_space<hbm>>
      tpu.wait_indirect_dma semaphore(%arg10 : memref<!tpu.dma_semaphore, #tpu.memory_space<semaphore_mem>>) src(%dma_wait3A_257 : memref<10000x128xf32, #tpu.memory_space<hbm>>) dst(%arg6 : memref<128x128xf32, #tpu.memory_space<vmem>>)
      %dma_start3A_258 = arith.constant 0 : i32
      %dma_start3A_259 = arith.constant 1 : i32
      %dma_start3A_260 = arith.constant 0 : i32
      %dma_start3A_261 = tpu.memref_slice %arg5[%dma_start3A_258, %dma_start3A_259, %dma_start3A_260] : memref<3x2x128xi32, #tpu.memory_space<vmem>> -> memref<1x1x128xi32, #tpu.memory_space<vmem>>
      %dma_start3A_262 = tpu.memref_squeeze %dma_start3A_261 : memref<1x1x128xi32, #tpu.memory_space<vmem>> -> memref<128xi32, #tpu.memory_space<vmem>>
      %dma_start3A_263 = arith.constant 0 : i32
      %dma_start3A_264 = arith.constant 0 : i32
      %dma_start3A_265 = tpu.memref_slice %arg9[%dma_start3A_263, %dma_start3A_264] : memref<10112x128xf32, #tpu.memory_space<vmem_shared>> -> memref<10112x128xf32, #tpu.memory_space<vmem_shared>>
      tpu.enqueue_indirect_dma source(%arg6 : memref<128x128xf32, #tpu.memory_space<vmem>>) target(%dma_start3A_265 : memref<10112x128xf32, #tpu.memory_space<vmem_shared>>) offsets(%dma_start3A_262 : memref<128xi32, #tpu.memory_space<vmem>>) semaphore(%arg13 : memref<!tpu.dma_semaphore, #tpu.memory_space<semaphore_mem>>) {add = true}
      %dma_wait3A_266 = arith.constant 2 : i32
      %dma_wait3A_267 = arith.constant 1 : i32
      %dma_wait3A_268 = arith.constant 0 : i32
      %dma_wait3A_269 = tpu.memref_slice %arg5[%dma_wait3A_266, %dma_wait3A_267, %dma_wait3A_268] : memref<3x2x128xi32, #tpu.memory_space<vmem>> -> memref<1x1x128xi32, #tpu.memory_space<vmem>>
      %dma_wait3A_270 = tpu.memref_squeeze %dma_wait3A_269 : memref<1x1x128xi32, #tpu.memory_space<vmem>> -> memref<128xi32, #tpu.memory_space<vmem>>
      %dma_wait3A_271 = arith.constant 0 : i32
      %dma_wait3A_272 = arith.constant 0 : i32
      %dma_wait3A_273 = tpu.memref_slice %arg9[%dma_wait3A_271, %dma_wait3A_272] : memref<10112x128xf32, #tpu.memory_space<vmem_shared>> -> memref<10112x128xf32, #tpu.memory_space<vmem_shared>>
      tpu.wait_indirect_dma semaphore(%arg15 : memref<!tpu.dma_semaphore, #tpu.memory_space<semaphore_mem>>) src(%arg8 : memref<128x128xf32, #tpu.memory_space<vmem>>) dst(%dma_wait3A_273 : memref<10112x128xf32, #tpu.memory_space<vmem_shared>>)
      %add3A_274 = arith.constant 2 : i32
      %add3A_275 = arith.addi %add3A_249, %add3A_274 : i32
      %add3A_276 = arith.addi %mul3A_2, %add3A_275 : i32
      %run_scoped3A_277 = arith.constant 2 : i32
      "tpu.region"() ({
        %run_scoped3A_325 = tpu.sem_alloc : memref<!tpu.dma_semaphore, #tpu.memory_space<semaphore_mem>>
        %dma_start3A_326 = arith.constant 0 : i32
        %dma_start3A_327 = arith.constant 0 : i32
        %dma_start3A_328 = tpu.memref_slice %arg5[%run_scoped3A_277, %dma_start3A_326, %dma_start3A_327] : memref<3x2x128xi32, #tpu.memory_space<vmem>> -> memref<1x2x128xi32, #tpu.memory_space<vmem>>
        %dma_start3A_329 = tpu.memref_squeeze %dma_start3A_328 : memref<1x2x128xi32, #tpu.memory_space<vmem>> -> memref<2x128xi32, #tpu.memory_space<vmem>>
        %dma_start3A_330 = arith.constant 0 : i32
        %dma_start3A_331 = arith.constant 0 : i32
        %dma_start3A_332 = tpu.memref_slice %arg3[%add3A_276, %dma_start3A_330, %dma_start3A_331] : memref<2560x2x128xi32, #tpu.memory_space<hbm>> -> memref<1x2x128xi32, #tpu.memory_space<hbm>>
        %dma_start3A_333 = tpu.memref_squeeze %dma_start3A_332 : memref<1x2x128xi32, #tpu.memory_space<hbm>> -> memref<2x128xi32, #tpu.memory_space<hbm>>
        %dma_start3A_334 = arith.constant 0 : i32
        %dma_start3A_335 = arith.constant 0 : i32
        %dma_start3A_336 = tpu.memref_slice %arg5[%run_scoped3A_277, %dma_start3A_334, %dma_start3A_335] : memref<3x2x128xi32, #tpu.memory_space<vmem>> -> memref<1x2x128xi32, #tpu.memory_space<vmem>>
        %dma_start3A_337 = tpu.memref_squeeze %dma_start3A_336 : memref<1x2x128xi32, #tpu.memory_space<vmem>> -> memref<2x128xi32, #tpu.memory_space<vmem>>
        %dma_start3A_338 = arith.constant 0 : i32
        %dma_start3A_339 = arith.constant 0 : i32
        %dma_start3A_340 = tpu.memref_slice %arg3[%add3A_276, %dma_start3A_338, %dma_start3A_339] : memref<2560x2x128xi32, #tpu.memory_space<hbm>> -> memref<1x2x128xi32, #tpu.memory_space<hbm>>
        %dma_start3A_341 = tpu.memref_squeeze %dma_start3A_340 : memref<1x2x128xi32, #tpu.memory_space<hbm>> -> memref<2x128xi32, #tpu.memory_space<hbm>>
        tpu.enqueue_dma source(%dma_start3A_341 : memref<2x128xi32, #tpu.memory_space<hbm>>) target(%dma_start3A_337 : memref<2x128xi32, #tpu.memory_space<vmem>>) target_semaphore(%run_scoped3A_325 : memref<!tpu.dma_semaphore, #tpu.memory_space<semaphore_mem>>)
        %dma_wait3A_342 = arith.constant 0 : i32
        %dma_wait3A_343 = arith.constant 0 : i32
        %dma_wait3A_344 = tpu.memref_slice %arg5[%run_scoped3A_277, %dma_wait3A_342, %dma_wait3A_343] : memref<3x2x128xi32, #tpu.memory_space<vmem>> -> memref<1x2x128xi32, #tpu.memory_space<vmem>>
        %dma_wait3A_345 = tpu.memref_squeeze %dma_wait3A_344 : memref<1x2x128xi32, #tpu.memory_space<vmem>> -> memref<2x128xi32, #tpu.memory_space<vmem>>
        %dma_wait3A_346 = arith.constant 0 : i32
        %dma_wait3A_347 = arith.constant 0 : i32
        %dma_wait3A_348 = tpu.memref_slice %arg3[%add3A_276, %dma_wait3A_346, %dma_wait3A_347] : memref<2560x2x128xi32, #tpu.memory_space<hbm>> -> memref<1x2x128xi32, #tpu.memory_space<hbm>>
        %dma_wait3A_349 = tpu.memref_squeeze %dma_wait3A_348 : memref<1x2x128xi32, #tpu.memory_space<hbm>> -> memref<2x128xi32, #tpu.memory_space<hbm>>
        %dma_wait3A_350 = arith.constant 0 : i32
        %dma_wait3A_351 = arith.constant 0 : i32
        %dma_wait3A_352 = tpu.memref_slice %arg5[%run_scoped3A_277, %dma_wait3A_350, %dma_wait3A_351] : memref<3x2x128xi32, #tpu.memory_space<vmem>> -> memref<1x2x128xi32, #tpu.memory_space<vmem>>
        %dma_wait3A_353 = tpu.memref_squeeze %dma_wait3A_352 : memref<1x2x128xi32, #tpu.memory_space<vmem>> -> memref<2x128xi32, #tpu.memory_space<vmem>>
        %dma_wait3A_354 = arith.constant 0 : i32
        %dma_wait3A_355 = arith.constant 0 : i32
        %dma_wait3A_356 = tpu.memref_slice %arg3[%add3A_276, %dma_wait3A_354, %dma_wait3A_355] : memref<2560x2x128xi32, #tpu.memory_space<hbm>> -> memref<1x2x128xi32, #tpu.memory_space<hbm>>
        %dma_wait3A_357 = tpu.memref_squeeze %dma_wait3A_356 : memref<1x2x128xi32, #tpu.memory_space<hbm>> -> memref<2x128xi32, #tpu.memory_space<hbm>>
        tpu.wait_dma2 semaphore(%run_scoped3A_325 : memref<!tpu.dma_semaphore, #tpu.memory_space<semaphore_mem>>) src(%dma_wait3A_357 : memref<2x128xi32, #tpu.memory_space<hbm>>) dst(%dma_wait3A_353 : memref<2x128xi32, #tpu.memory_space<vmem>>)
        tpu.yield
      }) : () -> ()
      %dma_start3A_278 = arith.constant 2 : i32
      %dma_start3A_279 = arith.constant 0 : i32
      %dma_start3A_280 = arith.constant 0 : i32
      %dma_start3A_281 = tpu.memref_slice %arg5[%dma_start3A_278, %dma_start3A_279, %dma_start3A_280] : memref<3x2x128xi32, #tpu.memory_space<vmem>> -> memref<1x1x128xi32, #tpu.memory_space<vmem>>
      %dma_start3A_282 = tpu.memref_squeeze %dma_start3A_281 : memref<1x1x128xi32, #tpu.memory_space<vmem>> -> memref<128xi32, #tpu.memory_space<vmem>>
      %dma_start3A_283 = arith.constant 0 : i32
      %dma_start3A_284 = arith.constant 0 : i32
      %dma_start3A_285 = tpu.memref_slice %arg2[%dma_start3A_283, %dma_start3A_284] : memref<10000x128xf32, #tpu.memory_space<hbm>> -> memref<10000x128xf32, #tpu.memory_space<hbm>>
      tpu.enqueue_indirect_dma source(%dma_start3A_285 : memref<10000x128xf32, #tpu.memory_space<hbm>>) target(%arg8 : memref<128x128xf32, #tpu.memory_space<vmem>>) offsets(%dma_start3A_282 : memref<128xi32, #tpu.memory_space<vmem>>) semaphore(%arg12 : memref<!tpu.dma_semaphore, #tpu.memory_space<semaphore_mem>>)
      %add3A_286 = arith.constant 2 : i32
      %add3A_287 = arith.addi %add3A_211, %add3A_286 : i32
      %dma_wait3A_288 = arith.constant 1 : i32
      %dma_wait3A_289 = arith.constant 0 : i32
      %dma_wait3A_290 = arith.constant 0 : i32
      %dma_wait3A_291 = tpu.memref_slice %arg5[%dma_wait3A_288, %dma_wait3A_289, %dma_wait3A_290] : memref<3x2x128xi32, #tpu.memory_space<vmem>> -> memref<1x1x128xi32, #tpu.memory_space<vmem>>
      %dma_wait3A_292 = tpu.memref_squeeze %dma_wait3A_291 : memref<1x1x128xi32, #tpu.memory_space<vmem>> -> memref<128xi32, #tpu.memory_space<vmem>>
      %dma_wait3A_293 = arith.constant 0 : i32
      %dma_wait3A_294 = arith.constant 0 : i32
      %dma_wait3A_295 = tpu.memref_slice %arg2[%dma_wait3A_293, %dma_wait3A_294] : memref<10000x128xf32, #tpu.memory_space<hbm>> -> memref<10000x128xf32, #tpu.memory_space<hbm>>
      tpu.wait_indirect_dma semaphore(%arg11 : memref<!tpu.dma_semaphore, #tpu.memory_space<semaphore_mem>>) src(%dma_wait3A_295 : memref<10000x128xf32, #tpu.memory_space<hbm>>) dst(%arg7 : memref<128x128xf32, #tpu.memory_space<vmem>>)
      %dma_start3A_296 = arith.constant 1 : i32
      %dma_start3A_297 = arith.constant 1 : i32
      %dma_start3A_298 = arith.constant 0 : i32
      %dma_start3A_299 = tpu.memref_slice %arg5[%dma_start3A_296, %dma_start3A_297, %dma_start3A_298] : memref<3x2x128xi32, #tpu.memory_space<vmem>> -> memref<1x1x128xi32, #tpu.memory_space<vmem>>
      %dma_start3A_300 = tpu.memref_squeeze %dma_start3A_299 : memref<1x1x128xi32, #tpu.memory_space<vmem>> -> memref<128xi32, #tpu.memory_space<vmem>>
      %dma_start3A_301 = arith.constant 0 : i32
      %dma_start3A_302 = arith.constant 0 : i32
      %dma_start3A_303 = tpu.memref_slice %arg9[%dma_start3A_301, %dma_start3A_302] : memref<10112x128xf32, #tpu.memory_space<vmem_shared>> -> memref<10112x128xf32, #tpu.memory_space<vmem_shared>>
      tpu.enqueue_indirect_dma source(%arg7 : memref<128x128xf32, #tpu.memory_space<vmem>>) target(%dma_start3A_303 : memref<10112x128xf32, #tpu.memory_space<vmem_shared>>) offsets(%dma_start3A_300 : memref<128xi32, #tpu.memory_space<vmem>>) semaphore(%arg14 : memref<!tpu.dma_semaphore, #tpu.memory_space<semaphore_mem>>) {add = true}
      %dma_wait3A_304 = arith.constant 0 : i32
      %dma_wait3A_305 = arith.constant 1 : i32
      %dma_wait3A_306 = arith.constant 0 : i32
      %dma_wait3A_307 = tpu.memref_slice %arg5[%dma_wait3A_304, %dma_wait3A_305, %dma_wait3A_306] : memref<3x2x128xi32, #tpu.memory_space<vmem>> -> memref<1x1x128xi32, #tpu.memory_space<vmem>>
      %dma_wait3A_308 = tpu.memref_squeeze %dma_wait3A_307 : memref<1x1x128xi32, #tpu.memory_space<vmem>> -> memref<128xi32, #tpu.memory_space<vmem>>
      %dma_wait3A_309 = arith.constant 0 : i32
      %dma_wait3A_310 = arith.constant 0 : i32
      %dma_wait3A_311 = tpu.memref_slice %arg9[%dma_wait3A_309, %dma_wait3A_310] : memref<10112x128xf32, #tpu.memory_space<vmem_shared>> -> memref<10112x128xf32, #tpu.memory_space<vmem_shared>>
      tpu.wait_indirect_dma semaphore(%arg13 : memref<!tpu.dma_semaphore, #tpu.memory_space<semaphore_mem>>) src(%arg6 : memref<128x128xf32, #tpu.memory_space<vmem>>) dst(%dma_wait3A_311 : memref<10112x128xf32, #tpu.memory_space<vmem_shared>>)
      %add3A_312 = arith.constant 2 : i32
      %add3A_313 = arith.addi %add3A_287, %add3A_312 : i32
      %add3A_314 = arith.addi %mul3A_2, %add3A_313 : i32
      %run_scoped3A_315 = arith.constant 0 : i32
      "tpu.region"() ({
        %run_scoped3A_325 = tpu.sem_alloc : memref<!tpu.dma_semaphore, #tpu.memory_space<semaphore_mem>>
        %dma_start3A_326 = arith.constant 0 : i32
        %dma_start3A_327 = arith.constant 0 : i32
        %dma_start3A_328 = tpu.memref_slice %arg5[%run_scoped3A_315, %dma_start3A_326, %dma_start3A_327] : memref<3x2x128xi32, #tpu.memory_space<vmem>> -> memref<1x2x128xi32, #tpu.memory_space<vmem>>
        %dma_start3A_329 = tpu.memref_squeeze %dma_start3A_328 : memref<1x2x128xi32, #tpu.memory_space<vmem>> -> memref<2x128xi32, #tpu.memory_space<vmem>>
        %dma_start3A_330 = arith.constant 0 : i32
        %dma_start3A_331 = arith.constant 0 : i32
        %dma_start3A_332 = tpu.memref_slice %arg3[%add3A_314, %dma_start3A_330, %dma_start3A_331] : memref<2560x2x128xi32, #tpu.memory_space<hbm>> -> memref<1x2x128xi32, #tpu.memory_space<hbm>>
        %dma_start3A_333 = tpu.memref_squeeze %dma_start3A_332 : memref<1x2x128xi32, #tpu.memory_space<hbm>> -> memref<2x128xi32, #tpu.memory_space<hbm>>
        %dma_start3A_334 = arith.constant 0 : i32
        %dma_start3A_335 = arith.constant 0 : i32
        %dma_start3A_336 = tpu.memref_slice %arg5[%run_scoped3A_315, %dma_start3A_334, %dma_start3A_335] : memref<3x2x128xi32, #tpu.memory_space<vmem>> -> memref<1x2x128xi32, #tpu.memory_space<vmem>>
        %dma_start3A_337 = tpu.memref_squeeze %dma_start3A_336 : memref<1x2x128xi32, #tpu.memory_space<vmem>> -> memref<2x128xi32, #tpu.memory_space<vmem>>
        %dma_start3A_338 = arith.constant 0 : i32
        %dma_start3A_339 = arith.constant 0 : i32
        %dma_start3A_340 = tpu.memref_slice %arg3[%add3A_314, %dma_start3A_338, %dma_start3A_339] : memref<2560x2x128xi32, #tpu.memory_space<hbm>> -> memref<1x2x128xi32, #tpu.memory_space<hbm>>
        %dma_start3A_341 = tpu.memref_squeeze %dma_start3A_340 : memref<1x2x128xi32, #tpu.memory_space<hbm>> -> memref<2x128xi32, #tpu.memory_space<hbm>>
        tpu.enqueue_dma source(%dma_start3A_341 : memref<2x128xi32, #tpu.memory_space<hbm>>) target(%dma_start3A_337 : memref<2x128xi32, #tpu.memory_space<vmem>>) target_semaphore(%run_scoped3A_325 : memref<!tpu.dma_semaphore, #tpu.memory_space<semaphore_mem>>)
        %dma_wait3A_342 = arith.constant 0 : i32
        %dma_wait3A_343 = arith.constant 0 : i32
        %dma_wait3A_344 = tpu.memref_slice %arg5[%run_scoped3A_315, %dma_wait3A_342, %dma_wait3A_343] : memref<3x2x128xi32, #tpu.memory_space<vmem>> -> memref<1x2x128xi32, #tpu.memory_space<vmem>>
        %dma_wait3A_345 = tpu.memref_squeeze %dma_wait3A_344 : memref<1x2x128xi32, #tpu.memory_space<vmem>> -> memref<2x128xi32, #tpu.memory_space<vmem>>
        %dma_wait3A_346 = arith.constant 0 : i32
        %dma_wait3A_347 = arith.constant 0 : i32
        %dma_wait3A_348 = tpu.memref_slice %arg3[%add3A_314, %dma_wait3A_346, %dma_wait3A_347] : memref<2560x2x128xi32, #tpu.memory_space<hbm>> -> memref<1x2x128xi32, #tpu.memory_space<hbm>>
        %dma_wait3A_349 = tpu.memref_squeeze %dma_wait3A_348 : memref<1x2x128xi32, #tpu.memory_space<hbm>> -> memref<2x128xi32, #tpu.memory_space<hbm>>
        %dma_wait3A_350 = arith.constant 0 : i32
        %dma_wait3A_351 = arith.constant 0 : i32
        %dma_wait3A_352 = tpu.memref_slice %arg5[%run_scoped3A_315, %dma_wait3A_350, %dma_wait3A_351] : memref<3x2x128xi32, #tpu.memory_space<vmem>> -> memref<1x2x128xi32, #tpu.memory_space<vmem>>
        %dma_wait3A_353 = tpu.memref_squeeze %dma_wait3A_352 : memref<1x2x128xi32, #tpu.memory_space<vmem>> -> memref<2x128xi32, #tpu.memory_space<vmem>>
        %dma_wait3A_354 = arith.constant 0 : i32
        %dma_wait3A_355 = arith.constant 0 : i32
        %dma_wait3A_356 = tpu.memref_slice %arg3[%add3A_314, %dma_wait3A_354, %dma_wait3A_355] : memref<2560x2x128xi32, #tpu.memory_space<hbm>> -> memref<1x2x128xi32, #tpu.memory_space<hbm>>
        %dma_wait3A_357 = tpu.memref_squeeze %dma_wait3A_356 : memref<1x2x128xi32, #tpu.memory_space<hbm>> -> memref<2x128xi32, #tpu.memory_space<hbm>>
        tpu.wait_dma2 semaphore(%run_scoped3A_325 : memref<!tpu.dma_semaphore, #tpu.memory_space<semaphore_mem>>) src(%dma_wait3A_357 : memref<2x128xi32, #tpu.memory_space<hbm>>) dst(%dma_wait3A_353 : memref<2x128xi32, #tpu.memory_space<vmem>>)
        tpu.yield
      }) : () -> ()
      %dma_start3A_316 = arith.constant 0 : i32
      %dma_start3A_317 = arith.constant 0 : i32
      %dma_start3A_318 = arith.constant 0 : i32
      %dma_start3A_319 = tpu.memref_slice %arg5[%dma_start3A_316, %dma_start3A_317, %dma_start3A_318] : memref<3x2x128xi32, #tpu.memory_space<vmem>> -> memref<1x1x128xi32, #tpu.memory_space<vmem>>
      %dma_start3A_320 = tpu.memref_squeeze %dma_start3A_319 : memref<1x1x128xi32, #tpu.memory_space<vmem>> -> memref<128xi32, #tpu.memory_space<vmem>>
      %dma_start3A_321 = arith.constant 0 : i32
      %dma_start3A_322 = arith.constant 0 : i32
      %dma_start3A_323 = tpu.memref_slice %arg2[%dma_start3A_321, %dma_start3A_322] : memref<10000x128xf32, #tpu.memory_space<hbm>> -> memref<10000x128xf32, #tpu.memory_space<hbm>>
      tpu.enqueue_indirect_dma source(%dma_start3A_323 : memref<10000x128xf32, #tpu.memory_space<hbm>>) target(%arg6 : memref<128x128xf32, #tpu.memory_space<vmem>>) offsets(%dma_start3A_320 : memref<128xi32, #tpu.memory_space<vmem>>) semaphore(%arg10 : memref<!tpu.dma_semaphore, #tpu.memory_space<semaphore_mem>>)
      %scan3A_324 = arith.constant 0 : i32
      scf.yield %scan3A_324 : i32
    }
    %scan3A_109 = arith.constant 25 : i32
    %dma_wait3A_110 = arith.constant 2 : i32
    %dma_wait3A_111 = arith.constant 0 : i32
    %dma_wait3A_112 = arith.constant 0 : i32
    %dma_wait3A_113 = tpu.memref_slice %arg5[%dma_wait3A_110, %dma_wait3A_111, %dma_wait3A_112] : memref<3x2x128xi32, #tpu.memory_space<vmem>> -> memref<1x1x128xi32, #tpu.memory_space<vmem>>
    %dma_wait3A_114 = tpu.memref_squeeze %dma_wait3A_113 : memref<1x1x128xi32, #tpu.memory_space<vmem>> -> memref<128xi32, #tpu.memory_space<vmem>>
    %dma_wait3A_115 = arith.constant 0 : i32
    %dma_wait3A_116 = arith.constant 0 : i32
    %dma_wait3A_117 = tpu.memref_slice %arg2[%dma_wait3A_115, %dma_wait3A_116] : memref<10000x128xf32, #tpu.memory_space<hbm>> -> memref<10000x128xf32, #tpu.memory_space<hbm>>
    tpu.wait_indirect_dma semaphore(%arg12 : memref<!tpu.dma_semaphore, #tpu.memory_space<semaphore_mem>>) src(%dma_wait3A_117 : memref<10000x128xf32, #tpu.memory_space<hbm>>) dst(%arg8 : memref<128x128xf32, #tpu.memory_space<vmem>>)
    %dma_start3A_118 = arith.constant 2 : i32
    %dma_start3A_119 = arith.constant 1 : i32
    %dma_start3A_120 = arith.constant 0 : i32
    %dma_start3A_121 = tpu.memref_slice %arg5[%dma_start3A_118, %dma_start3A_119, %dma_start3A_120] : memref<3x2x128xi32, #tpu.memory_space<vmem>> -> memref<1x1x128xi32, #tpu.memory_space<vmem>>
    %dma_start3A_122 = tpu.memref_squeeze %dma_start3A_121 : memref<1x1x128xi32, #tpu.memory_space<vmem>> -> memref<128xi32, #tpu.memory_space<vmem>>
    %dma_start3A_123 = arith.constant 0 : i32
    %dma_start3A_124 = arith.constant 0 : i32
    %dma_start3A_125 = tpu.memref_slice %arg9[%dma_start3A_123, %dma_start3A_124] : memref<10112x128xf32, #tpu.memory_space<vmem_shared>> -> memref<10112x128xf32, #tpu.memory_space<vmem_shared>>
    tpu.enqueue_indirect_dma source(%arg8 : memref<128x128xf32, #tpu.memory_space<vmem>>) target(%dma_start3A_125 : memref<10112x128xf32, #tpu.memory_space<vmem_shared>>) offsets(%dma_start3A_122 : memref<128xi32, #tpu.memory_space<vmem>>) semaphore(%arg15 : memref<!tpu.dma_semaphore, #tpu.memory_space<semaphore_mem>>) {add = true}
    %dma_wait3A_126 = arith.constant 1 : i32
    %dma_wait3A_127 = arith.constant 1 : i32
    %dma_wait3A_128 = arith.constant 0 : i32
    %dma_wait3A_129 = tpu.memref_slice %arg5[%dma_wait3A_126, %dma_wait3A_127, %dma_wait3A_128] : memref<3x2x128xi32, #tpu.memory_space<vmem>> -> memref<1x1x128xi32, #tpu.memory_space<vmem>>
    %dma_wait3A_130 = tpu.memref_squeeze %dma_wait3A_129 : memref<1x1x128xi32, #tpu.memory_space<vmem>> -> memref<128xi32, #tpu.memory_space<vmem>>
    %dma_wait3A_131 = arith.constant 0 : i32
    %dma_wait3A_132 = arith.constant 0 : i32
    %dma_wait3A_133 = tpu.memref_slice %arg9[%dma_wait3A_131, %dma_wait3A_132] : memref<10112x128xf32, #tpu.memory_space<vmem_shared>> -> memref<10112x128xf32, #tpu.memory_space<vmem_shared>>
    tpu.wait_indirect_dma semaphore(%arg14 : memref<!tpu.dma_semaphore, #tpu.memory_space<semaphore_mem>>) src(%arg7 : memref<128x128xf32, #tpu.memory_space<vmem>>) dst(%dma_wait3A_133 : memref<10112x128xf32, #tpu.memory_space<vmem_shared>>)
    %add3A_134 = arith.constant 79 : i32
    %add3A_135 = arith.addi %mul3A_2, %add3A_134 : i32
    %run_scoped3A_136 = arith.constant 1 : i32
    "tpu.region"() ({
      %run_scoped3A_206 = tpu.sem_alloc : memref<!tpu.dma_semaphore, #tpu.memory_space<semaphore_mem>>
      %dma_start3A_207 = arith.constant 0 : i32
      %dma_start3A_208 = arith.constant 0 : i32
      %dma_start3A_209 = tpu.memref_slice %arg5[%run_scoped3A_136, %dma_start3A_207, %dma_start3A_208] : memref<3x2x128xi32, #tpu.memory_space<vmem>> -> memref<1x2x128xi32, #tpu.memory_space<vmem>>
      %dma_start3A_210 = tpu.memref_squeeze %dma_start3A_209 : memref<1x2x128xi32, #tpu.memory_space<vmem>> -> memref<2x128xi32, #tpu.memory_space<vmem>>
      %dma_start3A_211 = arith.constant 0 : i32
      %dma_start3A_212 = arith.constant 0 : i32
      %dma_start3A_213 = tpu.memref_slice %arg3[%add3A_135, %dma_start3A_211, %dma_start3A_212] : memref<2560x2x128xi32, #tpu.memory_space<hbm>> -> memref<1x2x128xi32, #tpu.memory_space<hbm>>
      %dma_start3A_214 = tpu.memref_squeeze %dma_start3A_213 : memref<1x2x128xi32, #tpu.memory_space<hbm>> -> memref<2x128xi32, #tpu.memory_space<hbm>>
      %dma_start3A_215 = arith.constant 0 : i32
      %dma_start3A_216 = arith.constant 0 : i32
      %dma_start3A_217 = tpu.memref_slice %arg5[%run_scoped3A_136, %dma_start3A_215, %dma_start3A_216] : memref<3x2x128xi32, #tpu.memory_space<vmem>> -> memref<1x2x128xi32, #tpu.memory_space<vmem>>
      %dma_start3A_218 = tpu.memref_squeeze %dma_start3A_217 : memref<1x2x128xi32, #tpu.memory_space<vmem>> -> memref<2x128xi32, #tpu.memory_space<vmem>>
      %dma_start3A_219 = arith.constant 0 : i32
      %dma_start3A_220 = arith.constant 0 : i32
      %dma_start3A_221 = tpu.memref_slice %arg3[%add3A_135, %dma_start3A_219, %dma_start3A_220] : memref<2560x2x128xi32, #tpu.memory_space<hbm>> -> memref<1x2x128xi32, #tpu.memory_space<hbm>>
      %dma_start3A_222 = tpu.memref_squeeze %dma_start3A_221 : memref<1x2x128xi32, #tpu.memory_space<hbm>> -> memref<2x128xi32, #tpu.memory_space<hbm>>
      tpu.enqueue_dma source(%dma_start3A_222 : memref<2x128xi32, #tpu.memory_space<hbm>>) target(%dma_start3A_218 : memref<2x128xi32, #tpu.memory_space<vmem>>) target_semaphore(%run_scoped3A_206 : memref<!tpu.dma_semaphore, #tpu.memory_space<semaphore_mem>>)
      %dma_wait3A_223 = arith.constant 0 : i32
      %dma_wait3A_224 = arith.constant 0 : i32
      %dma_wait3A_225 = tpu.memref_slice %arg5[%run_scoped3A_136, %dma_wait3A_223, %dma_wait3A_224] : memref<3x2x128xi32, #tpu.memory_space<vmem>> -> memref<1x2x128xi32, #tpu.memory_space<vmem>>
      %dma_wait3A_226 = tpu.memref_squeeze %dma_wait3A_225 : memref<1x2x128xi32, #tpu.memory_space<vmem>> -> memref<2x128xi32, #tpu.memory_space<vmem>>
      %dma_wait3A_227 = arith.constant 0 : i32
      %dma_wait3A_228 = arith.constant 0 : i32
      %dma_wait3A_229 = tpu.memref_slice %arg3[%add3A_135, %dma_wait3A_227, %dma_wait3A_228] : memref<2560x2x128xi32, #tpu.memory_space<hbm>> -> memref<1x2x128xi32, #tpu.memory_space<hbm>>
      %dma_wait3A_230 = tpu.memref_squeeze %dma_wait3A_229 : memref<1x2x128xi32, #tpu.memory_space<hbm>> -> memref<2x128xi32, #tpu.memory_space<hbm>>
      %dma_wait3A_231 = arith.constant 0 : i32
      %dma_wait3A_232 = arith.constant 0 : i32
      %dma_wait3A_233 = tpu.memref_slice %arg5[%run_scoped3A_136, %dma_wait3A_231, %dma_wait3A_232] : memref<3x2x128xi32, #tpu.memory_space<vmem>> -> memref<1x2x128xi32, #tpu.memory_space<vmem>>
      %dma_wait3A_234 = tpu.memref_squeeze %dma_wait3A_233 : memref<1x2x128xi32, #tpu.memory_space<vmem>> -> memref<2x128xi32, #tpu.memory_space<vmem>>
      %dma_wait3A_235 = arith.constant 0 : i32
      %dma_wait3A_236 = arith.constant 0 : i32
      %dma_wait3A_237 = tpu.memref_slice %arg3[%add3A_135, %dma_wait3A_235, %dma_wait3A_236] : memref<2560x2x128xi32, #tpu.memory_space<hbm>> -> memref<1x2x128xi32, #tpu.memory_space<hbm>>
      %dma_wait3A_238 = tpu.memref_squeeze %dma_wait3A_237 : memref<1x2x128xi32, #tpu.memory_space<hbm>> -> memref<2x128xi32, #tpu.memory_space<hbm>>
      tpu.wait_dma2 semaphore(%run_scoped3A_206 : memref<!tpu.dma_semaphore, #tpu.memory_space<semaphore_mem>>) src(%dma_wait3A_238 : memref<2x128xi32, #tpu.memory_space<hbm>>) dst(%dma_wait3A_234 : memref<2x128xi32, #tpu.memory_space<vmem>>)
      tpu.yield
    }) : () -> ()
    %dma_start3A_137 = arith.constant 1 : i32
    %dma_start3A_138 = arith.constant 0 : i32
    %dma_start3A_139 = arith.constant 0 : i32
    %dma_start3A_140 = tpu.memref_slice %arg5[%dma_start3A_137, %dma_start3A_138, %dma_start3A_139] : memref<3x2x128xi32, #tpu.memory_space<vmem>> -> memref<1x1x128xi32, #tpu.memory_space<vmem>>
    %dma_start3A_141 = tpu.memref_squeeze %dma_start3A_140 : memref<1x1x128xi32, #tpu.memory_space<vmem>> -> memref<128xi32, #tpu.memory_space<vmem>>
    %dma_start3A_142 = arith.constant 0 : i32
    %dma_start3A_143 = arith.constant 0 : i32
    %dma_start3A_144 = tpu.memref_slice %arg2[%dma_start3A_142, %dma_start3A_143] : memref<10000x128xf32, #tpu.memory_space<hbm>> -> memref<10000x128xf32, #tpu.memory_space<hbm>>
    tpu.enqueue_indirect_dma source(%dma_start3A_144 : memref<10000x128xf32, #tpu.memory_space<hbm>>) target(%arg7 : memref<128x128xf32, #tpu.memory_space<vmem>>) offsets(%dma_start3A_141 : memref<128xi32, #tpu.memory_space<vmem>>) semaphore(%arg11 : memref<!tpu.dma_semaphore, #tpu.memory_space<semaphore_mem>>)
    %dma_wait3A_145 = arith.constant 0 : i32
    %dma_wait3A_146 = arith.constant 0 : i32
    %dma_wait3A_147 = arith.constant 0 : i32
    %dma_wait3A_148 = tpu.memref_slice %arg5[%dma_wait3A_145, %dma_wait3A_146, %dma_wait3A_147] : memref<3x2x128xi32, #tpu.memory_space<vmem>> -> memref<1x1x128xi32, #tpu.memory_space<vmem>>
    %dma_wait3A_149 = tpu.memref_squeeze %dma_wait3A_148 : memref<1x1x128xi32, #tpu.memory_space<vmem>> -> memref<128xi32, #tpu.memory_space<vmem>>
    %dma_wait3A_150 = arith.constant 0 : i32
    %dma_wait3A_151 = arith.constant 0 : i32
    %dma_wait3A_152 = tpu.memref_slice %arg2[%dma_wait3A_150, %dma_wait3A_151] : memref<10000x128xf32, #tpu.memory_space<hbm>> -> memref<10000x128xf32, #tpu.memory_space<hbm>>
    tpu.wait_indirect_dma semaphore(%arg10 : memref<!tpu.dma_semaphore, #tpu.memory_space<semaphore_mem>>) src(%dma_wait3A_152 : memref<10000x128xf32, #tpu.memory_space<hbm>>) dst(%arg6 : memref<128x128xf32, #tpu.memory_space<vmem>>)
    %dma_start3A_153 = arith.constant 0 : i32
    %dma_start3A_154 = arith.constant 1 : i32
    %dma_start3A_155 = arith.constant 0 : i32
    %dma_start3A_156 = tpu.memref_slice %arg5[%dma_start3A_153, %dma_start3A_154, %dma_start3A_155] : memref<3x2x128xi32, #tpu.memory_space<vmem>> -> memref<1x1x128xi32, #tpu.memory_space<vmem>>
    %dma_start3A_157 = tpu.memref_squeeze %dma_start3A_156 : memref<1x1x128xi32, #tpu.memory_space<vmem>> -> memref<128xi32, #tpu.memory_space<vmem>>
    %dma_start3A_158 = arith.constant 0 : i32
    %dma_start3A_159 = arith.constant 0 : i32
    %dma_start3A_160 = tpu.memref_slice %arg9[%dma_start3A_158, %dma_start3A_159] : memref<10112x128xf32, #tpu.memory_space<vmem_shared>> -> memref<10112x128xf32, #tpu.memory_space<vmem_shared>>
    tpu.enqueue_indirect_dma source(%arg6 : memref<128x128xf32, #tpu.memory_space<vmem>>) target(%dma_start3A_160 : memref<10112x128xf32, #tpu.memory_space<vmem_shared>>) offsets(%dma_start3A_157 : memref<128xi32, #tpu.memory_space<vmem>>) semaphore(%arg13 : memref<!tpu.dma_semaphore, #tpu.memory_space<semaphore_mem>>) {add = true}
    %dma_wait3A_161 = arith.constant 1 : i32
    %dma_wait3A_162 = arith.constant 0 : i32
    %dma_wait3A_163 = arith.constant 0 : i32
    %dma_wait3A_164 = tpu.memref_slice %arg5[%dma_wait3A_161, %dma_wait3A_162, %dma_wait3A_163] : memref<3x2x128xi32, #tpu.memory_space<vmem>> -> memref<1x1x128xi32, #tpu.memory_space<vmem>>
    %dma_wait3A_165 = tpu.memref_squeeze %dma_wait3A_164 : memref<1x1x128xi32, #tpu.memory_space<vmem>> -> memref<128xi32, #tpu.memory_space<vmem>>
    %dma_wait3A_166 = arith.constant 0 : i32
    %dma_wait3A_167 = arith.constant 0 : i32
    %dma_wait3A_168 = tpu.memref_slice %arg2[%dma_wait3A_166, %dma_wait3A_167] : memref<10000x128xf32, #tpu.memory_space<hbm>> -> memref<10000x128xf32, #tpu.memory_space<hbm>>
    tpu.wait_indirect_dma semaphore(%arg11 : memref<!tpu.dma_semaphore, #tpu.memory_space<semaphore_mem>>) src(%dma_wait3A_168 : memref<10000x128xf32, #tpu.memory_space<hbm>>) dst(%arg7 : memref<128x128xf32, #tpu.memory_space<vmem>>)
    %dma_start3A_169 = arith.constant 1 : i32
    %dma_start3A_170 = arith.constant 1 : i32
    %dma_start3A_171 = arith.constant 0 : i32
    %dma_start3A_172 = tpu.memref_slice %arg5[%dma_start3A_169, %dma_start3A_170, %dma_start3A_171] : memref<3x2x128xi32, #tpu.memory_space<vmem>> -> memref<1x1x128xi32, #tpu.memory_space<vmem>>
    %dma_start3A_173 = tpu.memref_squeeze %dma_start3A_172 : memref<1x1x128xi32, #tpu.memory_space<vmem>> -> memref<128xi32, #tpu.memory_space<vmem>>
    %dma_start3A_174 = arith.constant 0 : i32
    %dma_start3A_175 = arith.constant 0 : i32
    %dma_start3A_176 = tpu.memref_slice %arg9[%dma_start3A_174, %dma_start3A_175] : memref<10112x128xf32, #tpu.memory_space<vmem_shared>> -> memref<10112x128xf32, #tpu.memory_space<vmem_shared>>
    tpu.enqueue_indirect_dma source(%arg7 : memref<128x128xf32, #tpu.memory_space<vmem>>) target(%dma_start3A_176 : memref<10112x128xf32, #tpu.memory_space<vmem_shared>>) offsets(%dma_start3A_173 : memref<128xi32, #tpu.memory_space<vmem>>) semaphore(%arg14 : memref<!tpu.dma_semaphore, #tpu.memory_space<semaphore_mem>>) {add = true}
    %dma_wait3A_177 = arith.constant 2 : i32
    %dma_wait3A_178 = arith.constant 1 : i32
    %dma_wait3A_179 = arith.constant 0 : i32
    %dma_wait3A_180 = tpu.memref_slice %arg5[%dma_wait3A_177, %dma_wait3A_178, %dma_wait3A_179] : memref<3x2x128xi32, #tpu.memory_space<vmem>> -> memref<1x1x128xi32, #tpu.memory_space<vmem>>
    %dma_wait3A_181 = tpu.memref_squeeze %dma_wait3A_180 : memref<1x1x128xi32, #tpu.memory_space<vmem>> -> memref<128xi32, #tpu.memory_space<vmem>>
    %dma_wait3A_182 = arith.constant 0 : i32
    %dma_wait3A_183 = arith.constant 0 : i32
    %dma_wait3A_184 = tpu.memref_slice %arg9[%dma_wait3A_182, %dma_wait3A_183] : memref<10112x128xf32, #tpu.memory_space<vmem_shared>> -> memref<10112x128xf32, #tpu.memory_space<vmem_shared>>
    tpu.wait_indirect_dma semaphore(%arg15 : memref<!tpu.dma_semaphore, #tpu.memory_space<semaphore_mem>>) src(%arg8 : memref<128x128xf32, #tpu.memory_space<vmem>>) dst(%dma_wait3A_184 : memref<10112x128xf32, #tpu.memory_space<vmem_shared>>)
    %dma_wait3A_185 = arith.constant 0 : i32
    %dma_wait3A_186 = arith.constant 1 : i32
    %dma_wait3A_187 = arith.constant 0 : i32
    %dma_wait3A_188 = tpu.memref_slice %arg5[%dma_wait3A_185, %dma_wait3A_186, %dma_wait3A_187] : memref<3x2x128xi32, #tpu.memory_space<vmem>> -> memref<1x1x128xi32, #tpu.memory_space<vmem>>
    %dma_wait3A_189 = tpu.memref_squeeze %dma_wait3A_188 : memref<1x1x128xi32, #tpu.memory_space<vmem>> -> memref<128xi32, #tpu.memory_space<vmem>>
    %dma_wait3A_190 = arith.constant 0 : i32
    %dma_wait3A_191 = arith.constant 0 : i32
    %dma_wait3A_192 = tpu.memref_slice %arg9[%dma_wait3A_190, %dma_wait3A_191] : memref<10112x128xf32, #tpu.memory_space<vmem_shared>> -> memref<10112x128xf32, #tpu.memory_space<vmem_shared>>
    tpu.wait_indirect_dma semaphore(%arg13 : memref<!tpu.dma_semaphore, #tpu.memory_space<semaphore_mem>>) src(%arg6 : memref<128x128xf32, #tpu.memory_space<vmem>>) dst(%dma_wait3A_192 : memref<10112x128xf32, #tpu.memory_space<vmem_shared>>)
    %dma_wait3A_193 = arith.constant 1 : i32
    %dma_wait3A_194 = arith.constant 1 : i32
    %dma_wait3A_195 = arith.constant 0 : i32
    %dma_wait3A_196 = tpu.memref_slice %arg5[%dma_wait3A_193, %dma_wait3A_194, %dma_wait3A_195] : memref<3x2x128xi32, #tpu.memory_space<vmem>> -> memref<1x1x128xi32, #tpu.memory_space<vmem>>
    %dma_wait3A_197 = tpu.memref_squeeze %dma_wait3A_196 : memref<1x1x128xi32, #tpu.memory_space<vmem>> -> memref<128xi32, #tpu.memory_space<vmem>>
    %dma_wait3A_198 = arith.constant 0 : i32
    %dma_wait3A_199 = arith.constant 0 : i32
    %dma_wait3A_200 = tpu.memref_slice %arg9[%dma_wait3A_198, %dma_wait3A_199] : memref<10112x128xf32, #tpu.memory_space<vmem_shared>> -> memref<10112x128xf32, #tpu.memory_space<vmem_shared>>
    tpu.wait_indirect_dma semaphore(%arg14 : memref<!tpu.dma_semaphore, #tpu.memory_space<semaphore_mem>>) src(%arg7 : memref<128x128xf32, #tpu.memory_space<vmem>>) dst(%dma_wait3A_200 : memref<10112x128xf32, #tpu.memory_space<vmem_shared>>)
    %barrier3A_201 = arith.constant 0 : index
    tpu.barrier barrier_id(%barrier3A_201)
    %mul3A_202 = arith.constant 632 : i32
    %mul3A_203 = arith.muli %arg1, %mul3A_202 : i32
    %mul3A_204 = arith.constant 632 : i32
    %mul3A_205 = arith.muli %arg1, %mul3A_204 : i32
    "tpu.region"() ({
      %run_scoped3A_206 = tpu.sem_alloc : memref<!tpu.dma_semaphore, #tpu.memory_space<semaphore_mem>>
      %dma_start3A_207 = arith.constant 0 : i32
      %dma_start3A_208 = tpu.memref_slice %arg4[%arg0, %mul3A_205, %dma_start3A_207] : memref<2x10112x128xf32, #tpu.memory_space<hbm>> -> memref<1x632x128xf32, #tpu.memory_space<hbm>>
      %dma_start3A_209 = tpu.memref_squeeze %dma_start3A_208 : memref<1x632x128xf32, #tpu.memory_space<hbm>> -> memref<632x128xf32, #tpu.memory_space<hbm>>
      %dma_start3A_210 = arith.constant 0 : i32
      %dma_start3A_211 = tpu.memref_slice %arg9[%mul3A_203, %dma_start3A_210] : memref<10112x128xf32, #tpu.memory_space<vmem_shared>> -> memref<632x128xf32, #tpu.memory_space<vmem_shared>>
      tpu.enqueue_dma source(%dma_start3A_211 : memref<632x128xf32, #tpu.memory_space<vmem_shared>>) target(%dma_start3A_209 : memref<632x128xf32, #tpu.memory_space<hbm>>) target_semaphore(%run_scoped3A_206 : memref<!tpu.dma_semaphore, #tpu.memory_space<semaphore_mem>>)
      %dma_wait3A_212 = arith.constant 0 : i32
      %dma_wait3A_213 = tpu.memref_slice %arg4[%arg0, %mul3A_205, %dma_wait3A_212] : memref<2x10112x128xf32, #tpu.memory_space<hbm>> -> memref<1x632x128xf32, #tpu.memory_space<hbm>>
      %dma_wait3A_214 = tpu.memref_squeeze %dma_wait3A_213 : memref<1x632x128xf32, #tpu.memory_space<hbm>> -> memref<632x128xf32, #tpu.memory_space<hbm>>
      %dma_wait3A_215 = arith.constant 0 : i32
      %dma_wait3A_216 = tpu.memref_slice %arg9[%mul3A_203, %dma_wait3A_215] : memref<10112x128xf32, #tpu.memory_space<vmem_shared>> -> memref<632x128xf32, #tpu.memory_space<vmem_shared>>
      tpu.wait_dma2 semaphore(%run_scoped3A_206 : memref<!tpu.dma_semaphore, #tpu.memory_space<semaphore_mem>>) src(%dma_wait3A_216 : memref<632x128xf32, #tpu.memory_space<vmem_shared>>) dst(%dma_wait3A_214 : memref<632x128xf32, #tpu.memory_space<hbm>>)
      tpu.yield
    }) : () -> ()
    return
  }
}

#map = affine_map<(d0, d1) -> (0, 0, 0)>
#map1 = affine_map<(d0, d1) -> (0)>
module attributes {stable_mosaic.version = 14 : i64} {
  func.func @_deg_kernel(%arg0: i32, %arg1: i32, %arg2: memref<2560x2x128xi32, #tpu.memory_space<hbm>>, %arg3: memref<640000xf32, #tpu.memory_space<hbm>>, %arg4: memref<80x2x128xi32, #tpu.memory_space<vmem>>, %arg5: memref<10000xf32, #tpu.memory_space<vmem>>, %arg6: memref<10000xf32, #tpu.memory_space<vmem>>) attributes {dimension_semantics = [#tpu.dimension_semantics<core_parallel>, #tpu.dimension_semantics<subcore_parallel>], iteration_bounds = array<i64: 2, 16>, scalar_prefetch = 0 : i64, scratch_operands = 3 : i64, tpu.core_type = #tpu.core_type<sc_vector_subcore>, window_params = [{transform_indices = #map}, {transform_indices = #map1}]} {
    %mul3A = arith.constant 16 : i32
    %mul3A_0 = arith.muli %arg0, %mul3A : i32
    %add3A = arith.addi %mul3A_0, %arg1 : i32
    %mul3A_1 = arith.constant 80 : i32
    %mul3A_2 = arith.muli %add3A, %mul3A_1 : i32
    "tpu.region"() ({
      %run_scoped3A = tpu.sem_alloc : memref<!tpu.dma_semaphore, #tpu.memory_space<semaphore_mem>>
      %dma_start3A = arith.constant 0 : i32
      %dma_start3A_25 = arith.constant 0 : i32
      %dma_start3A_26 = tpu.memref_slice %arg2[%mul3A_2, %dma_start3A, %dma_start3A_25] : memref<2560x2x128xi32, #tpu.memory_space<hbm>> -> memref<80x2x128xi32, #tpu.memory_space<hbm>>
      %dma_start3A_27 = arith.constant 0 : i32
      %dma_start3A_28 = arith.constant 0 : i32
      %dma_start3A_29 = tpu.memref_slice %arg2[%mul3A_2, %dma_start3A_27, %dma_start3A_28] : memref<2560x2x128xi32, #tpu.memory_space<hbm>> -> memref<80x2x128xi32, #tpu.memory_space<hbm>>
      tpu.enqueue_dma source(%dma_start3A_29 : memref<80x2x128xi32, #tpu.memory_space<hbm>>) target(%arg4 : memref<80x2x128xi32, #tpu.memory_space<vmem>>) target_semaphore(%run_scoped3A : memref<!tpu.dma_semaphore, #tpu.memory_space<semaphore_mem>>)
      %dma_wait3A = arith.constant 0 : i32
      %dma_wait3A_30 = arith.constant 0 : i32
      %dma_wait3A_31 = tpu.memref_slice %arg2[%mul3A_2, %dma_wait3A, %dma_wait3A_30] : memref<2560x2x128xi32, #tpu.memory_space<hbm>> -> memref<80x2x128xi32, #tpu.memory_space<hbm>>
      %dma_wait3A_32 = arith.constant 0 : i32
      %dma_wait3A_33 = arith.constant 0 : i32
      %dma_wait3A_34 = tpu.memref_slice %arg2[%mul3A_2, %dma_wait3A_32, %dma_wait3A_33] : memref<2560x2x128xi32, #tpu.memory_space<hbm>> -> memref<80x2x128xi32, #tpu.memory_space<hbm>>
      tpu.wait_dma2 semaphore(%run_scoped3A : memref<!tpu.dma_semaphore, #tpu.memory_space<semaphore_mem>>) src(%dma_wait3A_34 : memref<80x2x128xi32, #tpu.memory_space<hbm>>) dst(%arg4 : memref<80x2x128xi32, #tpu.memory_space<vmem>>)
      tpu.yield
    }) : () -> ()
    %broadcast_in_dim3A = arith.constant 0.000000e+00 : f32
    %broadcast_in_dim3A_3 = vector.broadcast %broadcast_in_dim3A : f32 to vector<16xf32>
    %scan3A = arith.constant 0 : i32
    %scan3A_4 = arith.constant 0 : i32
    %scan3A_5 = arith.constant 625 : i32
    %scan3A_6 = arith.addi %scan3A_4, %scan3A_5 : i32
    %scan3A_7 = arith.constant 1 : i32
    %scan3A_8 = scf.for %scan3A_25 = %scan3A_4 to %scan3A_6 step %scan3A_7 iter_args(%scan3A_26 = %scan3A) -> (i32)  : i32 {
      %mul3A_27 = arith.constant 16 : i32
      %mul3A_28 = arith.muli %scan3A_25, %mul3A_27 : i32
      %swap3A = arith.index_cast %mul3A_28 : i32 to index
      %swap3A_29 = tpu.vector_load %arg5[%swap3A] {strides = array<i32>} : memref<10000xf32, #tpu.memory_space<vmem>>, vector<16xf32>,
      tpu.vector_store %arg5[%swap3A], %broadcast_in_dim3A_3 {strides = array<i32>} : memref<10000xf32, #tpu.memory_space<vmem>>, vector<16xf32>,
      %mul3A_30 = arith.constant 16 : i32
      %mul3A_31 = arith.muli %scan3A_25, %mul3A_30 : i32
      %swap3A_32 = arith.index_cast %mul3A_31 : i32 to index
      %swap3A_33 = tpu.vector_load %arg6[%swap3A_32] {strides = array<i32>} : memref<10000xf32, #tpu.memory_space<vmem>>, vector<16xf32>,
      tpu.vector_store %arg6[%swap3A_32], %broadcast_in_dim3A_3 {strides = array<i32>} : memref<10000xf32, #tpu.memory_space<vmem>>, vector<16xf32>,
      %scan3A_34 = arith.constant 0 : i32
      scf.yield %scan3A_34 : i32
    }
    %scan3A_9 = arith.constant 625 : i32
    %broadcast_in_dim3A_10 = arith.constant 1.000000e+00 : f32
    %broadcast_in_dim3A_11 = vector.broadcast %broadcast_in_dim3A_10 : f32 to vector<16xf32>
    %scan3A_12 = arith.constant 0 : i32
    %scan3A_13 = arith.constant 0 : i32
    %scan3A_14 = arith.constant 80 : i32
    %scan3A_15 = arith.addi %scan3A_13, %scan3A_14 : i32
    %scan3A_16 = arith.constant 1 : i32
    %scan3A_17 = scf.for %scan3A_25 = %scan3A_13 to %scan3A_15 step %scan3A_16 iter_args(%scan3A_26 = %scan3A_12) -> (i32)  : i32 {
      %mul3A_27 = arith.constant 80 : i32
      %mul3A_28 = arith.muli %add3A, %mul3A_27 : i32
      %add3A_29 = arith.addi %mul3A_28, %scan3A_25 : i32
      %lt3A = arith.constant 2500 : i32
      %lt3A_30 = arith.cmpi slt, %add3A_29, %lt3A : i32
      %convert_element_type3A = arith.extui %lt3A_30 : i1 to i32
      %cond3A = arith.constant 0 : i32
      %cond3A_31 = arith.cmpi ne, %convert_element_type3A, %cond3A : i32
      scf.if %cond3A_31 {
        %get3A = arith.constant 0 : i32
        %get3A_33 = arith.index_cast %scan3A_25 : i32 to index
        %get3A_34 = arith.index_cast %get3A : i32 to index
        %get3A_35 = arith.constant 0 : index
        %get3A_36 = tpu.vector_load %arg4[%get3A_33, %get3A_34, %get3A_35] {strides = array<i32>} : memref<80x2x128xi32, #tpu.memory_space<vmem>>, vector<16xi32>,
        %get3A_37 = arith.constant 1 : i32
        %get3A_38 = arith.index_cast %scan3A_25 : i32 to index
        %get3A_39 = arith.index_cast %get3A_37 : i32 to index
        %get3A_40 = arith.constant 0 : index
        %get3A_41 = tpu.vector_load %arg4[%get3A_38, %get3A_39, %get3A_40] {strides = array<i32>} : memref<80x2x128xi32, #tpu.memory_space<vmem>>, vector<16xi32>,
        tpu.vector_store_idx %arg5[%get3A_36], %broadcast_in_dim3A_11 {add = true} : memref<10000xf32, #tpu.memory_space<vmem>>[vector<16xi32>], vector<16xf32>,
        tpu.vector_store_idx %arg6[%get3A_41], %broadcast_in_dim3A_11 {add = true} : memref<10000xf32, #tpu.memory_space<vmem>>[vector<16xi32>], vector<16xf32>,
        %get3A_42 = arith.constant 0 : i32
        %get3A_43 = arith.index_cast %scan3A_25 : i32 to index
        %get3A_44 = arith.index_cast %get3A_42 : i32 to index
        %get3A_45 = arith.constant 16 : index
        %get3A_46 = tpu.vector_load %arg4[%get3A_43, %get3A_44, %get3A_45] {strides = array<i32>} : memref<80x2x128xi32, #tpu.memory_space<vmem>>, vector<16xi32>,
        %get3A_47 = arith.constant 1 : i32
        %get3A_48 = arith.index_cast %scan3A_25 : i32 to index
        %get3A_49 = arith.index_cast %get3A_47 : i32 to index
        %get3A_50 = arith.constant 16 : index
        %get3A_51 = tpu.vector_load %arg4[%get3A_48, %get3A_49, %get3A_50] {strides = array<i32>} : memref<80x2x128xi32, #tpu.memory_space<vmem>>, vector<16xi32>,
        tpu.vector_store_idx %arg5[%get3A_46], %broadcast_in_dim3A_11 {add = true} : memref<10000xf32, #tpu.memory_space<vmem>>[vector<16xi32>], vector<16xf32>,
        tpu.vector_store_idx %arg6[%get3A_51], %broadcast_in_dim3A_11 {add = true} : memref<10000xf32, #tpu.memory_space<vmem>>[vector<16xi32>], vector<16xf32>,
        %get3A_52 = arith.constant 0 : i32
        %get3A_53 = arith.index_cast %scan3A_25 : i32 to index
        %get3A_54 = arith.index_cast %get3A_52 : i32 to index
        %get3A_55 = arith.constant 32 : index
        %get3A_56 = tpu.vector_load %arg4[%get3A_53, %get3A_54, %get3A_55] {strides = array<i32>} : memref<80x2x128xi32, #tpu.memory_space<vmem>>, vector<16xi32>,
        %get3A_57 = arith.constant 1 : i32
        %get3A_58 = arith.index_cast %scan3A_25 : i32 to index
        %get3A_59 = arith.index_cast %get3A_57 : i32 to index
        %get3A_60 = arith.constant 32 : index
        %get3A_61 = tpu.vector_load %arg4[%get3A_58, %get3A_59, %get3A_60] {strides = array<i32>} : memref<80x2x128xi32, #tpu.memory_space<vmem>>, vector<16xi32>,
        tpu.vector_store_idx %arg5[%get3A_56], %broadcast_in_dim3A_11 {add = true} : memref<10000xf32, #tpu.memory_space<vmem>>[vector<16xi32>], vector<16xf32>,
        tpu.vector_store_idx %arg6[%get3A_61], %broadcast_in_dim3A_11 {add = true} : memref<10000xf32, #tpu.memory_space<vmem>>[vector<16xi32>], vector<16xf32>,
        %get3A_62 = arith.constant 0 : i32
        %get3A_63 = arith.index_cast %scan3A_25 : i32 to index
        %get3A_64 = arith.index_cast %get3A_62 : i32 to index
        %get3A_65 = arith.constant 48 : index
        %get3A_66 = tpu.vector_load %arg4[%get3A_63, %get3A_64, %get3A_65] {strides = array<i32>} : memref<80x2x128xi32, #tpu.memory_space<vmem>>, vector<16xi32>,
        %get3A_67 = arith.constant 1 : i32
        %get3A_68 = arith.index_cast %scan3A_25 : i32 to index
        %get3A_69 = arith.index_cast %get3A_67 : i32 to index
        %get3A_70 = arith.constant 48 : index
        %get3A_71 = tpu.vector_load %arg4[%get3A_68, %get3A_69, %get3A_70] {strides = array<i32>} : memref<80x2x128xi32, #tpu.memory_space<vmem>>, vector<16xi32>,
        tpu.vector_store_idx %arg5[%get3A_66], %broadcast_in_dim3A_11 {add = true} : memref<10000xf32, #tpu.memory_space<vmem>>[vector<16xi32>], vector<16xf32>,
        tpu.vector_store_idx %arg6[%get3A_71], %broadcast_in_dim3A_11 {add = true} : memref<10000xf32, #tpu.memory_space<vmem>>[vector<16xi32>], vector<16xf32>,
        %get3A_72 = arith.constant 0 : i32
        %get3A_73 = arith.index_cast %scan3A_25 : i32 to index
        %get3A_74 = arith.index_cast %get3A_72 : i32 to index
        %get3A_75 = arith.constant 64 : index
        %get3A_76 = tpu.vector_load %arg4[%get3A_73, %get3A_74, %get3A_75] {strides = array<i32>} : memref<80x2x128xi32, #tpu.memory_space<vmem>>, vector<16xi32>,
        %get3A_77 = arith.constant 1 : i32
        %get3A_78 = arith.index_cast %scan3A_25 : i32 to index
        %get3A_79 = arith.index_cast %get3A_77 : i32 to index
        %get3A_80 = arith.constant 64 : index
        %get3A_81 = tpu.vector_load %arg4[%get3A_78, %get3A_79, %get3A_80] {strides = array<i32>} : memref<80x2x128xi32, #tpu.memory_space<vmem>>, vector<16xi32>,
        tpu.vector_store_idx %arg5[%get3A_76], %broadcast_in_dim3A_11 {add = true} : memref<10000xf32, #tpu.memory_space<vmem>>[vector<16xi32>], vector<16xf32>,
        tpu.vector_store_idx %arg6[%get3A_81], %broadcast_in_dim3A_11 {add = true} : memref<10000xf32, #tpu.memory_space<vmem>>[vector<16xi32>], vector<16xf32>,
        %get3A_82 = arith.constant 0 : i32
        %get3A_83 = arith.index_cast %scan3A_25 : i32 to index
        %get3A_84 = arith.index_cast %get3A_82 : i32 to index
        %get3A_85 = arith.constant 80 : index
        %get3A_86 = tpu.vector_load %arg4[%get3A_83, %get3A_84, %get3A_85] {strides = array<i32>} : memref<80x2x128xi32, #tpu.memory_space<vmem>>, vector<16xi32>,
        %get3A_87 = arith.constant 1 : i32
        %get3A_88 = arith.index_cast %scan3A_25 : i32 to index
        %get3A_89 = arith.index_cast %get3A_87 : i32 to index
        %get3A_90 = arith.constant 80 : index
        %get3A_91 = tpu.vector_load %arg4[%get3A_88, %get3A_89, %get3A_90] {strides = array<i32>} : memref<80x2x128xi32, #tpu.memory_space<vmem>>, vector<16xi32>,
        tpu.vector_store_idx %arg5[%get3A_86], %broadcast_in_dim3A_11 {add = true} : memref<10000xf32, #tpu.memory_space<vmem>>[vector<16xi32>], vector<16xf32>,
        tpu.vector_store_idx %arg6[%get3A_91], %broadcast_in_dim3A_11 {add = true} : memref<10000xf32, #tpu.memory_space<vmem>>[vector<16xi32>], vector<16xf32>,
        %get3A_92 = arith.constant 0 : i32
        %get3A_93 = arith.index_cast %scan3A_25 : i32 to index
        %get3A_94 = arith.index_cast %get3A_92 : i32 to index
        %get3A_95 = arith.constant 96 : index
        %get3A_96 = tpu.vector_load %arg4[%get3A_93, %get3A_94, %get3A_95] {strides = array<i32>} : memref<80x2x128xi32, #tpu.memory_space<vmem>>, vector<16xi32>,
        %get3A_97 = arith.constant 1 : i32
        %get3A_98 = arith.index_cast %scan3A_25 : i32 to index
        %get3A_99 = arith.index_cast %get3A_97 : i32 to index
        %get3A_100 = arith.constant 96 : index
        %get3A_101 = tpu.vector_load %arg4[%get3A_98, %get3A_99, %get3A_100] {strides = array<i32>} : memref<80x2x128xi32, #tpu.memory_space<vmem>>, vector<16xi32>,
        tpu.vector_store_idx %arg5[%get3A_96], %broadcast_in_dim3A_11 {add = true} : memref<10000xf32, #tpu.memory_space<vmem>>[vector<16xi32>], vector<16xf32>,
        tpu.vector_store_idx %arg6[%get3A_101], %broadcast_in_dim3A_11 {add = true} : memref<10000xf32, #tpu.memory_space<vmem>>[vector<16xi32>], vector<16xf32>,
        %get3A_102 = arith.constant 0 : i32
        %get3A_103 = arith.index_cast %scan3A_25 : i32 to index
        %get3A_104 = arith.index_cast %get3A_102 : i32 to index
        %get3A_105 = arith.constant 112 : index
        %get3A_106 = tpu.vector_load %arg4[%get3A_103, %get3A_104, %get3A_105] {strides = array<i32>} : memref<80x2x128xi32, #tpu.memory_space<vmem>>, vector<16xi32>,
        %get3A_107 = arith.constant 1 : i32
        %get3A_108 = arith.index_cast %scan3A_25 : i32 to index
        %get3A_109 = arith.index_cast %get3A_107 : i32 to index
        %get3A_110 = arith.constant 112 : index
        %get3A_111 = tpu.vector_load %arg4[%get3A_108, %get3A_109, %get3A_110] {strides = array<i32>} : memref<80x2x128xi32, #tpu.memory_space<vmem>>, vector<16xi32>,
        tpu.vector_store_idx %arg5[%get3A_106], %broadcast_in_dim3A_11 {add = true} : memref<10000xf32, #tpu.memory_space<vmem>>[vector<16xi32>], vector<16xf32>,
        tpu.vector_store_idx %arg6[%get3A_111], %broadcast_in_dim3A_11 {add = true} : memref<10000xf32, #tpu.memory_space<vmem>>[vector<16xi32>], vector<16xf32>,
      } else {
      }
      %scan3A_32 = arith.constant 0 : i32
      scf.yield %scan3A_32 : i32
    }
    %scan3A_18 = arith.constant 80 : i32
    %mul3A_19 = arith.constant 10000 : i32
    %mul3A_20 = arith.muli %add3A, %mul3A_19 : i32
    "tpu.region"() ({
      %run_scoped3A = tpu.sem_alloc : memref<!tpu.dma_semaphore, #tpu.memory_space<semaphore_mem>>
      %dma_start3A = tpu.memref_slice %arg3[%mul3A_20] : memref<640000xf32, #tpu.memory_space<hbm>> -> memref<10000xf32, #tpu.memory_space<hbm>>
      %dma_start3A_25 = tpu.memref_slice %arg3[%mul3A_20] : memref<640000xf32, #tpu.memory_space<hbm>> -> memref<10000xf32, #tpu.memory_space<hbm>>
      tpu.enqueue_dma source(%arg5 : memref<10000xf32, #tpu.memory_space<vmem>>) target(%dma_start3A_25 : memref<10000xf32, #tpu.memory_space<hbm>>) target_semaphore(%run_scoped3A : memref<!tpu.dma_semaphore, #tpu.memory_space<semaphore_mem>>)
      %dma_wait3A = tpu.memref_slice %arg3[%mul3A_20] : memref<640000xf32, #tpu.memory_space<hbm>> -> memref<10000xf32, #tpu.memory_space<hbm>>
      %dma_wait3A_26 = tpu.memref_slice %arg3[%mul3A_20] : memref<640000xf32, #tpu.memory_space<hbm>> -> memref<10000xf32, #tpu.memory_space<hbm>>
      tpu.wait_dma2 semaphore(%run_scoped3A : memref<!tpu.dma_semaphore, #tpu.memory_space<semaphore_mem>>) src(%arg5 : memref<10000xf32, #tpu.memory_space<vmem>>) dst(%dma_wait3A_26 : memref<10000xf32, #tpu.memory_space<hbm>>)
      tpu.yield
    }) : () -> ()
    %add3A_21 = arith.constant 32 : i32
    %add3A_22 = arith.addi %add3A_21, %add3A : i32
    %mul3A_23 = arith.constant 10000 : i32
    %mul3A_24 = arith.muli %add3A_22, %mul3A_23 : i32
    "tpu.region"() ({
      %run_scoped3A = tpu.sem_alloc : memref<!tpu.dma_semaphore, #tpu.memory_space<semaphore_mem>>
      %dma_start3A = tpu.memref_slice %arg3[%mul3A_24] : memref<640000xf32, #tpu.memory_space<hbm>> -> memref<10000xf32, #tpu.memory_space<hbm>>
      %dma_start3A_25 = tpu.memref_slice %arg3[%mul3A_24] : memref<640000xf32, #tpu.memory_space<hbm>> -> memref<10000xf32, #tpu.memory_space<hbm>>
      tpu.enqueue_dma source(%arg6 : memref<10000xf32, #tpu.memory_space<vmem>>) target(%dma_start3A_25 : memref<10000xf32, #tpu.memory_space<hbm>>) target_semaphore(%run_scoped3A : memref<!tpu.dma_semaphore, #tpu.memory_space<semaphore_mem>>)
      %dma_wait3A = tpu.memref_slice %arg3[%mul3A_24] : memref<640000xf32, #tpu.memory_space<hbm>> -> memref<10000xf32, #tpu.memory_space<hbm>>
      %dma_wait3A_26 = tpu.memref_slice %arg3[%mul3A_24] : memref<640000xf32, #tpu.memory_space<hbm>> -> memref<10000xf32, #tpu.memory_space<hbm>>
      tpu.wait_dma2 semaphore(%run_scoped3A : memref<!tpu.dma_semaphore, #tpu.memory_space<semaphore_mem>>) src(%arg6 : memref<10000xf32, #tpu.memory_space<vmem>>) dst(%dma_wait3A_26 : memref<10000xf32, #tpu.memory_space<hbm>>)
      tpu.yield
    }) : () -> ()
    return
  }
}

module attributes {stable_mosaic.version = 14 : i64} {
  func.func @_tc_first_body(%arg0: i32, %arg1: memref<2000x128xf32, #tpu.memory_space<vmem>>, %arg2: memref<128x128xf32, #tpu.memory_space<vmem>>, %arg3: memref<1x128xf32, #tpu.memory_space<vmem>>, %arg4: memref<2x2000x32xf32, #tpu.memory_space<vmem>>, %arg5: memref<2000x128xf32, #tpu.memory_space<vmem>>) attributes {dimension_semantics = [#tpu.dimension_semantics<arbitrary>], iteration_bounds = array<i64: 5>, scalar_prefetch = 0 : i64, scratch_operands = 0 : i64, tpu.core_type = #tpu.core_type<tc>, window_params = [{transform_indices = @transform_0, window_bounds = array<i64: 2000, 128>}, {pipeline_mode = #tpu.pipeline_mode<synchronous>, transform_indices = @transform_1, window_bounds = array<i64: 128, 128>}, {pipeline_mode = #tpu.pipeline_mode<synchronous>, transform_indices = @transform_2, window_bounds = array<i64: 1, 128>}, {transform_indices = @transform_3, window_bounds = array<i64: 2, 2000, 32>}, {transform_indices = @transform_4, window_bounds = array<i64: 2000, 128>}]} {
    %get3A = arith.constant 0 : index
    %get3A_0 = arith.constant 0 : index
    %get3A_1 = arith.constant 0 : index
    %get3A_2 = vector.load %arg4[%get3A, %get3A_0, %get3A_1] : memref<2x2000x32xf32, #tpu.memory_space<vmem>>, vector<1x2000x32xf32>
    %get3A_3 = vector.shape_cast %get3A_2 : vector<1x2000x32xf32> to vector<2000x32xf32>
    %reduce_sum3A = arith.constant dense<0.000000e+00> : vector<2000xf32>
    %reduce_sum3A_4 = vector.multi_reduction <add>, %get3A_3, %reduce_sum3A [1] : vector<2000x32xf32> to vector<2000xf32>
    %broadcast_in_dim3A = vector.shape_cast %reduce_sum3A_4 : vector<2000xf32> to vector<2000x1xf32>
    %jit3A = arith.constant 1.000000e+00 : f32
    %max3A = vector.broadcast %jit3A : f32 to vector<2000x1xf32>
    %max3A_5 = arith.maximumf %max3A, %broadcast_in_dim3A : vector<2000x1xf32>
    %rsqrt3A = math.rsqrt %max3A_5 : vector<2000x1xf32>
    %get3A_6 = arith.constant 0 : index
    %get3A_7 = arith.constant 0 : index
    %get3A_8 = vector.load %arg1[%get3A_6, %get3A_7] : memref<2000x128xf32, #tpu.memory_space<vmem>>, vector<2000x128xf32>
    %get3A_9 = arith.constant 0 : index
    %get3A_10 = arith.constant 0 : index
    %get3A_11 = vector.load %arg2[%get3A_9, %get3A_10] : memref<128x128xf32, #tpu.memory_space<vmem>>, vector<128x128xf32>
    %dot_general3A = arith.constant dense<0.000000e+00> : vector<2000x128xf32>
    %dot_general3A_12 = tpu.matmul %get3A_8, %get3A_11, %dot_general3A {dimension_numbers = #tpu.dot_dimension_numbers<[1], [1], [0], [0], [0, 0, 1, 0], [], []>, transpose_lhs_hint = false} : vector<2000x128xf32>, vector<128x128xf32>, vector<2000x128xf32> -> vector<2000x128xf32>
    %get3A_13 = arith.constant 0 : index
    %get3A_14 = arith.constant 0 : index
    %get3A_15 = vector.load %arg3[%get3A_13, %get3A_14] : memref<1x128xf32, #tpu.memory_space<vmem>>, vector<1x128xf32>
    %add3A = vector.broadcast %get3A_15 : vector<1x128xf32> to vector<2000x128xf32>
    %add3A_16 = arith.addf %dot_general3A_12, %add3A : vector<2000x128xf32>
    %mul3A = vector.broadcast %rsqrt3A : vector<2000x1xf32> to vector<2000x128xf32>
    %mul3A_17 = arith.mulf %add3A_16, %mul3A : vector<2000x128xf32>
    %swap3A = arith.constant 0 : index
    %swap3A_18 = arith.constant 0 : index
    %swap3A_19 = vector.load %arg5[%swap3A, %swap3A_18] : memref<2000x128xf32, #tpu.memory_space<vmem>>, vector<2000x128xf32>
    tpu.vector_store %arg5[%swap3A, %swap3A_18], %mul3A_17 {strides = array<i32>} : memref<2000x128xf32, #tpu.memory_space<vmem>>, vector<2000x128xf32>,
    return
  }
  func.func @transform_0(%arg0: i32) -> (i32, i32) {
    %c0_i32 = arith.constant 0 : i32
    %c0_i32_0 = arith.constant 0 : i32
    return %arg0, %c0_i32 : i32, i32
  }
  func.func @transform_1(%arg0: i32) -> (i32, i32) {
    %c0_i32 = arith.constant 0 : i32
    %c0_i32_0 = arith.constant 0 : i32
    %c0_i32_1 = arith.constant 0 : i32
    return %c0_i32, %c0_i32_0 : i32, i32
  }
  func.func @transform_2(%arg0: i32) -> (i32, i32) {
    %c0_i32 = arith.constant 0 : i32
    %c0_i32_0 = arith.constant 0 : i32
    %c0_i32_1 = arith.constant 0 : i32
    return %c0_i32, %c0_i32_0 : i32, i32
  }
  func.func @transform_3(%arg0: i32) -> (i32, i32, i32) {
    %c0_i32 = arith.constant 0 : i32
    %c0_i32_0 = arith.constant 0 : i32
    %c0_i32_1 = arith.constant 0 : i32
    return %c0_i32, %arg0, %c0_i32_0 : i32, i32, i32
  }
  func.func @transform_4(%arg0: i32) -> (i32, i32) {
    %c0_i32 = arith.constant 0 : i32
    %c0_i32_0 = arith.constant 0 : i32
    return %arg0, %c0_i32 : i32, i32
  }
}

module attributes {stable_mosaic.version = 14 : i64} {
  func.func @_tc_mid_body(%arg0: i32, %arg1: memref<2x2000x128xf32, #tpu.memory_space<vmem>>, %arg2: memref<2x2000x32xf32, #tpu.memory_space<vmem>>, %arg3: memref<2000x128xf32, #tpu.memory_space<vmem>>, %arg4: memref<128x128xf32, #tpu.memory_space<vmem>>, %arg5: memref<1x128xf32, #tpu.memory_space<vmem>>, %arg6: memref<2000x128xf32, #tpu.memory_space<vmem>>) attributes {dimension_semantics = [#tpu.dimension_semantics<arbitrary>], iteration_bounds = array<i64: 5>, scalar_prefetch = 0 : i64, scratch_operands = 0 : i64, tpu.core_type = #tpu.core_type<tc>, window_params = [{transform_indices = @transform_0, window_bounds = array<i64: 2, 2000, 128>}, {transform_indices = @transform_1, window_bounds = array<i64: 2, 2000, 32>}, {transform_indices = @transform_2, window_bounds = array<i64: 2000, 128>}, {pipeline_mode = #tpu.pipeline_mode<synchronous>, transform_indices = @transform_3, window_bounds = array<i64: 128, 128>}, {pipeline_mode = #tpu.pipeline_mode<synchronous>, transform_indices = @transform_4, window_bounds = array<i64: 1, 128>}, {transform_indices = @transform_5, window_bounds = array<i64: 2000, 128>}]} {
    %get3A = arith.constant 1 : index
    %get3A_0 = arith.constant 0 : index
    %get3A_1 = arith.constant 0 : index
    %get3A_2 = vector.load %arg2[%get3A, %get3A_0, %get3A_1] : memref<2x2000x32xf32, #tpu.memory_space<vmem>>, vector<1x2000x32xf32>
    %get3A_3 = vector.shape_cast %get3A_2 : vector<1x2000x32xf32> to vector<2000x32xf32>
    %reduce_sum3A = arith.constant dense<0.000000e+00> : vector<2000xf32>
    %reduce_sum3A_4 = vector.multi_reduction <add>, %get3A_3, %reduce_sum3A [1] : vector<2000x32xf32> to vector<2000xf32>
    %broadcast_in_dim3A = vector.shape_cast %reduce_sum3A_4 : vector<2000xf32> to vector<2000x1xf32>
    %jit3A = arith.constant 1.000000e+00 : f32
    %max3A = vector.broadcast %jit3A : f32 to vector<2000x1xf32>
    %max3A_5 = arith.maximumf %max3A, %broadcast_in_dim3A : vector<2000x1xf32>
    %rsqrt3A = math.rsqrt %max3A_5 : vector<2000x1xf32>
    %get3A_6 = arith.constant 0 : index
    %get3A_7 = arith.constant 0 : index
    %get3A_8 = arith.constant 0 : index
    %get3A_9 = vector.load %arg2[%get3A_6, %get3A_7, %get3A_8] : memref<2x2000x32xf32, #tpu.memory_space<vmem>>, vector<1x2000x32xf32>
    %get3A_10 = vector.shape_cast %get3A_9 : vector<1x2000x32xf32> to vector<2000x32xf32>
    %reduce_sum3A_11 = arith.constant dense<0.000000e+00> : vector<2000xf32>
    %reduce_sum3A_12 = vector.multi_reduction <add>, %get3A_10, %reduce_sum3A_11 [1] : vector<2000x32xf32> to vector<2000xf32>
    %broadcast_in_dim3A_13 = vector.shape_cast %reduce_sum3A_12 : vector<2000xf32> to vector<2000x1xf32>
    %jit3A_14 = arith.constant 1.000000e+00 : f32
    %max3A_15 = vector.broadcast %jit3A_14 : f32 to vector<2000x1xf32>
    %max3A_16 = arith.maximumf %max3A_15, %broadcast_in_dim3A_13 : vector<2000x1xf32>
    %rsqrt3A_17 = math.rsqrt %max3A_16 : vector<2000x1xf32>
    %get3A_18 = arith.constant 0 : index
    %get3A_19 = arith.constant 0 : index
    %get3A_20 = arith.constant 0 : index
    %get3A_21 = vector.load %arg1[%get3A_18, %get3A_19, %get3A_20] : memref<2x2000x128xf32, #tpu.memory_space<vmem>>, vector<1x2000x128xf32>
    %get3A_22 = vector.shape_cast %get3A_21 : vector<1x2000x128xf32> to vector<2000x128xf32>
    %get3A_23 = arith.constant 1 : index
    %get3A_24 = arith.constant 0 : index
    %get3A_25 = arith.constant 0 : index
    %get3A_26 = vector.load %arg1[%get3A_23, %get3A_24, %get3A_25] : memref<2x2000x128xf32, #tpu.memory_space<vmem>>, vector<1x2000x128xf32>
    %get3A_27 = vector.shape_cast %get3A_26 : vector<1x2000x128xf32> to vector<2000x128xf32>
    %add3A = arith.addf %get3A_22, %get3A_27 : vector<2000x128xf32>
    %mul3A = vector.broadcast %rsqrt3A : vector<2000x1xf32> to vector<2000x128xf32>
    %mul3A_28 = arith.mulf %add3A, %mul3A : vector<2000x128xf32>
    %get3A_29 = arith.constant 0 : index
    %get3A_30 = arith.constant 0 : index
    %get3A_31 = vector.load %arg3[%get3A_29, %get3A_30] : memref<2000x128xf32, #tpu.memory_space<vmem>>, vector<2000x128xf32>
    %add3A_32 = arith.addf %mul3A_28, %get3A_31 : vector<2000x128xf32>
    %max3A_33 = arith.constant 0.000000e+00 : f32
    %max3A_34 = vector.broadcast %max3A_33 : f32 to vector<2000x128xf32>
    %max3A_35 = arith.maximumf %add3A_32, %max3A_34 : vector<2000x128xf32>
    %get3A_36 = arith.constant 0 : index
    %get3A_37 = arith.constant 0 : index
    %get3A_38 = vector.load %arg4[%get3A_36, %get3A_37] : memref<128x128xf32, #tpu.memory_space<vmem>>, vector<128x128xf32>
    %dot_general3A = arith.constant dense<0.000000e+00> : vector<2000x128xf32>
    %dot_general3A_39 = tpu.matmul %max3A_35, %get3A_38, %dot_general3A {dimension_numbers = #tpu.dot_dimension_numbers<[1], [1], [0], [0], [0, 0, 1, 0], [], []>, transpose_lhs_hint = false} : vector<2000x128xf32>, vector<128x128xf32>, vector<2000x128xf32> -> vector<2000x128xf32>
    %get3A_40 = arith.constant 0 : index
    %get3A_41 = arith.constant 0 : index
    %get3A_42 = vector.load %arg5[%get3A_40, %get3A_41] : memref<1x128xf32, #tpu.memory_space<vmem>>, vector<1x128xf32>
    %add3A_43 = vector.broadcast %get3A_42 : vector<1x128xf32> to vector<2000x128xf32>
    %add3A_44 = arith.addf %dot_general3A_39, %add3A_43 : vector<2000x128xf32>
    %mul3A_45 = vector.broadcast %rsqrt3A_17 : vector<2000x1xf32> to vector<2000x128xf32>
    %mul3A_46 = arith.mulf %add3A_44, %mul3A_45 : vector<2000x128xf32>
    %swap3A = arith.constant 0 : index
    %swap3A_47 = arith.constant 0 : index
    %swap3A_48 = vector.load %arg6[%swap3A, %swap3A_47] : memref<2000x128xf32, #tpu.memory_space<vmem>>, vector<2000x128xf32>
    tpu.vector_store %arg6[%swap3A, %swap3A_47], %mul3A_46 {strides = array<i32>} : memref<2000x128xf32, #tpu.memory_space<vmem>>, vector<2000x128xf32>,
    return
  }
  func.func @transform_0(%arg0: i32) -> (i32, i32, i32) {
    %c0_i32 = arith.constant 0 : i32
    %c0_i32_0 = arith.constant 0 : i32
    %c0_i32_1 = arith.constant 0 : i32
    return %c0_i32, %arg0, %c0_i32_0 : i32, i32, i32
  }
  func.func @transform_1(%arg0: i32) -> (i32, i32, i32) {
    %c0_i32 = arith.constant 0 : i32
    %c0_i32_0 = arith.constant 0 : i32
    %c0_i32_1 = arith.constant 0 : i32
    return %c0_i32, %arg0, %c0_i32_0 : i32, i32, i32
  }
  func.func @transform_2(%arg0: i32) -> (i32, i32) {
    %c0_i32 = arith.constant 0 : i32
    %c0_i32_0 = arith.constant 0 : i32
    return %arg0, %c0_i32 : i32, i32
  }
  func.func @transform_3(%arg0: i32) -> (i32, i32) {
    %c0_i32 = arith.constant 0 : i32
    %c0_i32_0 = arith.constant 0 : i32
    %c0_i32_1 = arith.constant 0 : i32
    return %c0_i32, %c0_i32_0 : i32, i32
  }
  func.func @transform_4(%arg0: i32) -> (i32, i32) {
    %c0_i32 = arith.constant 0 : i32
    %c0_i32_0 = arith.constant 0 : i32
    %c0_i32_1 = arith.constant 0 : i32
    return %c0_i32, %c0_i32_0 : i32, i32
  }
  func.func @transform_5(%arg0: i32) -> (i32, i32) {
    %c0_i32 = arith.constant 0 : i32
    %c0_i32_0 = arith.constant 0 : i32
    return %arg0, %c0_i32 : i32, i32
  }
}

module attributes {stable_mosaic.version = 14 : i64} {
  func.func @_tc_final_body(%arg0: i32, %arg1: memref<2x2000x128xf32, #tpu.memory_space<vmem>>, %arg2: memref<2x2000x32xf32, #tpu.memory_space<vmem>>, %arg3: memref<2000x128xf32, #tpu.memory_space<vmem>>) attributes {dimension_semantics = [#tpu.dimension_semantics<arbitrary>], iteration_bounds = array<i64: 5>, scalar_prefetch = 0 : i64, scratch_operands = 0 : i64, tpu.core_type = #tpu.core_type<tc>, window_params = [{transform_indices = @transform_0, window_bounds = array<i64: 2, 2000, 128>}, {transform_indices = @transform_1, window_bounds = array<i64: 2, 2000, 32>}, {transform_indices = @transform_2, window_bounds = array<i64: 2000, 128>}]} {
    %get3A = arith.constant 1 : index
    %get3A_0 = arith.constant 0 : index
    %get3A_1 = arith.constant 0 : index
    %get3A_2 = vector.load %arg2[%get3A, %get3A_0, %get3A_1] : memref<2x2000x32xf32, #tpu.memory_space<vmem>>, vector<1x2000x32xf32>
    %get3A_3 = vector.shape_cast %get3A_2 : vector<1x2000x32xf32> to vector<2000x32xf32>
    %reduce_sum3A = arith.constant dense<0.000000e+00> : vector<2000xf32>
    %reduce_sum3A_4 = vector.multi_reduction <add>, %get3A_3, %reduce_sum3A [1] : vector<2000x32xf32> to vector<2000xf32>
    %broadcast_in_dim3A = vector.shape_cast %reduce_sum3A_4 : vector<2000xf32> to vector<2000x1xf32>
    %jit3A = arith.constant 1.000000e+00 : f32
    %max3A = vector.broadcast %jit3A : f32 to vector<2000x1xf32>
    %max3A_5 = arith.maximumf %max3A, %broadcast_in_dim3A : vector<2000x1xf32>
    %rsqrt3A = math.rsqrt %max3A_5 : vector<2000x1xf32>
    %get3A_6 = arith.constant 0 : index
    %get3A_7 = arith.constant 0 : index
    %get3A_8 = arith.constant 0 : index
    %get3A_9 = vector.load %arg1[%get3A_6, %get3A_7, %get3A_8] : memref<2x2000x128xf32, #tpu.memory_space<vmem>>, vector<1x2000x128xf32>
    %get3A_10 = vector.shape_cast %get3A_9 : vector<1x2000x128xf32> to vector<2000x128xf32>
    %get3A_11 = arith.constant 1 : index
    %get3A_12 = arith.constant 0 : index
    %get3A_13 = arith.constant 0 : index
    %get3A_14 = vector.load %arg1[%get3A_11, %get3A_12, %get3A_13] : memref<2x2000x128xf32, #tpu.memory_space<vmem>>, vector<1x2000x128xf32>
    %get3A_15 = vector.shape_cast %get3A_14 : vector<1x2000x128xf32> to vector<2000x128xf32>
    %add3A = arith.addf %get3A_10, %get3A_15 : vector<2000x128xf32>
    %mul3A = vector.broadcast %rsqrt3A : vector<2000x1xf32> to vector<2000x128xf32>
    %mul3A_16 = arith.mulf %add3A, %mul3A : vector<2000x128xf32>
    %swap3A = arith.constant 0 : index
    %swap3A_17 = arith.constant 0 : index
    %swap3A_18 = vector.load %arg3[%swap3A, %swap3A_17] : memref<2000x128xf32, #tpu.memory_space<vmem>>, vector<2000x128xf32>
    tpu.vector_store %arg3[%swap3A, %swap3A_17], %mul3A_16 {strides = array<i32>} : memref<2000x128xf32, #tpu.memory_space<vmem>>, vector<2000x128xf32>,
    return
  }
  func.func @transform_0(%arg0: i32) -> (i32, i32, i32) {
    %c0_i32 = arith.constant 0 : i32
    %c0_i32_0 = arith.constant 0 : i32
    %c0_i32_1 = arith.constant 0 : i32
    return %c0_i32, %arg0, %c0_i32_0 : i32, i32, i32
  }
  func.func @transform_1(%arg0: i32) -> (i32, i32, i32) {
    %c0_i32 = arith.constant 0 : i32
    %c0_i32_0 = arith.constant 0 : i32
    %c0_i32_1 = arith.constant 0 : i32
    return %c0_i32, %arg0, %c0_i32_0 : i32, i32, i32
  }
  func.func @transform_2(%arg0: i32) -> (i32, i32) {
    %c0_i32 = arith.constant 0 : i32
    %c0_i32_0 = arith.constant 0 : i32
    return %arg0, %c0_i32 : i32, i32
  }
}

</mosaic_0001>

<sc_bundles>
// kernel: kernel.11.cloned.1.call-start
scs
__scs_entry_jumppad:
0x0: {  	(pc) =	sbr.rel $0x88, $3  }
0x1: {  	(tag) =	ssettag $0x0;
	lr =	simm.s32 $0x1  }
0x2: {  	[smem:$0x3F9B] =	sst lr;
	_ =	strace $0xD0000000  }
0x3: {  	_ = 	snop  }
0x4: {  	_ = 	snop  }
0x5: {  	_ = 	snop  }
0x6: {  	_ = 	snop  }
0x7: {  	_ = 	snop  }
__scs_overlays_trampoline_lowered:
0x8: {  	[smem:$0x3FAA] =	sst s0  }
0x9: {  	[smem:$0x3FAB] =	sst s1  }
0xa: {  	[smem:$0x3FAC] =	sst s2  }
0xb: {  	[smem:$0x3FAD] =	sst s3  }
0xc: {  	[smem:$0x3FAE] =	sst s4  }
0xd: {  	[smem:$0x3FAF] =	sst s5  }
0xe: {  	[smem:$0x3FB0] =	sst s6  }
0xf: {  	[smem:$0x3FB1] =	sst s7  }
0x10: {  	[smem:$0x3FB2] =	sst s8  }
0x11: {  	[smem:$0x3FB3] =	sst s9;
	s0 =	simm.s32 @!p0 $0x0  }
0x12: {  	s1 =	sld [smem:$0x3F99];
	s0 =	simm.s32 @p0 $0x1  }
0x13: {  	[smem:$0x3FB4] =	sst s0;
	s0 =	simm.s32 @!p1 $0x0  }
0x14: {  	s2 =	sld [smem:$0x3F98];
	s0 =	simm.s32 @p1 $0x1  }
0x15: {  	[smem:$0x3FB5] =	sst s0;
	s0 =	simm.s32 @!p2 $0x0  }
0x16: {  	s3 =	sld [smem:$0x3FDB];
	s0 =	simm.s32 @p2 $0x1  }
0x17: {  	s4 =	simm.s32 $0x1BF5;
	[smem:$0x3FB7] =	sst s0  }
0x18: {  	s0 =	sld [smem:$0x3F9A];
	_ =	swait.ge [sflag:s4], $0x0  }
0x19: {  	s7 =	sld [smem:$0x3F9B]  }
0x1a: {  	s8 =	sadd.s32 $0xFFFFE003, lr  }
0x1b: {  	s9 =	sadd.s32 $0xFFFFFEF7, lr;
	s5 =	simm.s32 $0xFFFFFFFF;
	p2 =	slt.u32 s8, $0xFFFFF086  }
0x1c: {  	p1 =	slt.u32 s9, $0xF7A;
	s5 =	simm.s32 @!p2 $0x0  }
0x1d: {  	s5 =	simm.s32 @p1 $0x1;
	p0 =	seq.s32 s7, s2  }
0x1e: {  	s7 =	smul.u32 @!p0 $0xF7A, s2;
	p2 =	seq.s32 @!p0 s5, $0x0  }
0x1f: {  	s9 =	smul.u32 $0xF7A, s1;
	s8 =	simm.s32 @!p0 $0x1BF5;
	p2 =	por !p2, p0  }
0x20: {  	[sflag:s8] =	ssyncset.s32 @!p0 $0xFFFFF086;
	s6 =	sadd.s32 @!p0 s3, s7;
	s7 =	simm.s32 @!p0 $0x108  }
0x21: {  	s3 =	sadd.s32 s3, s9;
	s6 =	sadd.s32 @!p0 $0x88, s6;
	s7 =	simm.s32 @p2 $0x1082  }
0x22: {  	[simem:s7], [sflag:s8] =	dma.local @!p0 [hbm:s6], $0xF7A  }
0x23: {  	s9 =	sor.u32 $0xD0000000, s2;
	s6 =	simm.s32 $0x108;
	_ =	swait.ge @!p0 [sflag:s8], $0x0  }
0x24: {  	s3 =	sadd.s32 $0x88, s3;
	s6 =	simm.s32 @!p1 $0x1082;
	[sflag:s4] =	ssyncset.s32 $0xFFFFF086  }
0x25: {  	[simem:s6], [sflag:s4] =	dma.local [hbm:s3], $0xF7A  }
0x26: {  	[smem:$0x3F9B] =	sst s1;
	(tag) =	ssettag s2;
	_ =	strace s9  }
0x27: {  	s1 =	sld [smem:$0x3FAB]  }
0x28: {  	s2 =	sld [smem:$0x3FAC]  }
0x29: {  	s4 =	sld [smem:$0x3FAE]  }
0x2a: {  	p0 =	seq.s32 s5, $0x0;
	s5 =	sld [smem:$0x3FAF]  }
0x2b: {  	s6 =	sld [smem:$0x3FB0]  }
0x2c: {  	s7 =	sld [smem:$0x3FB1]  }
0x2d: {  	s3 =	simm.s32 $0x108;
	s8 =	sld [smem:$0x3FB2]  }
0x2e: {  	s3 =	simm.s32 @!p0 $0x1082;
	s9 =	sld [smem:$0x3FB3]  }
0x2f: {  	lr =	sadd.s32 s0, s3;
	s0 =	sld [smem:$0x3FAA]  }
0x30: {  	s3 =	sld [smem:$0x3FAD]  }
0x31: {  	[smem:$0x3FB6] =	sst s10  }
0x32: {  	s10 =	sld [smem:$0x3FB4];
	_ =	sdelay $0x3  }
0x33: {  	p0 =	seq.s32 s10, $0x1;
	s10 =	sld [smem:$0x3FB6];
	_ =	sdelay $0x3  }
0x34: {  	[smem:$0x3FB6] =	sst s10  }
0x35: {  	s10 =	sld [smem:$0x3FB5];
	_ =	sdelay $0x3  }
0x36: {  	p1 =	seq.s32 s10, $0x1;
	s10 =	sld [smem:$0x3FB6];
	_ =	sdelay $0x3  }
0x37: {  	[smem:$0x3FB6] =	sst s10  }
0x38: {  	s10 =	sld [smem:$0x3FB7]  }
0x39: {  	_ = 	snop;
	(pc) =	sbr.ind lr, $3  }
0x3a: {  	_ = 	snop  }
0x3b: {  	_ = 	snop  }
0x3c: {  	p2 =	seq.s32 s10, $0x1;
	s10 =	sld [smem:$0x3FB6]  }
0x3d: {  	_ =	shalt  }
0x3e: {  	_ =	shalt  }
0x3f: {  	_ =	shalt  }
0x40: {  	_ =	shalt  }
0x41: {  	_ =	shalt  }
0x42: {  	_ =	shalt  }
0x43: {  	_ =	shalt  }
0x44: {  	_ =	shalt  }
0x45: {  	_ =	shalt  }
0x46: {  	_ =	shalt  }
0x47: {  	_ =	shalt  }
0x48: {  	_ =	shalt  }
0x49: {  	_ =	shalt  }
0x4a: {  	_ =	shalt  }
0x4b: {  	_ =	shalt  }
0x4c: {  	_ =	shalt  }
0x4d: {  	_ =	shalt  }
0x4e: {  	_ =	shalt  }
0x4f: {  	_ =	shalt  }
0x50: {  	_ =	shalt  }
0x51: {  	_ =	shalt  }
0x52: {  	_ =	shalt  }
0x53: {  	_ =	shalt  }
0x54: {  	_ =	shalt  }
0x55: {  	_ =	shalt  }
0x56: {  	_ =	shalt  }
0x57: {  	_ =	shalt  }
0x58: {  	_ =	shalt  }
0x59: {  	_ =	shalt  }
0x5a: {  	_ =	shalt  }
0x5b: {  	_ =	shalt  }
0x5c: {  	_ =	shalt  }
0x5d: {  	_ =	shalt  }
0x5e: {  	_ =	shalt  }
0x5f: {  	_ =	shalt  }
0x60: {  	_ =	shalt  }
0x61: {  	_ =	shalt  }
0x62: {  	_ =	shalt  }
0x63: {  	_ =	shalt  }
0x64: {  	_ =	shalt  }
0x65: {  	_ =	shalt  }
0x66: {  	_ =	shalt  }
0x67: {  	_ =	shalt  }
0x68: {  	_ =	shalt  }
0x69: {  	_ =	shalt  }
0x6a: {  	_ =	shalt  }
0x6b: {  	_ =	shalt  }
0x6c: {  	_ =	shalt  }
0x6d: {  	_ =	shalt  }
0x6e: {  	_ =	shalt  }
0x6f: {  	_ =	shalt  }
0x70: {  	_ =	shalt  }
0x71: {  	_ =	shalt  }
0x72: {  	_ =	shalt  }
0x73: {  	_ =	shalt  }
0x74: {  	_ =	shalt  }
0x75: {  	_ =	shalt  }
0x76: {  	_ =	shalt  }
0x77: {  	_ =	shalt  }
0x78: {  	_ =	shalt  }
0x79: {  	_ =	shalt  }
0x7a: {  	_ =	shalt  }
0x7b: {  	_ =	shalt  }
0x7c: {  	_ =	shalt  }
0x7d: {  	_ =	shalt  }
0x7e: {  	_ =	shalt  }
0x7f: {  	_ =	shalt  }
0x80: {  	_ =	shalt  }
0x81: {  	_ =	shalt  }
0x82: {  	_ =	shalt  }
0x83: {  	_ =	shalt  }
0x84: {  	_ =	shalt  }
0x85: {  	_ =	shalt  }
0x86: {  	_ =	shalt  }
0x87: {  	_ =	shalt  }
.Lfunc_end0:
.L_simem_size_0:
called_computation.1_lowered:
.L_overlay_start_0:
0x88: {  	s2 =	sld [smem:$0x3FD9]  }
0x89: {  	s3 =	sld [smem:$0x3FFE];
	_ =	sdelay $0x1  }
0x8a: {  	s1 =	srdreg.scid  }
0x8b: {  	s0 =	sand.u32 $0x1, s1  }
0x8c: {  	s17 =	sshll.u32 s0, $0xA;
	s2 =	sadd.s32 s3, s2  }
0x8d: {  	s2 =	sadd.s32 s2, s17  }
0x8e: {  	[smem:$0x3FC2] =	sst s2  }
0x8f: {  	_ = 	snop  }
0x90: {  	s2 =	sld [smem:$0x3FD0];
	(tm) =	ssettm $0x1  }
0x91: {  	s18 =	sld [smem:$0x3FFB];
	_ =	sdelay $0x3  }
0x92: {  	_ =	strace s18  }
0x93: {  	s3 =	sld [smem:$0x3FFC];
	_ =	sdelay $0x3  }
0x94: {  	_ =	strace s3  }
0x95: {  	s3 =	sld [smem:$0x3FFD];
	_ =	sdelay $0x3  }
0x96: {  	_ =	strace s3  }
0x97: {  	_ =	strace $0x8FFFFFFF  }
0x98: {  	s19 =	sld [smem:$0x3FDB];
	_ =	sdelay $0x1  }
0x99: {  	s4 =	simm.s32 $_scs_section_size  }
0x9a: {  	s5 =	simm.s32 $_size__tile_overlayer_lowered;
	s6 =	simm.s32 $_tile_overlayer_lowered  }
0x9b: {  	s22 =	simm.s32 $0x1BFF;
	s21 =	sshll.u32 s6, $0x1;
	s3 =	sadd.s32 s4, s19  }
0x9c: {  	s7 =	simm.s32 $0x0;
	s20 =	sshll.u32 s5, $0x1;
	s5 =	sadd.s32 s21, s3  }
0x9d: {  	[timem:s7], [sflag:s22] =	dma.local [hbm:s5], s20  }
0x9e: {  	_ =	swait.ge [sflag:s22], s20  }
0x9f: {  	s4 =	ssub.s32 $0x0, s20;
	[sflag:s22] =	ssyncset.done $0x0  }
0xa0: {  	[sflag:s22] =	ssyncadd.s32 s4;
	_ =	sdelay $0x1  }
0xa1: {  	s23 =	simm.s32 $0x1B8B  }
0xa2: {  	_ =	swait.ge [sflag:s23], $0x1  }
0xa3: {  	[sflag:s23] =	ssyncset.done $0x0  }
0xa4: {  	s25 =	simm.s32 $0x1B8E;
	s24 =	sld [smem:$0x3FFE];
	[sflag:s23] =	ssyncadd.s32 $0xFFFFFFFF  }
0xa5: {  	s26 =	simm.s32 $execute0_lowered;
	[smem:$0x3FD2] =	sst s25  }
0xa6: {  	s5 =	sshll.u32 s26, $0x1;
	_ =	strace $0x80000049;
	[dreg:$0x1] =	wrdreg $0xFFFFFFFF  }
0xa7: {  	s28 =	simm.s32 $_size_execute0_lowered;
	s3 =	sadd.s32 s3, s5;
	[dreg:$0x0] =	wrdreg $0x0  }
0xa8: {  	s5 =	sshll.u32 s28, $0x1;
	[dreg:$0x2] =	wrdreg s3  }
0xa9: {  	[dreg:$0x3] =	wrdreg s5  }
0xaa: {  	[dreg:$0x4] =	wrdreg $0xC0  }
0xab: {  	_ =	task [dreg:s7], $0x5FFFF  }
0xac: {  	[dreg:$0x1] =	wrdreg $0xFFFFFFFF  }
0xad: {  	[dreg:$0x0] =	wrdreg $0x60  }
0xae: {  	[dreg:$0x2] =	wrdreg s2  }
0xaf: {  	[dreg:$0x3] =	wrdreg s24  }
0xb0: {  	[dreg:$0x4] =	wrdreg $0xC3000  }
0xb1: {  	[dreg:$0x5] =	wrdreg $0x9  }
0xb2: {  	_ =	task.clear_ibuf [dreg:s7], $0x6FFFF;
	_ =	strace $0x90000049  }
0xb3: {  	s29 =	simm.s32 $0x9;
	_ =	strace $0x8000004B  }
0xb4: {  	_ =	swait.ge [sflag:s29], $0x1  }
0xb5: {  	[sflag:s29] =	ssyncadd.s32 $0xFFFFFFFF  }
0xb6: {  	_ =	strace $0x9000004B  }
0xb7: {  	_ =	sfence  }
0xb8: {  	s30 =	sld [smem:$0x0];
	_ =	sdelay $0x2  }
0xb9: {  	s31 =	sshll.u32 s1, $0xD;
	s1 =	sshrl.u32 s1, $0x2  }
0xba: {  	s3 =	sand.u32 $0x4000, s31;
	s1 =	sadd.s32 s1, s30  }
0xbb: {  	s0 =	sor.u32 s3, s0;
	s1 =	sshll.u32 s1, $0x11  }
0xbc: {  	s0 =	sor.u32 s1, s0  }
0xbd: {  	s0 =	sadd.s32 $0x8F2B, s0  }
0xbe: {  	[sflag:s0] =	ssyncadd.remote.s32 $0x1  }
0xbf: {  	_ =	sfence.sel $0xFFFF  }
0xc0: {  	[dreg:$0x0] =	wrdreg $0xFFFFFFFF;
	(pc) =	sbr.abs _section_cstart, $3  }
0xc1: {  	[dreg:$0x1] =	wrdreg $0xFFFFFFFF  }
0xc2: {  	_ =	task.clear_ibuf [dreg:s7], $0x2FFFF;
	_ =	strace $0x9FFFFFFF  }
0xc3: {  	(tm) =	ssettm $0x7FFFFFFF  }
tec
execute0_lowered:
.L_overlay_start_1:
0x0: {  	(tag) =	ssettag $0x1  }
0x1: {  	s1 =	rddreg [dreg:$0x0]  }
0x2: {  	s0 =	rddreg [dreg:$0x1]  }
0x3: {  	s2 =	rddreg [dreg:$0x2]  }
0x4: {  	s3 =	srdreg.scid;
	s4 =	simm.s32 $0x0;
	s12 =	stileid.u32  }
0x5: {  	s18 =	simm.s32 $0x7;
	s19 =	simm.s32 $0x80;
	s28 =	simm.s32 $0x180  }
0x6: {  	s29 =	simm.s32 $0x4;
	s30 =	simm.s32 $0x3;
	s6 =	smul.u32 $0x13C00, s12  }
0x7: {  	s31 =	simm.s32 $0x280;
	s3 =	sand.u32 $0x1, s3;
	s21 =	smul.u32 $0x4F000, s12  }
0x8: {  	[smem:$0x7FF] =	sst s4;
	s7 =	sadd.s32 $0x2400, s0;
	s14 =	smul.u32 $0x50, s12  }
0x9: {  	s5 =	smul.u32 $0x13C000, s3;
	_ =	strace $0x8000004A;
	s20 =	sshll.u32 s3, $0x4  }
0xa: {  	s8 =	ssub.s32 $0x2, s3;
	s3 =	smul.u32 $0x500, s3;
	s9 =	sor.u32 s12, s20  }
0xb: {  	s10 =	sshrl.u32 s8, $0x1;
	s20 =	simm.s32 $0x300;
	s5 =	sadd.s32 s6, s5  }
0xc: {  	s11 =	smul.u32 $0xA00, s9;
	s8 =	ssub.s32 s8, s10;
	s6 =	sshrl.u32 s21, $0x2  }
0xd: {  	s9 =	smul.u32 $0x5000, s9;
	s3 =	sadd.s32 s14, s3;
	s21 =	simm.s32 $0x100  }
0xe: {  	s5 =	sshrl.u32 s5, $0x3;
	s6 =	sadd.s32 s6, s2;
	s26 =	sshll.u32 s3, $0x5  }
0xf: {  	s16 =	smax.u32 s8, $0x1;
	s3 =	simm.s32 $0x6;
	s0 =	sadd.s32 s5, s0  }
0x10: {  	s5 =	sadd.s32 s7, s11;
	s23 =	sadd.s32 $0x4000, s6;
	s24 =	sadd.s32 $0x8000, s6  }
0x11: {  	s25 =	sadd.s32 $0xC000, s6;
	s11 =	sadd.s32 $0x10000, s6;
	[dreg:$0x5] =	wrdreg s23  }
0x12: {  	s9 =	sshrl.u32 s9, $0x3;
	s17 =	sadd.s32 s26, s7;
	[dreg:$0x6] =	wrdreg s24  }
0x13: {  	s26 =	simm.s32 $0x2;
	s22 =	sadd.s32 $0x20, s5;
	[dreg:$0x7] =	wrdreg s25  }
0x14: {  	s12 =	sadd.s32 $0x40, s5;
	s13 =	sadd.s32 $0x60, s5;
	s9 =	sadd.s32 s7, s9  }
0x15: {  	s15 =	sadd.s32 $0x16400, s0;
	s23 =	simm.s32 $0x8300;
	s24 =	simm.s32 $0x1  }
0x16: {  	s25 =	simm.s32 $0x200;
	s0 =	simm.s32 $0x5;
	s7 =	simm.s32 $0x0  }
0x17: {  	v0 =	vimm.f32 $0.0e+00;
	[dreg:$0x4] =	wrdreg s22;
	s14 =	sadd.s32 $0x9E0, s9;
	s22 =	simm.s32 $0x4300  }
.LBB2_1:
0x18: {  	[tilespmem:s4], [sflag:$0x7] =	stream.linear.gather [hbm4b:s5+s4], $0x100, $0x38;
	[tilespmem:$0x1FF00] =	vst v63  }
0x19: {  	_ =	swait.ge [sflag:s18], $0x100  }
0x1a: {  	[sflag:s18] =	ssyncset.done $0x0  }
0x1b: {  	[sflag:s18] =	ssyncadd.s32 $0xFFFFFF00  }
0x1c: {  	[tilespmem:s20], [sflag:$0x1] =	stream.indirect.gather [hbm4b:s1+s19], $0x80, s4, s19, $0xb8;
	[tilespmem:$0x1FF00] =	vst v63  }
0x1d: {  	s8 =	rddreg [dreg:$0x4]  }
0x1e: {  	[tilespmem:s21], [sflag:$0x7] =	stream.linear.gather [hbm4b:s8+s4], $0x100, $0x38;
	[tilespmem:$0x1FF00] =	vst v63  }
0x1f: {  	_ =	swait.ge [sflag:s18], $0x100  }
0x20: {  	[sflag:s18] =	ssyncset.done $0x0  }
0x21: {  	s9 =	simm.s32 $0x200;
	s8 =	simm.s32 $0x0;
	[sflag:s18] =	ssyncadd.s32 $0xFFFFFF00  }
0x22: {  	[tilespmem:s22], [sflag:$0x2] =	stream.indirect.gather [hbm4b:s1+s19], $0x80, s21, s19, $0xb8;
	[tilespmem:$0x1FF00] =	vst v63  }
.LBB2_2:
0x23: {  	p0 =	sne.s32 s9, $0xFE00;
	[tilespmem:s8+$0x8370] =	vst v0  }
0x24: {  	[tilespmem:s8+$0x8300] =	vst v0  }
0x25: {  	[tilespmem:s8+$0x8310] =	vst v0  }
.Ltmp0:
0x26: {  	[tilespmem:s8+$0x8320] =	vst v0;
	(pc) =	sbr.rel @p0 .LBB2_2-.Ltmp0, $4  }
0x27: {  	[tilespmem:s8+$0x8330] =	vst v0  }
0x28: {  	[tilespmem:s8+$0x8340] =	vst v0  }
0x29: {  	[tilespmem:s8+$0x8350] =	vst v0  }
0x2a: {  	[tilespmem:s8+$0x8360] =	vst v0;
	s8 =	sshra.s32 s9, $0x2;
	s9 =	sadd.s32 $0x200, s9  }
0x2b: {  	[tilespmem:s8+$0x8370] =	vst v0  }
0x2c: {  	[tilespmem:s8+$0x8300] =	vst v0  }
0x2d: {  	[tilespmem:s8+$0x8310] =	vst v0  }
0x2e: {  	[tilespmem:s8+$0x8320] =	vst v0  }
0x2f: {  	[tilespmem:s8+$0x8330] =	vst v0  }
0x30: {  	[tilespmem:s8+$0x8340] =	vst v0  }
0x31: {  	[tilespmem:s8+$0x8350] =	vst v0  }
0x32: {  	[tilespmem:s8+$0x8360] =	vst v0  }
0x33: {  	[spmem:s6] =	stream.linear.scatter [tilespmem:s23], [sflag:$0x7], $0x4000, $0x38;
	[tilespmem:$0x1FF00] =	vst v63  }
0x34: {  	_ =	swait.ge [sflag:s18], $0x4000  }
0x35: {  	[sflag:s18] =	ssyncset.done $0x0  }
0x36: {  	s9 =	rddreg [dreg:$0x5];
	[sflag:s18] =	ssyncadd.s32 $0xFFFFC000  }
0x37: {  	[spmem:s9] =	stream.linear.scatter [tilespmem:s23], [sflag:$0x7], $0x4000, $0x38;
	[tilespmem:$0x1FF00] =	vst v63  }
0x38: {  	_ =	swait.ge [sflag:s18], $0x4000  }
0x39: {  	[sflag:s18] =	ssyncset.done $0x0  }
0x3a: {  	s10 =	rddreg [dreg:$0x6];
	[sflag:s18] =	ssyncadd.s32 $0xFFFFC000  }
0x3b: {  	[spmem:s10] =	stream.linear.scatter [tilespmem:s23], [sflag:$0x7], $0x4000, $0x38;
	[tilespmem:$0x1FF00] =	vst v63  }
0x3c: {  	_ =	swait.ge [sflag:s18], $0x4000  }
0x3d: {  	[sflag:s18] =	ssyncset.done $0x0  }
0x3e: {  	s9 =	rddreg [dreg:$0x7];
	[sflag:s18] =	ssyncadd.s32 $0xFFFFC000  }
0x3f: {  	[spmem:s9] =	stream.linear.scatter [tilespmem:s23], [sflag:$0x7], $0x4000, $0x38;
	[tilespmem:$0x1FF00] =	vst v63  }
0x40: {  	_ =	swait.ge [sflag:s18], $0x4000  }
0x41: {  	[sflag:s18] =	ssyncset.done $0x0  }
0x42: {  	[sflag:s18] =	ssyncadd.s32 $0xFFFFC000  }
0x43: {  	[spmem:s11] =	stream.linear.scatter [tilespmem:s23], [sflag:$0x7], $0x3C00, $0x38;
	[tilespmem:$0x1FF00] =	vst v63  }
0x44: {  	_ =	swait.ge [sflag:s18], $0x3C00  }
0x45: {  	[sflag:s18] =	ssyncset.done $0x0  }
0x46: {  	[sflag:s18] =	ssyncadd.s32 $0xFFFFC400  }
0x47: {  	[bflag:$0x0] =	sbarrier.arrive $0xFFFF  }
0x48: {  	_ =	swait.ge [sflag:s24], $0x4000  }
0x49: {  	[sflag:s24] =	ssyncset.done $0x0  }
0x4a: {  	[sflag:s24] =	ssyncadd.s32 $0xFFFFC000  }
0x4b: {  	[spmem:s2] =	stream.indirect.scatter.add.f32 [tilespmem:s20], [sflag:$0x4], $0x80, s19, s19, $0xb8;
	[tilespmem:$0x1FF00] =	vst v63  }
0x4c: {  	_ = 	snop  }
0x4d: {  	[tilespmem:s25], [sflag:$0x7] =	stream.linear.gather [hbm4b:s12+s4], $0x100, $0x38;
	[tilespmem:$0x1FF00] =	vst v63  }
0x4e: {  	_ =	swait.ge [sflag:s18], $0x100  }
0x4f: {  	[sflag:s18] =	ssyncset.done $0x0  }
0x50: {  	[sflag:s18] =	ssyncadd.s32 $0xFFFFFF00  }
0x51: {  	[tilespmem:s23], [sflag:$0x3] =	stream.indirect.gather [hbm4b:s1+s19], $0x80, s25, s19, $0xb8;
	[tilespmem:$0x1FF00] =	vst v63  }
0x52: {  	_ =	swait.ge [sflag:s26], $0x4000  }
0x53: {  	[sflag:s26] =	ssyncset.done $0x0  }
0x54: {  	[sflag:s26] =	ssyncadd.s32 $0xFFFFC000  }
0x55: {  	[spmem:s2] =	stream.indirect.scatter.add.f32 [tilespmem:s22], [sflag:$0x5], $0x80, s28, s19, $0xb8;
	[tilespmem:$0x1FF00] =	vst v63  }
0x56: {  	_ =	swait.ge [sflag:s29], $0x4000  }
0x57: {  	[sflag:s29] =	ssyncset.done $0x0  }
0x58: {  	[sflag:s29] =	ssyncadd.s32 $0xFFFFC000  }
0x59: {  	[tilespmem:s4], [sflag:$0x7] =	stream.linear.gather [hbm4b:s13+s4], $0x100, $0x38;
	[tilespmem:$0x1FF00] =	vst v63  }
0x5a: {  	_ =	swait.ge [sflag:s18], $0x100  }
0x5b: {  	[sflag:s18] =	ssyncset.done $0x0  }
0x5c: {  	[sflag:s18] =	ssyncadd.s32 $0xFFFFFF00  }
0x5d: {  	[tilespmem:s20], [sflag:$0x1] =	stream.indirect.gather [hbm4b:s1+s19], $0x80, s4, s19, $0xb8;
	[tilespmem:$0x1FF00] =	vst v63  }
0x5e: {  	_ =	swait.ge [sflag:s30], $0x4000  }
0x5f: {  	[sflag:s30] =	ssyncset.done $0x0  }
0x60: {  	[sflag:s30] =	ssyncadd.s32 $0xFFFFC000  }
0x61: {  	[spmem:s2] =	stream.indirect.scatter.add.f32 [tilespmem:s23], [sflag:$0x6], $0x80, s31, s19, $0xb8;
	[tilespmem:$0x1FF00] =	vst v63  }
0x62: {  	_ =	swait.ge [sflag:s0], $0x4000  }
0x63: {  	s8 =	sadd.s32 $0xFFFFF6A0, s17;
	[sflag:s0] =	ssyncset.done $0x0  }
0x64: {  	s9 =	sadd.s32 $0x9E0, s8;
	[sflag:s0] =	ssyncadd.s32 $0xFFFFC000  }
0x65: {  	[tilespmem:s21], [sflag:$0x7] =	stream.linear.gather [hbm4b:s9+s4], $0x100, $0x38;
	[tilespmem:$0x1FF00] =	vst v63  }
0x66: {  	_ =	swait.ge [sflag:s18], $0x100  }
0x67: {  	[sflag:s18] =	ssyncset.done $0x0  }
0x68: {  	[sflag:s18] =	ssyncadd.s32 $0xFFFFFF00  }
0x69: {  	[tilespmem:s22], [sflag:$0x2] =	stream.indirect.gather [hbm4b:s1+s19], $0x80, s21, s19, $0xb8;
	[tilespmem:$0x1FF00] =	vst v63  }
0x6a: {  	_ =	swait.ge [sflag:s24], $0x4000  }
0x6b: {  	[sflag:s24] =	ssyncset.done $0x0  }
0x6c: {  	[sflag:s24] =	ssyncadd.s32 $0xFFFFC000  }
0x6d: {  	[spmem:s2] =	stream.indirect.scatter.add.f32 [tilespmem:s20], [sflag:$0x4], $0x80, s19, s19, $0xb8;
	[tilespmem:$0x1FF00] =	vst v63  }
0x6e: {  	_ =	swait.ge [sflag:s3], $0x4000  }
0x6f: {  	[sflag:s3] =	ssyncset.done $0x0  }
0x70: {  	s10 =	sadd.s32 $0xA00, s8;
	[sflag:s3] =	ssyncadd.s32 $0xFFFFC000  }
0x71: {  	[tilespmem:s25], [sflag:$0x7] =	stream.linear.gather [hbm4b:s10+s4], $0x100, $0x38;
	[tilespmem:$0x1FF00] =	vst v63  }
0x72: {  	_ =	swait.ge [sflag:s18], $0x100  }
0x73: {  	[sflag:s18] =	ssyncset.done $0x0  }
0x74: {  	[sflag:s18] =	ssyncadd.s32 $0xFFFFFF00  }
0x75: {  	[tilespmem:s23], [sflag:$0x3] =	stream.indirect.gather [hbm4b:s1+s19], $0x80, s25, s19, $0xb8;
	[tilespmem:$0x1FF00] =	vst v63  }
0x76: {  	_ =	swait.ge [sflag:s26], $0x4000  }
0x77: {  	[sflag:s26] =	ssyncset.done $0x0  }
0x78: {  	[sflag:s26] =	ssyncadd.s32 $0xFFFFC000  }
0x79: {  	[spmem:s2] =	stream.indirect.scatter.add.f32 [tilespmem:s22], [sflag:$0x5], $0x80, s28, s19, $0xb8;
	[tilespmem:$0x1FF00] =	vst v63  }
0x7a: {  	_ =	swait.ge [sflag:s29], $0x4000  }
0x7b: {  	[sflag:s29] =	ssyncset.done $0x0  }
0x7c: {  	s8 =	sadd.s32 $0xA20, s8;
	[sflag:s29] =	ssyncadd.s32 $0xFFFFC000  }
0x7d: {  	[tilespmem:s4], [sflag:$0x7] =	stream.linear.gather [hbm4b:s8+s4], $0x100, $0x38;
	[tilespmem:$0x1FF00] =	vst v63  }
0x7e: {  	_ =	swait.ge [sflag:s18], $0x100  }
0x7f: {  	[sflag:s18] =	ssyncset.done $0x0  }
0x80: {  	s8 =	simm.s32 $0xFFFFF700;
	[sflag:s18] =	ssyncadd.s32 $0xFFFFFF00  }
.LBB2_4:
0x81: {  	[tilespmem:s20], [sflag:$0x1] =	stream.indirect.gather [hbm4b:s1+s19], $0x80, s4, s19, $0xb8;
	[tilespmem:$0x1FF00] =	vst v63  }
0x82: {  	s9 =	smov.u32 s8  }
0x83: {  	p0 =	sne.s32 s8, $0xFFFFFFA0;
	s8 =	sadd.s32 $0x60, s8;
	_ =	swait.ge [sflag:s30], $0x4000  }
0x84: {  	[sflag:s30] =	ssyncset.done $0x0  }
0x85: {  	[sflag:s30] =	ssyncadd.s32 $0xFFFFC000  }
0x86: {  	[spmem:s2] =	stream.indirect.scatter.add.f32 [tilespmem:s23], [sflag:$0x6], $0x80, s31, s19, $0xb8;
	[tilespmem:$0x1FF00] =	vst v63  }
0x87: {  	_ =	swait.ge [sflag:s0], $0x4000  }
0x88: {  	s9 =	sadd.s32 s9, s17;
	[sflag:s0] =	ssyncset.done $0x0  }
0x89: {  	s10 =	sadd.s32 $0x9E0, s9;
	[sflag:s0] =	ssyncadd.s32 $0xFFFFC000  }
0x8a: {  	[tilespmem:s21], [sflag:$0x7] =	stream.linear.gather [hbm4b:s10+s4], $0x100, $0x38;
	[tilespmem:$0x1FF00] =	vst v63  }
0x8b: {  	_ =	swait.ge [sflag:s18], $0x100  }
0x8c: {  	[sflag:s18] =	ssyncset.done $0x0  }
0x8d: {  	[sflag:s18] =	ssyncadd.s32 $0xFFFFFF00  }
0x8e: {  	[tilespmem:s22], [sflag:$0x2] =	stream.indirect.gather [hbm4b:s1+s19], $0x80, s21, s19, $0xb8;
	[tilespmem:$0x1FF00] =	vst v63  }
0x8f: {  	_ =	swait.ge [sflag:s24], $0x4000  }
0x90: {  	[sflag:s24] =	ssyncset.done $0x0  }
0x91: {  	[sflag:s24] =	ssyncadd.s32 $0xFFFFC000  }
0x92: {  	[spmem:s2] =	stream.indirect.scatter.add.f32 [tilespmem:s20], [sflag:$0x4], $0x80, s19, s19, $0xb8;
	[tilespmem:$0x1FF00] =	vst v63  }
0x93: {  	_ =	swait.ge [sflag:s3], $0x4000  }
0x94: {  	[sflag:s3] =	ssyncset.done $0x0  }
0x95: {  	s10 =	sadd.s32 $0xA00, s9;
	[sflag:s3] =	ssyncadd.s32 $0xFFFFC000  }
0x96: {  	[tilespmem:s25], [sflag:$0x7] =	stream.linear.gather [hbm4b:s10+s4], $0x100, $0x38;
	[tilespmem:$0x1FF00] =	vst v63  }
0x97: {  	_ =	swait.ge [sflag:s18], $0x100  }
0x98: {  	[sflag:s18] =	ssyncset.done $0x0  }
0x99: {  	[sflag:s18] =	ssyncadd.s32 $0xFFFFFF00  }
0x9a: {  	[tilespmem:s23], [sflag:$0x3] =	stream.indirect.gather [hbm4b:s1+s19], $0x80, s25, s19, $0xb8;
	[tilespmem:$0x1FF00] =	vst v63  }
0x9b: {  	_ =	swait.ge [sflag:s26], $0x4000  }
0x9c: {  	[sflag:s26] =	ssyncset.done $0x0  }
0x9d: {  	[sflag:s26] =	ssyncadd.s32 $0xFFFFC000  }
0x9e: {  	[spmem:s2] =	stream.indirect.scatter.add.f32 [tilespmem:s22], [sflag:$0x5], $0x80, s28, s19, $0xb8;
	[tilespmem:$0x1FF00] =	vst v63  }
0x9f: {  	_ =	swait.ge [sflag:s29], $0x4000  }
0xa0: {  	[sflag:s29] =	ssyncset.done $0x0  }
.Ltmp1:
0xa1: {  	s9 =	sadd.s32 $0xA20, s9;
	[sflag:s29] =	ssyncadd.s32 $0xFFFFC000;
	(pc) =	sbr.rel @p0 .LBB2_4-.Ltmp1, $4  }
0xa2: {  	[tilespmem:s4], [sflag:$0x7] =	stream.linear.gather [hbm4b:s9+s4], $0x100, $0x38;
	[tilespmem:$0x1FF00] =	vst v63  }
0xa3: {  	_ =	swait.ge [sflag:s18], $0x100  }
0xa4: {  	[sflag:s18] =	ssyncset.done $0x0  }
0xa5: {  	[sflag:s18] =	ssyncadd.s32 $0xFFFFFF00  }
0xa6: {  	[tilespmem:s20], [sflag:$0x1] =	stream.indirect.gather [hbm4b:s1+s19], $0x80, s4, s19, $0xb8;
	[tilespmem:$0x1FF00] =	vst v63  }
0xa7: {  	_ =	swait.ge [sflag:s30], $0x4000  }
0xa8: {  	[sflag:s30] =	ssyncset.done $0x0  }
0xa9: {  	[sflag:s30] =	ssyncadd.s32 $0xFFFFC000  }
0xaa: {  	[spmem:s2] =	stream.indirect.scatter.add.f32 [tilespmem:s23], [sflag:$0x6], $0x80, s31, s19, $0xb8;
	[tilespmem:$0x1FF00] =	vst v63  }
0xab: {  	_ =	swait.ge [sflag:s0], $0x4000  }
0xac: {  	[sflag:s0] =	ssyncset.done $0x0  }
0xad: {  	[sflag:s0] =	ssyncadd.s32 $0xFFFFC000  }
0xae: {  	[tilespmem:s21], [sflag:$0x7] =	stream.linear.gather [hbm4b:s14+s4], $0x100, $0x38;
	[tilespmem:$0x1FF00] =	vst v63  }
0xaf: {  	_ =	swait.ge [sflag:s18], $0x100  }
0xb0: {  	[sflag:s18] =	ssyncset.done $0x0  }
0xb1: {  	[sflag:s18] =	ssyncadd.s32 $0xFFFFFF00  }
0xb2: {  	[tilespmem:s22], [sflag:$0x2] =	stream.indirect.gather [hbm4b:s1+s19], $0x80, s21, s19, $0xb8;
	[tilespmem:$0x1FF00] =	vst v63  }
0xb3: {  	_ =	swait.ge [sflag:s24], $0x4000  }
0xb4: {  	[sflag:s24] =	ssyncset.done $0x0  }
0xb5: {  	[sflag:s24] =	ssyncadd.s32 $0xFFFFC000  }
0xb6: {  	[spmem:s2] =	stream.indirect.scatter.add.f32 [tilespmem:s20], [sflag:$0x4], $0x80, s19, s19, $0xb8;
	[tilespmem:$0x1FF00] =	vst v63  }
0xb7: {  	_ =	swait.ge [sflag:s26], $0x4000  }
0xb8: {  	[sflag:s26] =	ssyncset.done $0x0  }
0xb9: {  	[sflag:s26] =	ssyncadd.s32 $0xFFFFC000  }
0xba: {  	[spmem:s2] =	stream.indirect.scatter.add.f32 [tilespmem:s22], [sflag:$0x5], $0x80, s28, s19, $0xb8;
	[tilespmem:$0x1FF00] =	vst v63  }
0xbb: {  	_ =	swait.ge [sflag:s3], $0x4000  }
0xbc: {  	[sflag:s3] =	ssyncset.done $0x0  }
0xbd: {  	[sflag:s3] =	ssyncadd.s32 $0xFFFFC000  }
0xbe: {  	_ =	swait.ge [sflag:s29], $0x4000  }
0xbf: {  	[sflag:s29] =	ssyncset.done $0x0  }
0xc0: {  	[sflag:s29] =	ssyncadd.s32 $0xFFFFC000  }
0xc1: {  	s8 =	stileid.u32;
	_ =	swait.ge [sflag:s0], $0x4000  }
0xc2: {  	s9 =	sshrl.u32 s6, $0x3;
	s7 =	sadd.s32 $0x1, s7;
	[sflag:s0] =	ssyncset.done $0x0  }
0xc3: {  	s8 =	sshll.u32 s8, $0x6;
	p0 =	sne.s32 s7, s16;
	[sflag:s0] =	ssyncadd.s32 $0xFFFFC000  }
.Ltmp2:
0xc4: {  	s8 =	sor.u32 $0x1C07, s8;
	[bflag:$0x0] =	sbarrier.arrive $0xFFFF;
	(pc) =	sbr.rel @p0 .LBB2_1-.Ltmp2, $4  }
0xc5: {  	[hbm:s15], [sflag:s8] =	dma.local [spmem:s9], $0x2780  }
0xc6: {  	_ =	swait.ge [sflag:s18], $0x2780  }
0xc7: {  	[sflag:s18] =	ssyncset.done $0x0  }
0xc8: {  	[sflag:s18] =	ssyncadd.s32 $0xFFFFD880  }
0xc9: {  	_ =	sfence.sel $0x180000  }
0xca: {  	[bflag:$0x0] =	sbarrier.arrive $0xFFFF  }
0xcb: {  	_ =	strace $0x9000004A  }
0xcc: {  	s0 =	stileid.u32;
	[bflag:$0x2] =	sbarrier.arrive $0xFFFF  }
0xcd: {  	p0 =	sne.s32 s0, $0x0;
	s0 =	rddreg [dreg:$0x3]  }
0xce: {  	s0 =	sadd.s32 @!p0 $0x100000, s0  }
0xcf: {  	[sflag:s0] =	ssyncadd.tile.s32 @!p0 $0x1;
	_ =	shalt  }
.Lfunc_end2:
_tile_overlayer_lowered:
.L_overlay_start_2:
0xd0: {  	(tag) =	ssettag $0x2  }
0xd1: {  	s0 =	rddreg [dreg:$0x0];
	s2 =	stileid.u32  }
0xd2: {  	s1 =	rddreg [dreg:$0x1];
	p0 =	sne.s32 s2, $0x0  }
0xd3: {  	s3 =	rddreg [dreg:$0x2];
	[bflag:$0x3] =	sbarrier.arrive $0xFFFF;
	s2 =	simm.s32 @!p0 $0x1C07  }
0xd4: {  	[timem:s3], [sflag:s2] =	dma.local @!p0 [hbm:s0], s1  }
0xd5: {  	s0 =	simm.s32 @!p0 $0x7  }
0xd6: {  	_ =	swait.ge @!p0 [sflag:s0], s1  }
0xd7: {  	s1 =	ssub.s32 @!p0 $0x0, s1;
	[sflag:s0] =	ssyncset.done @!p0 $0x0  }
0xd8: {  	[sflag:s0] =	ssyncadd.s32 @!p0 s1  }
0xd9: {  	[bflag:$0x3] =	sbarrier.arrive $0xFFFF  }
0xda: {  	_ =	shalt  }

// kernel: kernel.14.cloned.1.call-start
scs
__scs_entry_jumppad:
0x0: {  	(pc) =	sbr.rel $0x88, $3  }
0x1: {  	(tag) =	ssettag $0x0;
	lr =	simm.s32 $0x1  }
0x2: {  	[smem:$0x3F9B] =	sst lr;
	_ =	strace $0xD0000000  }
0x3: {  	_ = 	snop  }
0x4: {  	_ = 	snop  }
0x5: {  	_ = 	snop  }
0x6: {  	_ = 	snop  }
0x7: {  	_ = 	snop  }
__scs_overlays_trampoline_lowered:
0x8: {  	[smem:$0x3FAA] =	sst s0  }
0x9: {  	[smem:$0x3FAB] =	sst s1  }
0xa: {  	[smem:$0x3FAC] =	sst s2  }
0xb: {  	[smem:$0x3FAD] =	sst s3  }
0xc: {  	[smem:$0x3FAE] =	sst s4  }
0xd: {  	[smem:$0x3FAF] =	sst s5  }
0xe: {  	[smem:$0x3FB0] =	sst s6  }
0xf: {  	[smem:$0x3FB1] =	sst s7  }
0x10: {  	[smem:$0x3FB2] =	sst s8  }
0x11: {  	[smem:$0x3FB3] =	sst s9;
	s0 =	simm.s32 @!p0 $0x0  }
0x12: {  	s1 =	sld [smem:$0x3F99];
	s0 =	simm.s32 @p0 $0x1  }
0x13: {  	[smem:$0x3FB4] =	sst s0;
	s0 =	simm.s32 @!p1 $0x0  }
0x14: {  	s2 =	sld [smem:$0x3F98];
	s0 =	simm.s32 @p1 $0x1  }
0x15: {  	[smem:$0x3FB5] =	sst s0;
	s0 =	simm.s32 @!p2 $0x0  }
0x16: {  	s3 =	sld [smem:$0x3FDB];
	s0 =	simm.s32 @p2 $0x1  }
0x17: {  	s4 =	simm.s32 $0x1BF5;
	[smem:$0x3FB7] =	sst s0  }
0x18: {  	s0 =	sld [smem:$0x3F9A];
	_ =	swait.ge [sflag:s4], $0x0  }
0x19: {  	s7 =	sld [smem:$0x3F9B]  }
0x1a: {  	s8 =	sadd.s32 $0xFFFFE003, lr  }
0x1b: {  	s9 =	sadd.s32 $0xFFFFFEF7, lr;
	s5 =	simm.s32 $0xFFFFFFFF;
	p2 =	slt.u32 s8, $0xFFFFF086  }
0x1c: {  	p1 =	slt.u32 s9, $0xF7A;
	s5 =	simm.s32 @!p2 $0x0  }
0x1d: {  	s5 =	simm.s32 @p1 $0x1;
	p0 =	seq.s32 s7, s2  }
0x1e: {  	s7 =	smul.u32 @!p0 $0xF7A, s2;
	p2 =	seq.s32 @!p0 s5, $0x0  }
0x1f: {  	s9 =	smul.u32 $0xF7A, s1;
	s8 =	simm.s32 @!p0 $0x1BF5;
	p2 =	por !p2, p0  }
0x20: {  	[sflag:s8] =	ssyncset.s32 @!p0 $0xFFFFF086;
	s6 =	sadd.s32 @!p0 s3, s7;
	s7 =	simm.s32 @!p0 $0x108  }
0x21: {  	s3 =	sadd.s32 s3, s9;
	s6 =	sadd.s32 @!p0 $0x88, s6;
	s7 =	simm.s32 @p2 $0x1082  }
0x22: {  	[simem:s7], [sflag:s8] =	dma.local @!p0 [hbm:s6], $0xF7A  }
0x23: {  	s9 =	sor.u32 $0xD0000000, s2;
	s6 =	simm.s32 $0x108;
	_ =	swait.ge @!p0 [sflag:s8], $0x0  }
0x24: {  	s3 =	sadd.s32 $0x88, s3;
	s6 =	simm.s32 @!p1 $0x1082;
	[sflag:s4] =	ssyncset.s32 $0xFFFFF086  }
0x25: {  	[simem:s6], [sflag:s4] =	dma.local [hbm:s3], $0xF7A  }
0x26: {  	[smem:$0x3F9B] =	sst s1;
	(tag) =	ssettag s2;
	_ =	strace s9  }
0x27: {  	s1 =	sld [smem:$0x3FAB]  }
0x28: {  	s2 =	sld [smem:$0x3FAC]  }
0x29: {  	s4 =	sld [smem:$0x3FAE]  }
0x2a: {  	p0 =	seq.s32 s5, $0x0;
	s5 =	sld [smem:$0x3FAF]  }
0x2b: {  	s6 =	sld [smem:$0x3FB0]  }
0x2c: {  	s7 =	sld [smem:$0x3FB1]  }
0x2d: {  	s3 =	simm.s32 $0x108;
	s8 =	sld [smem:$0x3FB2]  }
0x2e: {  	s3 =	simm.s32 @!p0 $0x1082;
	s9 =	sld [smem:$0x3FB3]  }
0x2f: {  	lr =	sadd.s32 s0, s3;
	s0 =	sld [smem:$0x3FAA]  }
0x30: {  	s3 =	sld [smem:$0x3FAD]  }
0x31: {  	[smem:$0x3FB6] =	sst s10  }
0x32: {  	s10 =	sld [smem:$0x3FB4];
	_ =	sdelay $0x3  }
0x33: {  	p0 =	seq.s32 s10, $0x1;
	s10 =	sld [smem:$0x3FB6];
	_ =	sdelay $0x3  }
0x34: {  	[smem:$0x3FB6] =	sst s10  }
0x35: {  	s10 =	sld [smem:$0x3FB5];
	_ =	sdelay $0x3  }
0x36: {  	p1 =	seq.s32 s10, $0x1;
	s10 =	sld [smem:$0x3FB6];
	_ =	sdelay $0x3  }
0x37: {  	[smem:$0x3FB6] =	sst s10  }
0x38: {  	s10 =	sld [smem:$0x3FB7]  }
0x39: {  	_ = 	snop;
	(pc) =	sbr.ind lr, $3  }
0x3a: {  	_ = 	snop  }
0x3b: {  	_ = 	snop  }
0x3c: {  	p2 =	seq.s32 s10, $0x1;
	s10 =	sld [smem:$0x3FB6]  }
0x3d: {  	_ =	shalt  }
0x3e: {  	_ =	shalt  }
0x3f: {  	_ =	shalt  }
0x40: {  	_ =	shalt  }
0x41: {  	_ =	shalt  }
0x42: {  	_ =	shalt  }
0x43: {  	_ =	shalt  }
0x44: {  	_ =	shalt  }
0x45: {  	_ =	shalt  }
0x46: {  	_ =	shalt  }
0x47: {  	_ =	shalt  }
0x48: {  	_ =	shalt  }
0x49: {  	_ =	shalt  }
0x4a: {  	_ =	shalt  }
0x4b: {  	_ =	shalt  }
0x4c: {  	_ =	shalt  }
0x4d: {  	_ =	shalt  }
0x4e: {  	_ =	shalt  }
0x4f: {  	_ =	shalt  }
0x50: {  	_ =	shalt  }
0x51: {  	_ =	shalt  }
0x52: {  	_ =	shalt  }
0x53: {  	_ =	shalt  }
0x54: {  	_ =	shalt  }
0x55: {  	_ =	shalt  }
0x56: {  	_ =	shalt  }
0x57: {  	_ =	shalt  }
0x58: {  	_ =	shalt  }
0x59: {  	_ =	shalt  }
0x5a: {  	_ =	shalt  }
0x5b: {  	_ =	shalt  }
0x5c: {  	_ =	shalt  }
0x5d: {  	_ =	shalt  }
0x5e: {  	_ =	shalt  }
0x5f: {  	_ =	shalt  }
0x60: {  	_ =	shalt  }
0x61: {  	_ =	shalt  }
0x62: {  	_ =	shalt  }
0x63: {  	_ =	shalt  }
0x64: {  	_ =	shalt  }
0x65: {  	_ =	shalt  }
0x66: {  	_ =	shalt  }
0x67: {  	_ =	shalt  }
0x68: {  	_ =	shalt  }
0x69: {  	_ =	shalt  }
0x6a: {  	_ =	shalt  }
0x6b: {  	_ =	shalt  }
0x6c: {  	_ =	shalt  }
0x6d: {  	_ =	shalt  }
0x6e: {  	_ =	shalt  }
0x6f: {  	_ =	shalt  }
0x70: {  	_ =	shalt  }
0x71: {  	_ =	shalt  }
0x72: {  	_ =	shalt  }
0x73: {  	_ =	shalt  }
0x74: {  	_ =	shalt  }
0x75: {  	_ =	shalt  }
0x76: {  	_ =	shalt  }
0x77: {  	_ =	shalt  }
0x78: {  	_ =	shalt  }
0x79: {  	_ =	shalt  }
0x7a: {  	_ =	shalt  }
0x7b: {  	_ =	shalt  }
0x7c: {  	_ =	shalt  }
0x7d: {  	_ =	shalt  }
0x7e: {  	_ =	shalt  }
0x7f: {  	_ =	shalt  }
0x80: {  	_ =	shalt  }
0x81: {  	_ =	shalt  }
0x82: {  	_ =	shalt  }
0x83: {  	_ =	shalt  }
0x84: {  	_ =	shalt  }
0x85: {  	_ =	shalt  }
0x86: {  	_ =	shalt  }
0x87: {  	_ =	shalt  }
.Lfunc_end0:
.L_simem_size_0:
called_computation.2_lowered:
.L_overlay_start_0:
0x88: {  	s2 =	sld [smem:$0x3FD9]  }
0x89: {  	s3 =	sld [smem:$0x3FFE];
	_ =	sdelay $0x1  }
0x8a: {  	s1 =	srdreg.scid  }
0x8b: {  	s0 =	sand.u32 $0x1, s1  }
0x8c: {  	s17 =	sshll.u32 s0, $0xA;
	s2 =	sadd.s32 s3, s2  }
0x8d: {  	s2 =	sadd.s32 s2, s17  }
0x8e: {  	[smem:$0x3FC2] =	sst s2  }
0x8f: {  	_ = 	snop  }
0x90: {  	s2 =	sld [smem:$0x3FD0];
	(tm) =	ssettm $0x1  }
0x91: {  	s18 =	sld [smem:$0x3FFB];
	_ =	sdelay $0x3  }
0x92: {  	_ =	strace s18  }
0x93: {  	s3 =	sld [smem:$0x3FFC];
	_ =	sdelay $0x3  }
0x94: {  	_ =	strace s3  }
0x95: {  	s3 =	sld [smem:$0x3FFD];
	_ =	sdelay $0x3  }
0x96: {  	_ =	strace s3  }
0x97: {  	_ =	strace $0x8FFFFFFF  }
0x98: {  	s19 =	sld [smem:$0x3FDB];
	_ =	sdelay $0x1  }
0x99: {  	s4 =	simm.s32 $_scs_section_size  }
0x9a: {  	s5 =	simm.s32 $_size__tile_overlayer_lowered;
	s6 =	simm.s32 $_tile_overlayer_lowered  }
0x9b: {  	s22 =	simm.s32 $0x1BFF;
	s21 =	sshll.u32 s6, $0x1;
	s3 =	sadd.s32 s4, s19  }
0x9c: {  	s7 =	simm.s32 $0x0;
	s20 =	sshll.u32 s5, $0x1;
	s5 =	sadd.s32 s21, s3  }
0x9d: {  	[timem:s7], [sflag:s22] =	dma.local [hbm:s5], s20  }
0x9e: {  	_ =	swait.ge [sflag:s22], s20  }
0x9f: {  	s4 =	ssub.s32 $0x0, s20;
	[sflag:s22] =	ssyncset.done $0x0  }
0xa0: {  	[sflag:s22] =	ssyncadd.s32 s4;
	_ =	sdelay $0x1  }
0xa1: {  	s23 =	simm.s32 $0x1B8B  }
0xa2: {  	_ =	swait.ge [sflag:s23], $0x1  }
0xa3: {  	[sflag:s23] =	ssyncset.done $0x0  }
0xa4: {  	s25 =	simm.s32 $0x1B8E;
	s24 =	sld [smem:$0x3FFE];
	[sflag:s23] =	ssyncadd.s32 $0xFFFFFFFF  }
0xa5: {  	s26 =	simm.s32 $execute0_lowered;
	[smem:$0x3FD2] =	sst s25  }
0xa6: {  	s5 =	sshll.u32 s26, $0x1;
	_ =	strace $0x8000004C;
	[dreg:$0x1] =	wrdreg $0xFFFFFFFF  }
0xa7: {  	s28 =	simm.s32 $_size_execute0_lowered;
	s3 =	sadd.s32 s3, s5;
	[dreg:$0x0] =	wrdreg $0x0  }
0xa8: {  	s5 =	sshll.u32 s28, $0x1;
	[dreg:$0x2] =	wrdreg s3  }
0xa9: {  	[dreg:$0x3] =	wrdreg s5  }
0xaa: {  	[dreg:$0x4] =	wrdreg $0xC0  }
0xab: {  	_ =	task [dreg:s7], $0x5FFFF  }
0xac: {  	[dreg:$0x1] =	wrdreg $0xFFFFFFFF  }
0xad: {  	[dreg:$0x0] =	wrdreg $0x60  }
0xae: {  	[dreg:$0x2] =	wrdreg s2  }
0xaf: {  	[dreg:$0x3] =	wrdreg s24  }
0xb0: {  	[dreg:$0x4] =	wrdreg $0xC3000  }
0xb1: {  	[dreg:$0x5] =	wrdreg $0x9  }
0xb2: {  	_ =	task.clear_ibuf [dreg:s7], $0x6FFFF;
	_ =	strace $0x9000004C  }
0xb3: {  	s29 =	simm.s32 $0x9;
	_ =	strace $0x8000004E  }
0xb4: {  	_ =	swait.ge [sflag:s29], $0x1  }
0xb5: {  	[sflag:s29] =	ssyncadd.s32 $0xFFFFFFFF  }
0xb6: {  	_ =	strace $0x9000004E  }
0xb7: {  	_ =	sfence  }
0xb8: {  	s30 =	sld [smem:$0x0];
	_ =	sdelay $0x2  }
0xb9: {  	s31 =	sshll.u32 s1, $0xD;
	s1 =	sshrl.u32 s1, $0x2  }
0xba: {  	s3 =	sand.u32 $0x4000, s31;
	s1 =	sadd.s32 s1, s30  }
0xbb: {  	s0 =	sor.u32 s3, s0;
	s1 =	sshll.u32 s1, $0x11  }
0xbc: {  	s0 =	sor.u32 s1, s0  }
0xbd: {  	s0 =	sadd.s32 $0x8F2B, s0  }
0xbe: {  	[sflag:s0] =	ssyncadd.remote.s32 $0x1  }
0xbf: {  	_ =	sfence.sel $0xFFFF  }
0xc0: {  	[dreg:$0x0] =	wrdreg $0xFFFFFFFF;
	(pc) =	sbr.abs _section_cstart, $3  }
0xc1: {  	[dreg:$0x1] =	wrdreg $0xFFFFFFFF  }
0xc2: {  	_ =	task.clear_ibuf [dreg:s7], $0x2FFFF;
	_ =	strace $0x9FFFFFFF  }
0xc3: {  	(tm) =	ssettm $0x7FFFFFFF  }
tec
execute0_lowered:
.L_overlay_start_1:
0x0: {  	(tag) =	ssettag $0x1  }
0x1: {  	s1 =	rddreg [dreg:$0x0]  }
0x2: {  	s0 =	rddreg [dreg:$0x1]  }
0x3: {  	s2 =	rddreg [dreg:$0x2]  }
0x4: {  	s3 =	srdreg.scid;
	s4 =	simm.s32 $0x0;
	s12 =	stileid.u32  }
0x5: {  	s18 =	simm.s32 $0x7;
	s19 =	simm.s32 $0x80;
	s28 =	simm.s32 $0x180  }
0x6: {  	s29 =	simm.s32 $0x4;
	s30 =	simm.s32 $0x3;
	s6 =	smul.u32 $0x13C00, s12  }
0x7: {  	s31 =	simm.s32 $0x280;
	s3 =	sand.u32 $0x1, s3;
	s21 =	smul.u32 $0x4F000, s12  }
0x8: {  	[smem:$0x7FF] =	sst s4;
	s7 =	sadd.s32 $0x2400, s0;
	s14 =	smul.u32 $0x50, s12  }
0x9: {  	s5 =	smul.u32 $0x13C000, s3;
	_ =	strace $0x8000004D;
	s20 =	sshll.u32 s3, $0x4  }
0xa: {  	s8 =	ssub.s32 $0x2, s3;
	s3 =	smul.u32 $0x500, s3;
	s9 =	sor.u32 s12, s20  }
0xb: {  	s10 =	sshrl.u32 s8, $0x1;
	s20 =	simm.s32 $0x300;
	s5 =	sadd.s32 s6, s5  }
0xc: {  	s11 =	smul.u32 $0xA00, s9;
	s8 =	ssub.s32 s8, s10;
	s6 =	sshrl.u32 s21, $0x2  }
0xd: {  	s9 =	smul.u32 $0x5000, s9;
	s3 =	sadd.s32 s14, s3;
	s21 =	simm.s32 $0x100  }
0xe: {  	s5 =	sshrl.u32 s5, $0x3;
	s6 =	sadd.s32 s6, s2;
	s26 =	sshll.u32 s3, $0x5  }
0xf: {  	s16 =	smax.u32 s8, $0x1;
	s3 =	simm.s32 $0x6;
	s0 =	sadd.s32 s5, s0  }
0x10: {  	s5 =	sadd.s32 s7, s11;
	s23 =	sadd.s32 $0x4000, s6;
	s24 =	sadd.s32 $0x8000, s6  }
0x11: {  	s25 =	sadd.s32 $0xC000, s6;
	s11 =	sadd.s32 $0x10000, s6;
	[dreg:$0x5] =	wrdreg s23  }
0x12: {  	s9 =	sshrl.u32 s9, $0x3;
	s17 =	sadd.s32 s26, s7;
	[dreg:$0x6] =	wrdreg s24  }
0x13: {  	s26 =	simm.s32 $0x2;
	s22 =	sadd.s32 $0x20, s5;
	[dreg:$0x7] =	wrdreg s25  }
0x14: {  	s12 =	sadd.s32 $0x40, s5;
	s13 =	sadd.s32 $0x60, s5;
	s9 =	sadd.s32 s7, s9  }
0x15: {  	s15 =	sadd.s32 $0x16400, s0;
	s23 =	simm.s32 $0x8300;
	s24 =	simm.s32 $0x1  }
0x16: {  	s25 =	simm.s32 $0x200;
	s0 =	simm.s32 $0x5;
	s7 =	simm.s32 $0x0  }
0x17: {  	v0 =	vimm.f32 $0.0e+00;
	[dreg:$0x4] =	wrdreg s22;
	s14 =	sadd.s32 $0x9E0, s9;
	s22 =	simm.s32 $0x4300  }
.LBB2_1:
0x18: {  	[tilespmem:s4], [sflag:$0x7] =	stream.linear.gather [hbm4b:s5+s4], $0x100, $0x38;
	[tilespmem:$0x1FF00] =	vst v63  }
0x19: {  	_ =	swait.ge [sflag:s18], $0x100  }
0x1a: {  	[sflag:s18] =	ssyncset.done $0x0  }
0x1b: {  	[sflag:s18] =	ssyncadd.s32 $0xFFFFFF00  }
0x1c: {  	[tilespmem:s20], [sflag:$0x1] =	stream.indirect.gather [hbm4b:s1+s19], $0x80, s4, s19, $0xb8;
	[tilespmem:$0x1FF00] =	vst v63  }
0x1d: {  	s8 =	rddreg [dreg:$0x4]  }
0x1e: {  	[tilespmem:s21], [sflag:$0x7] =	stream.linear.gather [hbm4b:s8+s4], $0x100, $0x38;
	[tilespmem:$0x1FF00] =	vst v63  }
0x1f: {  	_ =	swait.ge [sflag:s18], $0x100  }
0x20: {  	[sflag:s18] =	ssyncset.done $0x0  }
0x21: {  	s9 =	simm.s32 $0x200;
	s8 =	simm.s32 $0x0;
	[sflag:s18] =	ssyncadd.s32 $0xFFFFFF00  }
0x22: {  	[tilespmem:s22], [sflag:$0x2] =	stream.indirect.gather [hbm4b:s1+s19], $0x80, s21, s19, $0xb8;
	[tilespmem:$0x1FF00] =	vst v63  }
.LBB2_2:
0x23: {  	p0 =	sne.s32 s9, $0xFE00;
	[tilespmem:s8+$0x8370] =	vst v0  }
0x24: {  	[tilespmem:s8+$0x8300] =	vst v0  }
0x25: {  	[tilespmem:s8+$0x8310] =	vst v0  }
.Ltmp0:
0x26: {  	[tilespmem:s8+$0x8320] =	vst v0;
	(pc) =	sbr.rel @p0 .LBB2_2-.Ltmp0, $4  }
0x27: {  	[tilespmem:s8+$0x8330] =	vst v0  }
0x28: {  	[tilespmem:s8+$0x8340] =	vst v0  }
0x29: {  	[tilespmem:s8+$0x8350] =	vst v0  }
0x2a: {  	[tilespmem:s8+$0x8360] =	vst v0;
	s8 =	sshra.s32 s9, $0x2;
	s9 =	sadd.s32 $0x200, s9  }
0x2b: {  	[tilespmem:s8+$0x8370] =	vst v0  }
0x2c: {  	[tilespmem:s8+$0x8300] =	vst v0  }
0x2d: {  	[tilespmem:s8+$0x8310] =	vst v0  }
0x2e: {  	[tilespmem:s8+$0x8320] =	vst v0  }
0x2f: {  	[tilespmem:s8+$0x8330] =	vst v0  }
0x30: {  	[tilespmem:s8+$0x8340] =	vst v0  }
0x31: {  	[tilespmem:s8+$0x8350] =	vst v0  }
0x32: {  	[tilespmem:s8+$0x8360] =	vst v0  }
0x33: {  	[spmem:s6] =	stream.linear.scatter [tilespmem:s23], [sflag:$0x7], $0x4000, $0x38;
	[tilespmem:$0x1FF00] =	vst v63  }
0x34: {  	_ =	swait.ge [sflag:s18], $0x4000  }
0x35: {  	[sflag:s18] =	ssyncset.done $0x0  }
0x36: {  	s9 =	rddreg [dreg:$0x5];
	[sflag:s18] =	ssyncadd.s32 $0xFFFFC000  }
0x37: {  	[spmem:s9] =	stream.linear.scatter [tilespmem:s23], [sflag:$0x7], $0x4000, $0x38;
	[tilespmem:$0x1FF00] =	vst v63  }
0x38: {  	_ =	swait.ge [sflag:s18], $0x4000  }
0x39: {  	[sflag:s18] =	ssyncset.done $0x0  }
0x3a: {  	s10 =	rddreg [dreg:$0x6];
	[sflag:s18] =	ssyncadd.s32 $0xFFFFC000  }
0x3b: {  	[spmem:s10] =	stream.linear.scatter [tilespmem:s23], [sflag:$0x7], $0x4000, $0x38;
	[tilespmem:$0x1FF00] =	vst v63  }
0x3c: {  	_ =	swait.ge [sflag:s18], $0x4000  }
0x3d: {  	[sflag:s18] =	ssyncset.done $0x0  }
0x3e: {  	s9 =	rddreg [dreg:$0x7];
	[sflag:s18] =	ssyncadd.s32 $0xFFFFC000  }
0x3f: {  	[spmem:s9] =	stream.linear.scatter [tilespmem:s23], [sflag:$0x7], $0x4000, $0x38;
	[tilespmem:$0x1FF00] =	vst v63  }
0x40: {  	_ =	swait.ge [sflag:s18], $0x4000  }
0x41: {  	[sflag:s18] =	ssyncset.done $0x0  }
0x42: {  	[sflag:s18] =	ssyncadd.s32 $0xFFFFC000  }
0x43: {  	[spmem:s11] =	stream.linear.scatter [tilespmem:s23], [sflag:$0x7], $0x3C00, $0x38;
	[tilespmem:$0x1FF00] =	vst v63  }
0x44: {  	_ =	swait.ge [sflag:s18], $0x3C00  }
0x45: {  	[sflag:s18] =	ssyncset.done $0x0  }
0x46: {  	[sflag:s18] =	ssyncadd.s32 $0xFFFFC400  }
0x47: {  	[bflag:$0x0] =	sbarrier.arrive $0xFFFF  }
0x48: {  	_ =	swait.ge [sflag:s24], $0x4000  }
0x49: {  	[sflag:s24] =	ssyncset.done $0x0  }
0x4a: {  	[sflag:s24] =	ssyncadd.s32 $0xFFFFC000  }
0x4b: {  	[spmem:s2] =	stream.indirect.scatter.add.f32 [tilespmem:s20], [sflag:$0x4], $0x80, s19, s19, $0xb8;
	[tilespmem:$0x1FF00] =	vst v63  }
0x4c: {  	_ = 	snop  }
0x4d: {  	[tilespmem:s25], [sflag:$0x7] =	stream.linear.gather [hbm4b:s12+s4], $0x100, $0x38;
	[tilespmem:$0x1FF00] =	vst v63  }
0x4e: {  	_ =	swait.ge [sflag:s18], $0x100  }
0x4f: {  	[sflag:s18] =	ssyncset.done $0x0  }
0x50: {  	[sflag:s18] =	ssyncadd.s32 $0xFFFFFF00  }
0x51: {  	[tilespmem:s23], [sflag:$0x3] =	stream.indirect.gather [hbm4b:s1+s19], $0x80, s25, s19, $0xb8;
	[tilespmem:$0x1FF00] =	vst v63  }
0x52: {  	_ =	swait.ge [sflag:s26], $0x4000  }
0x53: {  	[sflag:s26] =	ssyncset.done $0x0  }
0x54: {  	[sflag:s26] =	ssyncadd.s32 $0xFFFFC000  }
0x55: {  	[spmem:s2] =	stream.indirect.scatter.add.f32 [tilespmem:s22], [sflag:$0x5], $0x80, s28, s19, $0xb8;
	[tilespmem:$0x1FF00] =	vst v63  }
0x56: {  	_ =	swait.ge [sflag:s29], $0x4000  }
0x57: {  	[sflag:s29] =	ssyncset.done $0x0  }
0x58: {  	[sflag:s29] =	ssyncadd.s32 $0xFFFFC000  }
0x59: {  	[tilespmem:s4], [sflag:$0x7] =	stream.linear.gather [hbm4b:s13+s4], $0x100, $0x38;
	[tilespmem:$0x1FF00] =	vst v63  }
0x5a: {  	_ =	swait.ge [sflag:s18], $0x100  }
0x5b: {  	[sflag:s18] =	ssyncset.done $0x0  }
0x5c: {  	[sflag:s18] =	ssyncadd.s32 $0xFFFFFF00  }
0x5d: {  	[tilespmem:s20], [sflag:$0x1] =	stream.indirect.gather [hbm4b:s1+s19], $0x80, s4, s19, $0xb8;
	[tilespmem:$0x1FF00] =	vst v63  }
0x5e: {  	_ =	swait.ge [sflag:s30], $0x4000  }
0x5f: {  	[sflag:s30] =	ssyncset.done $0x0  }
0x60: {  	[sflag:s30] =	ssyncadd.s32 $0xFFFFC000  }
0x61: {  	[spmem:s2] =	stream.indirect.scatter.add.f32 [tilespmem:s23], [sflag:$0x6], $0x80, s31, s19, $0xb8;
	[tilespmem:$0x1FF00] =	vst v63  }
0x62: {  	_ =	swait.ge [sflag:s0], $0x4000  }
0x63: {  	s8 =	sadd.s32 $0xFFFFF6A0, s17;
	[sflag:s0] =	ssyncset.done $0x0  }
0x64: {  	s9 =	sadd.s32 $0x9E0, s8;
	[sflag:s0] =	ssyncadd.s32 $0xFFFFC000  }
0x65: {  	[tilespmem:s21], [sflag:$0x7] =	stream.linear.gather [hbm4b:s9+s4], $0x100, $0x38;
	[tilespmem:$0x1FF00] =	vst v63  }
0x66: {  	_ =	swait.ge [sflag:s18], $0x100  }
0x67: {  	[sflag:s18] =	ssyncset.done $0x0  }
0x68: {  	[sflag:s18] =	ssyncadd.s32 $0xFFFFFF00  }
0x69: {  	[tilespmem:s22], [sflag:$0x2] =	stream.indirect.gather [hbm4b:s1+s19], $0x80, s21, s19, $0xb8;
	[tilespmem:$0x1FF00] =	vst v63  }
0x6a: {  	_ =	swait.ge [sflag:s24], $0x4000  }
0x6b: {  	[sflag:s24] =	ssyncset.done $0x0  }
0x6c: {  	[sflag:s24] =	ssyncadd.s32 $0xFFFFC000  }
0x6d: {  	[spmem:s2] =	stream.indirect.scatter.add.f32 [tilespmem:s20], [sflag:$0x4], $0x80, s19, s19, $0xb8;
	[tilespmem:$0x1FF00] =	vst v63  }
0x6e: {  	_ =	swait.ge [sflag:s3], $0x4000  }
0x6f: {  	[sflag:s3] =	ssyncset.done $0x0  }
0x70: {  	s10 =	sadd.s32 $0xA00, s8;
	[sflag:s3] =	ssyncadd.s32 $0xFFFFC000  }
0x71: {  	[tilespmem:s25], [sflag:$0x7] =	stream.linear.gather [hbm4b:s10+s4], $0x100, $0x38;
	[tilespmem:$0x1FF00] =	vst v63  }
0x72: {  	_ =	swait.ge [sflag:s18], $0x100  }
0x73: {  	[sflag:s18] =	ssyncset.done $0x0  }
0x74: {  	[sflag:s18] =	ssyncadd.s32 $0xFFFFFF00  }
0x75: {  	[tilespmem:s23], [sflag:$0x3] =	stream.indirect.gather [hbm4b:s1+s19], $0x80, s25, s19, $0xb8;
	[tilespmem:$0x1FF00] =	vst v63  }
0x76: {  	_ =	swait.ge [sflag:s26], $0x4000  }
0x77: {  	[sflag:s26] =	ssyncset.done $0x0  }
0x78: {  	[sflag:s26] =	ssyncadd.s32 $0xFFFFC000  }
0x79: {  	[spmem:s2] =	stream.indirect.scatter.add.f32 [tilespmem:s22], [sflag:$0x5], $0x80, s28, s19, $0xb8;
	[tilespmem:$0x1FF00] =	vst v63  }
0x7a: {  	_ =	swait.ge [sflag:s29], $0x4000  }
0x7b: {  	[sflag:s29] =	ssyncset.done $0x0  }
0x7c: {  	s8 =	sadd.s32 $0xA20, s8;
	[sflag:s29] =	ssyncadd.s32 $0xFFFFC000  }
0x7d: {  	[tilespmem:s4], [sflag:$0x7] =	stream.linear.gather [hbm4b:s8+s4], $0x100, $0x38;
	[tilespmem:$0x1FF00] =	vst v63  }
0x7e: {  	_ =	swait.ge [sflag:s18], $0x100  }
0x7f: {  	[sflag:s18] =	ssyncset.done $0x0  }
0x80: {  	s8 =	simm.s32 $0xFFFFF700;
	[sflag:s18] =	ssyncadd.s32 $0xFFFFFF00  }
.LBB2_4:
0x81: {  	[tilespmem:s20], [sflag:$0x1] =	stream.indirect.gather [hbm4b:s1+s19], $0x80, s4, s19, $0xb8;
	[tilespmem:$0x1FF00] =	vst v63  }
0x82: {  	s9 =	smov.u32 s8  }
0x83: {  	p0 =	sne.s32 s8, $0xFFFFFFA0;
	s8 =	sadd.s32 $0x60, s8;
	_ =	swait.ge [sflag:s30], $0x4000  }
0x84: {  	[sflag:s30] =	ssyncset.done $0x0  }
0x85: {  	[sflag:s30] =	ssyncadd.s32 $0xFFFFC000  }
0x86: {  	[spmem:s2] =	stream.indirect.scatter.add.f32 [tilespmem:s23], [sflag:$0x6], $0x80, s31, s19, $0xb8;
	[tilespmem:$0x1FF00] =	vst v63  }
0x87: {  	_ =	swait.ge [sflag:s0], $0x4000  }
0x88: {  	s9 =	sadd.s32 s9, s17;
	[sflag:s0] =	ssyncset.done $0x0  }
0x89: {  	s10 =	sadd.s32 $0x9E0, s9;
	[sflag:s0] =	ssyncadd.s32 $0xFFFFC000  }
0x8a: {  	[tilespmem:s21], [sflag:$0x7] =	stream.linear.gather [hbm4b:s10+s4], $0x100, $0x38;
	[tilespmem:$0x1FF00] =	vst v63  }
0x8b: {  	_ =	swait.ge [sflag:s18], $0x100  }
0x8c: {  	[sflag:s18] =	ssyncset.done $0x0  }
0x8d: {  	[sflag:s18] =	ssyncadd.s32 $0xFFFFFF00  }
0x8e: {  	[tilespmem:s22], [sflag:$0x2] =	stream.indirect.gather [hbm4b:s1+s19], $0x80, s21, s19, $0xb8;
	[tilespmem:$0x1FF00] =	vst v63  }
0x8f: {  	_ =	swait.ge [sflag:s24], $0x4000  }
0x90: {  	[sflag:s24] =	ssyncset.done $0x0  }
0x91: {  	[sflag:s24] =	ssyncadd.s32 $0xFFFFC000  }
0x92: {  	[spmem:s2] =	stream.indirect.scatter.add.f32 [tilespmem:s20], [sflag:$0x4], $0x80, s19, s19, $0xb8;
	[tilespmem:$0x1FF00] =	vst v63  }
0x93: {  	_ =	swait.ge [sflag:s3], $0x4000  }
0x94: {  	[sflag:s3] =	ssyncset.done $0x0  }
0x95: {  	s10 =	sadd.s32 $0xA00, s9;
	[sflag:s3] =	ssyncadd.s32 $0xFFFFC000  }
0x96: {  	[tilespmem:s25], [sflag:$0x7] =	stream.linear.gather [hbm4b:s10+s4], $0x100, $0x38;
	[tilespmem:$0x1FF00] =	vst v63  }
0x97: {  	_ =	swait.ge [sflag:s18], $0x100  }
0x98: {  	[sflag:s18] =	ssyncset.done $0x0  }
0x99: {  	[sflag:s18] =	ssyncadd.s32 $0xFFFFFF00  }
0x9a: {  	[tilespmem:s23], [sflag:$0x3] =	stream.indirect.gather [hbm4b:s1+s19], $0x80, s25, s19, $0xb8;
	[tilespmem:$0x1FF00] =	vst v63  }
0x9b: {  	_ =	swait.ge [sflag:s26], $0x4000  }
0x9c: {  	[sflag:s26] =	ssyncset.done $0x0  }
0x9d: {  	[sflag:s26] =	ssyncadd.s32 $0xFFFFC000  }
0x9e: {  	[spmem:s2] =	stream.indirect.scatter.add.f32 [tilespmem:s22], [sflag:$0x5], $0x80, s28, s19, $0xb8;
	[tilespmem:$0x1FF00] =	vst v63  }
0x9f: {  	_ =	swait.ge [sflag:s29], $0x4000  }
0xa0: {  	[sflag:s29] =	ssyncset.done $0x0  }
.Ltmp1:
0xa1: {  	s9 =	sadd.s32 $0xA20, s9;
	[sflag:s29] =	ssyncadd.s32 $0xFFFFC000;
	(pc) =	sbr.rel @p0 .LBB2_4-.Ltmp1, $4  }
0xa2: {  	[tilespmem:s4], [sflag:$0x7] =	stream.linear.gather [hbm4b:s9+s4], $0x100, $0x38;
	[tilespmem:$0x1FF00] =	vst v63  }
0xa3: {  	_ =	swait.ge [sflag:s18], $0x100  }
0xa4: {  	[sflag:s18] =	ssyncset.done $0x0  }
0xa5: {  	[sflag:s18] =	ssyncadd.s32 $0xFFFFFF00  }
0xa6: {  	[tilespmem:s20], [sflag:$0x1] =	stream.indirect.gather [hbm4b:s1+s19], $0x80, s4, s19, $0xb8;
	[tilespmem:$0x1FF00] =	vst v63  }
0xa7: {  	_ =	swait.ge [sflag:s30], $0x4000  }
0xa8: {  	[sflag:s30] =	ssyncset.done $0x0  }
0xa9: {  	[sflag:s30] =	ssyncadd.s32 $0xFFFFC000  }
0xaa: {  	[spmem:s2] =	stream.indirect.scatter.add.f32 [tilespmem:s23], [sflag:$0x6], $0x80, s31, s19, $0xb8;
	[tilespmem:$0x1FF00] =	vst v63  }
0xab: {  	_ =	swait.ge [sflag:s0], $0x4000  }
0xac: {  	[sflag:s0] =	ssyncset.done $0x0  }
0xad: {  	[sflag:s0] =	ssyncadd.s32 $0xFFFFC000  }
0xae: {  	[tilespmem:s21], [sflag:$0x7] =	stream.linear.gather [hbm4b:s14+s4], $0x100, $0x38;
	[tilespmem:$0x1FF00] =	vst v63  }
0xaf: {  	_ =	swait.ge [sflag:s18], $0x100  }
0xb0: {  	[sflag:s18] =	ssyncset.done $0x0  }
0xb1: {  	[sflag:s18] =	ssyncadd.s32 $0xFFFFFF00  }
0xb2: {  	[tilespmem:s22], [sflag:$0x2] =	stream.indirect.gather [hbm4b:s1+s19], $0x80, s21, s19, $0xb8;
	[tilespmem:$0x1FF00] =	vst v63  }
0xb3: {  	_ =	swait.ge [sflag:s24], $0x4000  }
0xb4: {  	[sflag:s24] =	ssyncset.done $0x0  }
0xb5: {  	[sflag:s24] =	ssyncadd.s32 $0xFFFFC000  }
0xb6: {  	[spmem:s2] =	stream.indirect.scatter.add.f32 [tilespmem:s20], [sflag:$0x4], $0x80, s19, s19, $0xb8;
	[tilespmem:$0x1FF00] =	vst v63  }
0xb7: {  	_ =	swait.ge [sflag:s26], $0x4000  }
0xb8: {  	[sflag:s26] =	ssyncset.done $0x0  }
0xb9: {  	[sflag:s26] =	ssyncadd.s32 $0xFFFFC000  }
0xba: {  	[spmem:s2] =	stream.indirect.scatter.add.f32 [tilespmem:s22], [sflag:$0x5], $0x80, s28, s19, $0xb8;
	[tilespmem:$0x1FF00] =	vst v63  }
0xbb: {  	_ =	swait.ge [sflag:s3], $0x4000  }
0xbc: {  	[sflag:s3] =	ssyncset.done $0x0  }
0xbd: {  	[sflag:s3] =	ssyncadd.s32 $0xFFFFC000  }
0xbe: {  	_ =	swait.ge [sflag:s29], $0x4000  }
0xbf: {  	[sflag:s29] =	ssyncset.done $0x0  }
0xc0: {  	[sflag:s29] =	ssyncadd.s32 $0xFFFFC000  }
0xc1: {  	s8 =	stileid.u32;
	_ =	swait.ge [sflag:s0], $0x4000  }
0xc2: {  	s9 =	sshrl.u32 s6, $0x3;
	s7 =	sadd.s32 $0x1, s7;
	[sflag:s0] =	ssyncset.done $0x0  }
0xc3: {  	s8 =	sshll.u32 s8, $0x6;
	p0 =	sne.s32 s7, s16;
	[sflag:s0] =	ssyncadd.s32 $0xFFFFC000  }
.Ltmp2:
0xc4: {  	s8 =	sor.u32 $0x1C07, s8;
	[bflag:$0x0] =	sbarrier.arrive $0xFFFF;
	(pc) =	sbr.rel @p0 .LBB2_1-.Ltmp2, $4  }
0xc5: {  	[hbm:s15], [sflag:s8] =	dma.local [spmem:s9], $0x2780  }
0xc6: {  	_ =	swait.ge [sflag:s18], $0x2780  }
0xc7: {  	[sflag:s18] =	ssyncset.done $0x0  }
0xc8: {  	[sflag:s18] =	ssyncadd.s32 $0xFFFFD880  }
0xc9: {  	_ =	sfence.sel $0x180000  }
0xca: {  	[bflag:$0x0] =	sbarrier.arrive $0xFFFF  }
0xcb: {  	_ =	strace $0x9000004D  }
0xcc: {  	s0 =	stileid.u32;
	[bflag:$0x2] =	sbarrier.arrive $0xFFFF  }
0xcd: {  	p0 =	sne.s32 s0, $0x0;
	s0 =	rddreg [dreg:$0x3]  }
0xce: {  	s0 =	sadd.s32 @!p0 $0x100000, s0  }
0xcf: {  	[sflag:s0] =	ssyncadd.tile.s32 @!p0 $0x1;
	_ =	shalt  }
.Lfunc_end2:
_tile_overlayer_lowered:
.L_overlay_start_2:
0xd0: {  	(tag) =	ssettag $0x2  }
0xd1: {  	s0 =	rddreg [dreg:$0x0];
	s2 =	stileid.u32  }
0xd2: {  	s1 =	rddreg [dreg:$0x1];
	p0 =	sne.s32 s2, $0x0  }
0xd3: {  	s3 =	rddreg [dreg:$0x2];
	[bflag:$0x3] =	sbarrier.arrive $0xFFFF;
	s2 =	simm.s32 @!p0 $0x1C07  }
0xd4: {  	[timem:s3], [sflag:s2] =	dma.local @!p0 [hbm:s0], s1  }
0xd5: {  	s0 =	simm.s32 @!p0 $0x7  }
0xd6: {  	_ =	swait.ge @!p0 [sflag:s0], s1  }
0xd7: {  	s1 =	ssub.s32 @!p0 $0x0, s1;
	[sflag:s0] =	ssyncset.done @!p0 $0x0  }
0xd8: {  	[sflag:s0] =	ssyncadd.s32 @!p0 s1  }
0xd9: {  	[bflag:$0x3] =	sbarrier.arrive $0xFFFF  }
0xda: {  	_ =	shalt  }

// kernel: kernel.8.cloned.1.call-start
scs
__scs_entry_jumppad:
0x0: {  	(pc) =	sbr.rel $0x88, $3  }
0x1: {  	(tag) =	ssettag $0x0;
	lr =	simm.s32 $0x1  }
0x2: {  	[smem:$0x3F9B] =	sst lr;
	_ =	strace $0xD0000000  }
0x3: {  	_ = 	snop  }
0x4: {  	_ = 	snop  }
0x5: {  	_ = 	snop  }
0x6: {  	_ = 	snop  }
0x7: {  	_ = 	snop  }
__scs_overlays_trampoline_lowered:
0x8: {  	[smem:$0x3FAA] =	sst s0  }
0x9: {  	[smem:$0x3FAB] =	sst s1  }
0xa: {  	[smem:$0x3FAC] =	sst s2  }
0xb: {  	[smem:$0x3FAD] =	sst s3  }
0xc: {  	[smem:$0x3FAE] =	sst s4  }
0xd: {  	[smem:$0x3FAF] =	sst s5  }
0xe: {  	[smem:$0x3FB0] =	sst s6  }
0xf: {  	[smem:$0x3FB1] =	sst s7  }
0x10: {  	[smem:$0x3FB2] =	sst s8  }
0x11: {  	[smem:$0x3FB3] =	sst s9;
	s0 =	simm.s32 @!p0 $0x0  }
0x12: {  	s1 =	sld [smem:$0x3F99];
	s0 =	simm.s32 @p0 $0x1  }
0x13: {  	[smem:$0x3FB4] =	sst s0;
	s0 =	simm.s32 @!p1 $0x0  }
0x14: {  	s2 =	sld [smem:$0x3F98];
	s0 =	simm.s32 @p1 $0x1  }
0x15: {  	[smem:$0x3FB5] =	sst s0;
	s0 =	simm.s32 @!p2 $0x0  }
0x16: {  	s3 =	sld [smem:$0x3FDB];
	s0 =	simm.s32 @p2 $0x1  }
0x17: {  	s4 =	simm.s32 $0x1BF5;
	[smem:$0x3FB7] =	sst s0  }
0x18: {  	s0 =	sld [smem:$0x3F9A];
	_ =	swait.ge [sflag:s4], $0x0  }
0x19: {  	s7 =	sld [smem:$0x3F9B]  }
0x1a: {  	s8 =	sadd.s32 $0xFFFFE003, lr  }
0x1b: {  	s9 =	sadd.s32 $0xFFFFFEF7, lr;
	s5 =	simm.s32 $0xFFFFFFFF;
	p2 =	slt.u32 s8, $0xFFFFF086  }
0x1c: {  	p1 =	slt.u32 s9, $0xF7A;
	s5 =	simm.s32 @!p2 $0x0  }
0x1d: {  	s5 =	simm.s32 @p1 $0x1;
	p0 =	seq.s32 s7, s2  }
0x1e: {  	s7 =	smul.u32 @!p0 $0xF7A, s2;
	p2 =	seq.s32 @!p0 s5, $0x0  }
0x1f: {  	s9 =	smul.u32 $0xF7A, s1;
	s8 =	simm.s32 @!p0 $0x1BF5;
	p2 =	por !p2, p0  }
0x20: {  	[sflag:s8] =	ssyncset.s32 @!p0 $0xFFFFF086;
	s6 =	sadd.s32 @!p0 s3, s7;
	s7 =	simm.s32 @!p0 $0x108  }
0x21: {  	s3 =	sadd.s32 s3, s9;
	s6 =	sadd.s32 @!p0 $0x88, s6;
	s7 =	simm.s32 @p2 $0x1082  }
0x22: {  	[simem:s7], [sflag:s8] =	dma.local @!p0 [hbm:s6], $0xF7A  }
0x23: {  	s9 =	sor.u32 $0xD0000000, s2;
	s6 =	simm.s32 $0x108;
	_ =	swait.ge @!p0 [sflag:s8], $0x0  }
0x24: {  	s3 =	sadd.s32 $0x88, s3;
	s6 =	simm.s32 @!p1 $0x1082;
	[sflag:s4] =	ssyncset.s32 $0xFFFFF086  }
0x25: {  	[simem:s6], [sflag:s4] =	dma.local [hbm:s3], $0xF7A  }
0x26: {  	[smem:$0x3F9B] =	sst s1;
	(tag) =	ssettag s2;
	_ =	strace s9  }
0x27: {  	s1 =	sld [smem:$0x3FAB]  }
0x28: {  	s2 =	sld [smem:$0x3FAC]  }
0x29: {  	s4 =	sld [smem:$0x3FAE]  }
0x2a: {  	p0 =	seq.s32 s5, $0x0;
	s5 =	sld [smem:$0x3FAF]  }
0x2b: {  	s6 =	sld [smem:$0x3FB0]  }
0x2c: {  	s7 =	sld [smem:$0x3FB1]  }
0x2d: {  	s3 =	simm.s32 $0x108;
	s8 =	sld [smem:$0x3FB2]  }
0x2e: {  	s3 =	simm.s32 @!p0 $0x1082;
	s9 =	sld [smem:$0x3FB3]  }
0x2f: {  	lr =	sadd.s32 s0, s3;
	s0 =	sld [smem:$0x3FAA]  }
0x30: {  	s3 =	sld [smem:$0x3FAD]  }
0x31: {  	[smem:$0x3FB6] =	sst s10  }
0x32: {  	s10 =	sld [smem:$0x3FB4];
	_ =	sdelay $0x3  }
0x33: {  	p0 =	seq.s32 s10, $0x1;
	s10 =	sld [smem:$0x3FB6];
	_ =	sdelay $0x3  }
0x34: {  	[smem:$0x3FB6] =	sst s10  }
0x35: {  	s10 =	sld [smem:$0x3FB5];
	_ =	sdelay $0x3  }
0x36: {  	p1 =	seq.s32 s10, $0x1;
	s10 =	sld [smem:$0x3FB6];
	_ =	sdelay $0x3  }
0x37: {  	[smem:$0x3FB6] =	sst s10  }
0x38: {  	s10 =	sld [smem:$0x3FB7]  }
0x39: {  	_ = 	snop;
	(pc) =	sbr.ind lr, $3  }
0x3a: {  	_ = 	snop  }
0x3b: {  	_ = 	snop  }
0x3c: {  	p2 =	seq.s32 s10, $0x1;
	s10 =	sld [smem:$0x3FB6]  }
0x3d: {  	_ =	shalt  }
0x3e: {  	_ =	shalt  }
0x3f: {  	_ =	shalt  }
0x40: {  	_ =	shalt  }
0x41: {  	_ =	shalt  }
0x42: {  	_ =	shalt  }
0x43: {  	_ =	shalt  }
0x44: {  	_ =	shalt  }
0x45: {  	_ =	shalt  }
0x46: {  	_ =	shalt  }
0x47: {  	_ =	shalt  }
0x48: {  	_ =	shalt  }
0x49: {  	_ =	shalt  }
0x4a: {  	_ =	shalt  }
0x4b: {  	_ =	shalt  }
0x4c: {  	_ =	shalt  }
0x4d: {  	_ =	shalt  }
0x4e: {  	_ =	shalt  }
0x4f: {  	_ =	shalt  }
0x50: {  	_ =	shalt  }
0x51: {  	_ =	shalt  }
0x52: {  	_ =	shalt  }
0x53: {  	_ =	shalt  }
0x54: {  	_ =	shalt  }
0x55: {  	_ =	shalt  }
0x56: {  	_ =	shalt  }
0x57: {  	_ =	shalt  }
0x58: {  	_ =	shalt  }
0x59: {  	_ =	shalt  }
0x5a: {  	_ =	shalt  }
0x5b: {  	_ =	shalt  }
0x5c: {  	_ =	shalt  }
0x5d: {  	_ =	shalt  }
0x5e: {  	_ =	shalt  }
0x5f: {  	_ =	shalt  }
0x60: {  	_ =	shalt  }
0x61: {  	_ =	shalt  }
0x62: {  	_ =	shalt  }
0x63: {  	_ =	shalt  }
0x64: {  	_ =	shalt  }
0x65: {  	_ =	shalt  }
0x66: {  	_ =	shalt  }
0x67: {  	_ =	shalt  }
0x68: {  	_ =	shalt  }
0x69: {  	_ =	shalt  }
0x6a: {  	_ =	shalt  }
0x6b: {  	_ =	shalt  }
0x6c: {  	_ =	shalt  }
0x6d: {  	_ =	shalt  }
0x6e: {  	_ =	shalt  }
0x6f: {  	_ =	shalt  }
0x70: {  	_ =	shalt  }
0x71: {  	_ =	shalt  }
0x72: {  	_ =	shalt  }
0x73: {  	_ =	shalt  }
0x74: {  	_ =	shalt  }
0x75: {  	_ =	shalt  }
0x76: {  	_ =	shalt  }
0x77: {  	_ =	shalt  }
0x78: {  	_ =	shalt  }
0x79: {  	_ =	shalt  }
0x7a: {  	_ =	shalt  }
0x7b: {  	_ =	shalt  }
0x7c: {  	_ =	shalt  }
0x7d: {  	_ =	shalt  }
0x7e: {  	_ =	shalt  }
0x7f: {  	_ =	shalt  }
0x80: {  	_ =	shalt  }
0x81: {  	_ =	shalt  }
0x82: {  	_ =	shalt  }
0x83: {  	_ =	shalt  }
0x84: {  	_ =	shalt  }
0x85: {  	_ =	shalt  }
0x86: {  	_ =	shalt  }
0x87: {  	_ =	shalt  }
.Lfunc_end0:
.L_simem_size_0:
called_computation_lowered:
.L_overlay_start_0:
0x88: {  	s2 =	sld [smem:$0x3FD9]  }
0x89: {  	s3 =	sld [smem:$0x3FFE];
	_ =	sdelay $0x1  }
0x8a: {  	s1 =	srdreg.scid  }
0x8b: {  	s0 =	sand.u32 $0x1, s1  }
0x8c: {  	s17 =	sshll.u32 s0, $0xA;
	s2 =	sadd.s32 s3, s2  }
0x8d: {  	s2 =	sadd.s32 s2, s17  }
0x8e: {  	[smem:$0x3FC2] =	sst s2  }
0x8f: {  	_ = 	snop  }
0x90: {  	s2 =	sld [smem:$0x3FD0];
	(tm) =	ssettm $0x1  }
0x91: {  	s18 =	sld [smem:$0x3FFB];
	_ =	sdelay $0x3  }
0x92: {  	_ =	strace s18  }
0x93: {  	s3 =	sld [smem:$0x3FFC];
	_ =	sdelay $0x3  }
0x94: {  	_ =	strace s3  }
0x95: {  	s3 =	sld [smem:$0x3FFD];
	_ =	sdelay $0x3  }
0x96: {  	_ =	strace s3  }
0x97: {  	_ =	strace $0x8FFFFFFF  }
0x98: {  	s19 =	sld [smem:$0x3FDB];
	_ =	sdelay $0x1  }
0x99: {  	s4 =	simm.s32 $_scs_section_size  }
0x9a: {  	s5 =	simm.s32 $_size__tile_overlayer_lowered;
	s6 =	simm.s32 $_tile_overlayer_lowered  }
0x9b: {  	s22 =	simm.s32 $0x1BFF;
	s21 =	sshll.u32 s6, $0x1;
	s3 =	sadd.s32 s4, s19  }
0x9c: {  	s7 =	simm.s32 $0x0;
	s20 =	sshll.u32 s5, $0x1;
	s5 =	sadd.s32 s21, s3  }
0x9d: {  	[timem:s7], [sflag:s22] =	dma.local [hbm:s5], s20  }
0x9e: {  	_ =	swait.ge [sflag:s22], s20  }
0x9f: {  	s4 =	ssub.s32 $0x0, s20;
	[sflag:s22] =	ssyncset.done $0x0  }
0xa0: {  	[sflag:s22] =	ssyncadd.s32 s4;
	_ =	sdelay $0x1  }
0xa1: {  	s23 =	simm.s32 $0x1B8B  }
0xa2: {  	_ =	swait.ge [sflag:s23], $0x1  }
0xa3: {  	[sflag:s23] =	ssyncset.done $0x0  }
0xa4: {  	s25 =	simm.s32 $0x1B8E;
	s24 =	sld [smem:$0x3FFE];
	[sflag:s23] =	ssyncadd.s32 $0xFFFFFFFF  }
0xa5: {  	s26 =	simm.s32 $execute0_lowered;
	[smem:$0x3FD2] =	sst s25  }
0xa6: {  	s5 =	sshll.u32 s26, $0x1;
	_ =	strace $0x80000046;
	[dreg:$0x1] =	wrdreg $0xFFFFFFFF  }
0xa7: {  	s28 =	simm.s32 $_size_execute0_lowered;
	s3 =	sadd.s32 s3, s5;
	[dreg:$0x0] =	wrdreg $0x0  }
0xa8: {  	s5 =	sshll.u32 s28, $0x1;
	[dreg:$0x2] =	wrdreg s3  }
0xa9: {  	[dreg:$0x3] =	wrdreg s5  }
0xaa: {  	[dreg:$0x4] =	wrdreg $0xC0  }
0xab: {  	_ =	task [dreg:s7], $0x5FFFF  }
0xac: {  	[dreg:$0x1] =	wrdreg $0xFFFFFFFF  }
0xad: {  	[dreg:$0x0] =	wrdreg $0x60  }
0xae: {  	[dreg:$0x2] =	wrdreg s24  }
0xaf: {  	[dreg:$0x3] =	wrdreg s2  }
0xb0: {  	[dreg:$0x4] =	wrdreg $0x9  }
0xb1: {  	_ =	task.clear_ibuf [dreg:s7], $0x5FFFF;
	_ =	strace $0x90000046  }
0xb2: {  	s29 =	simm.s32 $0x9;
	_ =	strace $0x80000048  }
0xb3: {  	_ =	swait.ge [sflag:s29], $0x1  }
0xb4: {  	[sflag:s29] =	ssyncadd.s32 $0xFFFFFFFF  }
0xb5: {  	_ =	strace $0x90000048  }
0xb6: {  	_ =	sfence  }
0xb7: {  	s30 =	sld [smem:$0x0];
	_ =	sdelay $0x2  }
0xb8: {  	s31 =	sshll.u32 s1, $0xD;
	s1 =	sshrl.u32 s1, $0x2  }
0xb9: {  	s3 =	sand.u32 $0x4000, s31;
	s1 =	sadd.s32 s1, s30  }
0xba: {  	s0 =	sor.u32 s3, s0;
	s1 =	sshll.u32 s1, $0x11  }
0xbb: {  	s0 =	sor.u32 s1, s0  }
0xbc: {  	s0 =	sadd.s32 $0x8F2B, s0  }
0xbd: {  	[sflag:s0] =	ssyncadd.remote.s32 $0x1  }
0xbe: {  	_ =	sfence.sel $0xFFFF  }
0xbf: {  	[dreg:$0x0] =	wrdreg $0xFFFFFFFF;
	(pc) =	sbr.abs _section_cstart, $3  }
0xc0: {  	[dreg:$0x1] =	wrdreg $0xFFFFFFFF  }
0xc1: {  	_ =	task.clear_ibuf [dreg:s7], $0x2FFFF;
	_ =	strace $0x9FFFFFFF  }
0xc2: {  	(tm) =	ssettm $0x7FFFFFFF  }
0xc3: {  	_ =	shalt  }
tec
execute0_lowered:
.L_overlay_start_1:
0x0: {  	(tag) =	ssettag $0x1  }
0x1: {  	s0 =	srdreg.scid  }
0x2: {  	s3 =	rddreg [dreg:$0x0];
	s1 =	stileid.u32;
	s4 =	sand.u32 $0x1, s0  }
0x3: {  	s5 =	rddreg [dreg:$0x1];
	s31 =	smul.u32 $0x50, s1;
	s6 =	sshll.u32 s4, $0x4  }
0x4: {  	s2 =	simm.s32 $0x0;
	s10 =	smul.u32 $0x500, s4;
	s6 =	sor.u32 s1, s6  }
0x5: {  	s11 =	simm.s32 $0x0;
	s0 =	rddreg [dreg:$0x2];
	s7 =	smul.u32 $0xA00, s6  }
0x6: {  	[smem:$0x7FF] =	sst s2;
	s30 =	ssub.s32 $0x2, s4;
	s8 =	smul.u32 $0x2710, s6  }
0x7: {  	_ =	strace $0x80000047;
	s9 =	sshrl.u32 s30, $0x1;
	s6 =	smul.u32 $0x4E2, s6  }
0x8: {  	s3 =	sadd.s32 s7, s3;
	s8 =	sshrl.u32 s8, $0x3;
	s7 =	ssub.s32 s30, s9  }
0x9: {  	s4 =	sadd.s32 s5, s6;
	s9 =	simm.s32 $0x5000;
	s8 =	sadd.s32 s5, s8  }
0xa: {  	s3 =	sadd.s32 $0x2400, s3;
	s6 =	smax.u32 s7, $0x1;
	s7 =	sadd.s32 s31, s10  }
0xb: {  	v0 =	vimm.f32 $0.0e+00;
	s10 =	simm.s32 $0x7780;
	s5 =	sadd.s32 $0x9C40, s8;
	s8 =	simm.s32 $0x1  }
.LBB2_1:
0xc: {  	[tilespmem:s2], [sflag:$0x1] =	stream.linear.gather [hbm4b:s3+s2], $0x5000, $0x38;
	[tilespmem:$0x9F00] =	vst v63  }
0xd: {  	_ =	swait.ge [sflag:s8], $0x5000  }
0xe: {  	[sflag:s8] =	ssyncset.done $0x0  }
0xf: {  	s12 =	simm.s32 $0x0;
	[sflag:s8] =	ssyncadd.s32 $0xFFFFB000  }
.LBB2_2:
0x10: {  	p0 =	sne.s32 s12, $0x9C00  }
.Ltmp0:
0x11: {  	_ = 	snop;
	(pc) =	sbr.rel @p0 .LBB2_2-.Ltmp0, $4  }
0x12: {  	_ = 	snop  }
0x13: {  	s13 =	sshra.s32 s12, $0x2  }
0x14: {  	[tilespmem:s13+$0x5000] =	vst v0  }
0x15: {  	s12 =	sadd.s32 $0x40, s12;
	[tilespmem:s13+$0x7780] =	vst v0  }
0x16: {  	s12 =	simm.s32 $0x0;
	s13 =	simm.s32 $0x80  }
.LBB2_4:
0x17: {  	s14 =	sadd.s32 s12, s7  }
0x18: {  	p0 =	sgt.u32 s14, $0x9C3  }
0x19: {  	v1 =	vld @!p0 [tilespmem:s13+$0xFFFFFF80]  }
0x1a: {  	v2 =	vld @!p0 [tilespmem:s13+$0x0];
	_ =	sdelay $0x5  }
0x1b: {  	v3 =	vimm.f32 @!p0 $1.000000000e+00;
	s14 =	simm.s32 @!p0 $0x5000  }
0x1c: {  	s15 =	simm.s32 @!p0 $0x7780;
	[tilespmem:v1+s14+$0x0] =	vst.idx.add.f32.msk @!p0 $0xffff, v3  }
0x1d: {  	[tilespmem:v2+s15+$0x0] =	vst.idx.add.f32.msk @!p0 $0xffff, v3  }
0x1e: {  	v1 =	vld @!p0 [tilespmem:s13+$0xFFFFFF90]  }
0x1f: {  	v2 =	vld @!p0 [tilespmem:s13+$0x10];
	_ =	sdelay $0x6  }
0x20: {  	[tilespmem:v1+s14+$0x0] =	vst.idx.add.f32.msk @!p0 $0xffff, v3  }
0x21: {  	[tilespmem:v2+s15+$0x0] =	vst.idx.add.f32.msk @!p0 $0xffff, v3  }
0x22: {  	v1 =	vld @!p0 [tilespmem:s13+$0xFFFFFFA0]  }
0x23: {  	v2 =	vld @!p0 [tilespmem:s13+$0x20];
	_ =	sdelay $0x6  }
0x24: {  	[tilespmem:v1+s14+$0x0] =	vst.idx.add.f32.msk @!p0 $0xffff, v3  }
0x25: {  	[tilespmem:v2+s15+$0x0] =	vst.idx.add.f32.msk @!p0 $0xffff, v3  }
0x26: {  	v1 =	vld @!p0 [tilespmem:s13+$0xFFFFFFB0]  }
0x27: {  	v2 =	vld @!p0 [tilespmem:s13+$0x30];
	_ =	sdelay $0x6  }
0x28: {  	[tilespmem:v1+s14+$0x0] =	vst.idx.add.f32.msk @!p0 $0xffff, v3  }
0x29: {  	[tilespmem:v2+s15+$0x0] =	vst.idx.add.f32.msk @!p0 $0xffff, v3  }
0x2a: {  	v1 =	vld @!p0 [tilespmem:s13+$0xFFFFFFC0]  }
0x2b: {  	v2 =	vld @!p0 [tilespmem:s13+$0x40];
	_ =	sdelay $0x6  }
0x2c: {  	[tilespmem:v1+s14+$0x0] =	vst.idx.add.f32.msk @!p0 $0xffff, v3  }
0x2d: {  	[tilespmem:v2+s15+$0x0] =	vst.idx.add.f32.msk @!p0 $0xffff, v3  }
0x2e: {  	v1 =	vld @!p0 [tilespmem:s13+$0xFFFFFFD0]  }
0x2f: {  	v2 =	vld @!p0 [tilespmem:s13+$0x50];
	_ =	sdelay $0x6  }
0x30: {  	[tilespmem:v1+s14+$0x0] =	vst.idx.add.f32.msk @!p0 $0xffff, v3  }
0x31: {  	[tilespmem:v2+s15+$0x0] =	vst.idx.add.f32.msk @!p0 $0xffff, v3  }
0x32: {  	v1 =	vld @!p0 [tilespmem:s13+$0xFFFFFFE0]  }
0x33: {  	v2 =	vld @!p0 [tilespmem:s13+$0x60];
	_ =	sdelay $0x6  }
0x34: {  	[tilespmem:v1+s14+$0x0] =	vst.idx.add.f32.msk @!p0 $0xffff, v3  }
0x35: {  	[tilespmem:v2+s15+$0x0] =	vst.idx.add.f32.msk @!p0 $0xffff, v3  }
0x36: {  	v1 =	vld @!p0 [tilespmem:s13+$0xFFFFFFF0]  }
0x37: {  	v2 =	vld @!p0 [tilespmem:s13+$0x70];
	_ =	sdelay $0x1  }
0x38: {  	s12 =	sadd.s32 $0x1, s12  }
0x39: {  	p1 =	sne.s32 s12, $0x50  }
.Ltmp1:
0x3a: {  	_ = 	snop;
	(pc) =	sbr.rel @p1 .LBB2_4-.Ltmp1, $3  }
0x3b: {  	_ =	sdelay $0x1  }
0x3c: {  	[tilespmem:v1+s14+$0x0] =	vst.idx.add.f32.msk @!p0 $0xffff, v3  }
0x3d: {  	s13 =	sadd.s32 $0x100, s13;
	[tilespmem:v2+s15+$0x0] =	vst.idx.add.f32.msk @!p0 $0xffff, v3  }
0x3e: {  	[hbm4b:s4+s2] =	stream.linear.scatter [tilespmem:s9], [sflag:$0x1], $0x2710, $0x38;
	[tilespmem:$0x9F00] =	vst v63  }
0x3f: {  	s11 =	sadd.s32 $0x1, s11;
	_ =	swait.ge [sflag:s8], $0x2710  }
0x40: {  	p0 =	sne.s32 s11, s6;
	[sflag:s8] =	ssyncset.done $0x0  }
.Ltmp2:
0x41: {  	[sflag:s8] =	ssyncadd.s32 $0xFFFFD8F0;
	(pc) =	sbr.rel @p0 .LBB2_1-.Ltmp2, $4  }
0x42: {  	[hbm4b:s5+s2] =	stream.linear.scatter [tilespmem:s10], [sflag:$0x1], $0x2710, $0x38;
	[tilespmem:$0x9F00] =	vst v63  }
0x43: {  	_ =	swait.ge [sflag:s8], $0x2710  }
0x44: {  	[sflag:s8] =	ssyncset.done $0x0  }
0x45: {  	[sflag:s8] =	ssyncadd.s32 $0xFFFFD8F0  }
0x46: {  	_ =	sfence.sel $0x180000  }
0x47: {  	[bflag:$0x0] =	sbarrier.arrive $0xFFFF  }
0x48: {  	p0 =	sne.s32 s1, $0x0;
	_ =	strace $0x90000047  }
0x49: {  	s0 =	sadd.s32 @!p0 $0x100000, s0;
	[bflag:$0x2] =	sbarrier.arrive $0xFFFF  }
0x4a: {  	[sflag:s0] =	ssyncadd.tile.s32 @!p0 $0x1;
	_ =	shalt  }
.Lfunc_end2:
_tile_overlayer_lowered:
.L_overlay_start_2:
0x4b: {  	(tag) =	ssettag $0x2  }
0x4c: {  	s0 =	rddreg [dreg:$0x0];
	s2 =	stileid.u32  }
0x4d: {  	s1 =	rddreg [dreg:$0x1];
	p0 =	sne.s32 s2, $0x0  }
0x4e: {  	s3 =	rddreg [dreg:$0x2];
	[bflag:$0x3] =	sbarrier.arrive $0xFFFF;
	s2 =	simm.s32 @!p0 $0x1C01  }
0x4f: {  	[timem:s3], [sflag:s2] =	dma.local @!p0 [hbm:s0], s1  }
0x50: {  	s0 =	simm.s32 @!p0 $0x1  }
0x51: {  	_ =	swait.ge @!p0 [sflag:s0], s1  }
0x52: {  	s1 =	ssub.s32 @!p0 $0x0, s1;
	[sflag:s0] =	ssyncset.done @!p0 $0x0  }
0x53: {  	[sflag:s0] =	ssyncadd.s32 @!p0 s1  }
0x54: {  	[bflag:$0x3] =	sbarrier.arrive $0xFFFF  }
0x55: {  	_ =	shalt  }

</sc_bundles>
